<compile_context>
chip_gen: v7x
topology: tpu7x:2x2x1
jax: 0.10.2.dev20260603
libtpu: 0.0.44.dev20260713+nightly
codegen_flags: <defaults>
</compile_context>

<pallas_src>
import functools

import jax
import jax.numpy as jnp
from jax import lax
from jax.experimental import pallas as pl
from jax.experimental.pallas import tpu as pltpu
from jax.experimental.pallas import tpu_sc as plsc

N = 10000
E2 = 320000
L = 128
EB = 512
EPAD = 401408
NBLK = EPAD // EB
W = 72
NPAD = 10112
NB = 128
NNBLK = NPAD // NB
STEPS = 15


def _ln_rows(y):
    mu = jnp.mean(y, axis=-1, keepdims=True)
    var = jnp.mean((y - mu) * (y - mu), axis=-1, keepdims=True)
    return (y - mu) * lax.rsqrt(var + 1e-5)



NBUF = 4


def _sc_gather(table, idx):
    B = idx.shape[0]
    D = table.shape[1]
    info = plsc.get_sparse_core_info()
    nc, ns = info.num_cores, info.num_subcores
    nw = nc * ns
    bpw = B // nw
    ch = 128
    nch = bpw // ch
    idx3 = idx.reshape(nw, nch, ch)
    mesh = plsc.VectorSubcoreMesh(core_axis_name="c", subcore_axis_name="s")

    @functools.partial(
        pl.kernel,
        mesh=mesh,
        out_type=jax.ShapeDtypeStruct((B, D), jnp.float32),
        scratch_types=[
            pltpu.VMEM_SHARED((table.shape[0], D), jnp.float32),
            pltpu.VMEM((ch,), jnp.int32),
            pltpu.VMEM((ch,), jnp.int32),
            pltpu.VMEM((ch, D), jnp.float32),
            pltpu.VMEM((ch, D), jnp.float32),
            pltpu.SemaphoreType.DMA,
            pltpu.SemaphoreType.DMA,
            pltpu.SemaphoreType.DMA,
            pltpu.SemaphoreType.DMA,
            pltpu.SemaphoreType.DMA,
            pltpu.SemaphoreType.DMA,
        ],
    )
    def k(table_hbm, idx_hbm, out_hbm, table_sh, i0, i1, r0, r1,
          gi0, gi1, g0, g1, o0, o1):
        wid = lax.axis_index("s") * nc + lax.axis_index("c")
        base = wid * bpw
        idxs = (i0, i1)
        rows = (r0, r1)
        gi = (gi0, gi1)
        g = (g0, g1)
        o = (o0, o1)

        @pl.when(lax.axis_index("s") == 0)
        def _():
            pltpu.sync_copy(table_hbm, table_sh)
        plsc.subcore_barrier()

        def start_idx(j, b):
            pltpu.async_copy(idx_hbm.at[wid, j], idxs[b], gi[b])

        def wait_idx(b):
            pltpu.make_async_copy(idx_hbm.at[wid, 0], idxs[b], gi[b]).wait()

        def start_gather(b):
            pltpu.async_copy(table_sh.at[idxs[b]], rows[b], g[b])

        def wait_gather(b):
            pltpu.make_async_copy(table_hbm.at[i0], rows[b], g[b]).wait()

        def start_out(j, b):
            pltpu.async_copy(rows[b], out_hbm.at[pl.ds(base + j * ch, ch)],
                             o[b])

        def wait_out(b):
            pltpu.make_async_copy(table_hbm.at[i0], rows[b], o[b]).wait()

        start_idx(0, 0)
        start_idx(1, 1)

        def chunk(j, b):
            wait_idx(b)

            @pl.when(j >= 2)
            def _():
                wait_out(b)

            start_gather(b)
            wait_gather(b)
            start_out(j, b)

            @pl.when(j + 2 < nch)
            def _():
                start_idx(j + 2, b)

        def body(i, _):
            for b in (0, 1):
                chunk(i * 2 + b, b)
            return 0

        lax.fori_loop(0, nch // 2, body, 0, unroll=False)
        pltpu.make_async_copy(table_hbm.at[i0], rows[0], o[0]).wait()
        pltpu.make_async_copy(table_hbm.at[i0], rows[1], o[1]).wait()

    return k(table, idx3)



def _backbone_body(x_ref, w_ref, b_ref, fcw_ref, fcb_ref, pw_ref, pb_ref,
                   iv_ref, acc_ref):
    c = pl.program_id(0)

    @pl.when(c == 0)
    def _():
        acc_ref[...] = jnp.zeros_like(acc_ref)

    h = jnp.maximum(jnp.dot(x_ref[...], w_ref[...]) + b_ref[...], 0.0)
    acc_ref[...] += jnp.dot(jnp.ones((8, x_ref.shape[0]), jnp.float32), h)

    @pl.when(c == pl.num_programs(0) - 1)
    def _():
        m = acc_ref[...] * (1.0 / 3136.0)
        hh = jnp.maximum(jnp.dot(m, fcw_ref[...]) + fcb_ref[...], 0.0)
        iv_ref[...] = jnp.dot(hh, pw_ref[...]) + pb_ref[...]


def _node_enc_body(mp_ref, w1_ref, b1_ref, w2_ref, b2_ref, iv_ref,
                   ws_ref, wr_ref, x_ref, xs_ref, xr_ref):
    t = jnp.maximum(jnp.dot(mp_ref[...], w1_ref[...]) + b1_ref[...], 0.0)
    y = jnp.dot(t, w2_ref[...]) + b2_ref[...]
    x = _ln_rows(y) + iv_ref[0:1, :]
    x_ref[...] = x
    xs_ref[...] = jnp.dot(x, ws_ref[...])
    xr_ref[...] = jnp.dot(x, wr_ref[...])


def _edge_enc_body(wstart_ref, ms_ref, r_ref, mp_ref, w1_ref, b1_ref,
                   w2_ref, b2_ref, e0_ref):
    c = pl.program_id(0)
    ws = wstart_ref[c]
    r_loc = r_ref[...] - ws
    oh = (r_loc == lax.broadcasted_iota(jnp.int32, (EB, W), 1))
    mr = jnp.dot(oh.astype(jnp.float32), mp_ref[pl.ds(ws, W), :])
    d = ms_ref[:, 0:16] - mr
    nrm = jnp.sqrt(jnp.sum(d * d, axis=-1, keepdims=True))
    col3 = (lax.broadcasted_iota(jnp.int32, (EB, 16), 1) == 3)
    ef = d + jnp.where(col3, nrm, 0.0)
    t = jnp.maximum(jnp.dot(ef, w1_ref[...]) + b1_ref[...], 0.0)
    y = jnp.dot(t, w2_ref[...]) + b2_ref[...]
    e0_ref[...] = _ln_rows(y)


def _edge_step_body(wstart_ref, e_ref, gs_ref, r_ref, m_ref, xr_ref,
                    we_ref, w2_ref, b1_ref, b2_ref, aw_ref,
                    enew_ref, num_ref, den_ref):
    c = pl.program_id(0)

    @pl.when(c == 0)
    def _():
        num_ref[...] = jnp.zeros_like(num_ref)
        den_ref[...] = jnp.zeros_like(den_ref)

    ws = wstart_ref[c]
    e = e_ref[...]
    r_loc = r_ref[...] - ws
    mask = m_ref[...]
    oh = (r_loc == lax.broadcasted_iota(jnp.int32, (EB, W), 1))
    oh = oh.astype(jnp.float32)
    xr_win = xr_ref[pl.ds(ws, W), :]
    gr = jnp.dot(oh, xr_win)
    t = jnp.maximum(jnp.dot(e, we_ref[...]) + gs_ref[...] + gr + b1_ref[...],
                    0.0)
    y = jnp.dot(t, w2_ref[...]) + b2_ref[...]
    e_new = _ln_rows(y) + e
    enew_ref[...] = e_new
    l = jnp.sum(e_new * aw_ref[...], axis=-1, keepdims=True)
    l = jnp.where(l >= 0, l, 0.2 * l)
    u = jnp.where(mask > 0.5, jnp.exp(l), 0.0)
    w = e_new * u
    dn = (((0,), (0,)), ((), ()))
    pnum = lax.dot_general(oh, w, dn)
    pden = lax.dot_general(oh, jnp.broadcast_to(u, (EB, 8)), dn)
    num_ref[pl.ds(ws, W), :] += pnum
    den_ref[pl.ds(ws, W), :] += pden


def _node_step_body(num_ref, den_ref, x_ref, wx_ref, wa_ref, b1_ref,
                    w2_ref, b2_ref, ws_ref, wr_ref,
                    xn_ref, xs_ref, xr_ref):
    agg = num_ref[...] / jnp.maximum(den_ref[:, 0:1], 1e-20)
    x = x_ref[...]
    t = jnp.maximum(jnp.dot(x, wx_ref[...]) + jnp.dot(agg, wa_ref[...])
                    + b1_ref[...], 0.0)
    y = jnp.dot(t, w2_ref[...]) + b2_ref[...]
    x_new = _ln_rows(y) + x
    xn_ref[...] = x_new
    xs_ref[...] = jnp.dot(x_new, ws_ref[...])
    xr_ref[...] = jnp.dot(x_new, wr_ref[...])


def _dec_body(x_ref, w1_ref, b1_ref, w2_ref, b2_ref, o_ref):
    t = jnp.maximum(jnp.dot(x_ref[...], w1_ref[...]) + b1_ref[...], 0.0)
    o_ref[...] = jnp.dot(t, w2_ref[...]) + b2_ref[...]


def _const2(shape):
    return pl.BlockSpec(shape, lambda *_: (0, 0))


def _rowblk(bs, nl):
    return pl.BlockSpec((bs, nl), lambda c, *_: (c, 0))



def kernel(batch, mesh_pos, edge_idx, params):
    p = params
    f32 = jnp.float32

    senders = jnp.concatenate([edge_idx[:, 0], edge_idx[:, 1]], axis=0)
    receivers = jnp.concatenate([edge_idx[:, 1], edge_idx[:, 0]], axis=0)
    order = jnp.argsort(receivers)
    r_s = receivers[order].astype(jnp.int32)
    s_s = senders[order].astype(jnp.int32)
    deg = jnp.zeros((N,), jnp.int32).at[receivers].add(1)
    start = jnp.cumsum(deg) - deg
    pd = jnp.maximum(8, ((deg + 7) // 8) * 8)
    cum = jnp.cumsum(pd)
    slot0 = cum - pd
    pos = jnp.arange(E2, dtype=jnp.int32) + (slot0 - start)[r_s]
    r_pad = jax.lax.cummax(
        jnp.zeros((EPAD,), jnp.int32).at[slot0].set(
            jnp.arange(N, dtype=jnp.int32)))
    sm = jnp.zeros((EPAD,), jnp.int32).at[pos].set(s_s + 1)
    s_pad = jnp.maximum(sm - 1, 0)
    maskf = (sm > 0).astype(f32)
    wstart = ((r_pad[::EB] // 8) * 8).astype(jnp.int32)
    r_col = r_pad.reshape(EPAD, 1)
    m_col = maskf.reshape(EPAD, 1)

    we = p['mp_e_w1'][0:L]
    wsnd = p['mp_e_w1'][L:2 * L]
    wrcv = p['mp_e_w1'][2 * L:3 * L]
    wnx = p['mp_n_w1'][0:L]
    wna = p['mp_n_w1'][L:2 * L]
    b1e = p['mp_e_b1'].reshape(1, L)
    b2e = p['mp_e_b2'].reshape(1, L)
    b1n = p['mp_n_b1'].reshape(1, L)
    b2n = p['mp_n_b2'].reshape(1, L)
    aw = p['att_w'].reshape(1, L)
    enw1 = jnp.zeros((16, L), f32).at[0:3].set(p['enc_n_w1'])
    enb1 = p['enc_n_b1'].reshape(1, L)
    enw2 = p['enc_n_w2']
    enb2 = p['enc_n_b2'].reshape(1, L)
    eew1 = jnp.zeros((16, L), f32).at[0:4].set(p['enc_e_w1'])
    eeb1 = p['enc_e_b1'].reshape(1, L)
    eew2 = p['enc_e_w2']
    eeb2 = p['enc_e_b2'].reshape(1, L)
    dw1 = p['dec_w1']
    db1 = p['dec_b1'].reshape(1, L)
    dw2 = jnp.zeros((L, L), f32).at[:, 0:3].set(p['dec_w2'])
    db2 = jnp.zeros((1, L), f32).at[0, 0:3].set(p['dec_b2'])

    xpad = jnp.pad(batch, ((0, 0), (0, 0), (1, 2), (1, 2)))
    cols = []
    for ky in range(7):
        for kx in range(7):
            cols.append(xpad[0, :, ky:ky + 221:4, kx:kx + 221:4]
                        .reshape(3, 3136))
    X = jnp.concatenate(cols, axis=0)
    Wc = jnp.transpose(p['conv_w'], (2, 3, 1, 0)).reshape(147, 64)
    Xp = jnp.zeros((3136, 160), f32).at[:, 0:147].set(X.T)
    Wp = jnp.zeros((160, 64), f32).at[0:147].set(Wc)
    cb = p['conv_b'].reshape(1, 64)
    fcw = p['fc_w']
    fcb = p['fc_b'].reshape(1, 512)
    pw = p['img_proj_w']
    pb = p['img_proj_b'].reshape(1, L)

    iv = pl.pallas_call(
        _backbone_body,
        grid=(7,),
        in_specs=[
            pl.BlockSpec((448, 160), lambda c: (c, 0)),
            _const2((160, 64)), _const2((1, 64)),
            _const2((64, 512)), _const2((1, 512)),
            _const2((512, L)), _const2((1, L)),
        ],
        out_specs=_const2((8, L)),
        out_shape=jax.ShapeDtypeStruct((8, L), f32),
        scratch_shapes=[pltpu.VMEM((8, 64), f32)],
    )(Xp, Wp, cb, fcw, fcb, pw, pb)

    mp16 = jnp.zeros((NPAD, 16), f32).at[0:N, 0:3].set(mesh_pos)
    x0, xs0, xr0 = pl.pallas_call(
        _node_enc_body,
        grid=(NNBLK,),
        in_specs=[
            _rowblk(NB, 16),
            _const2((16, L)), _const2((1, L)), _const2((L, L)), _const2((1, L)),
            _const2((8, L)), _const2((L, L)), _const2((L, L)),
        ],
        out_specs=[_rowblk(NB, L)] * 3,
        out_shape=[jax.ShapeDtypeStruct((NPAD, L), f32)] * 3,
    )(mp16, enw1, enb1, enw2, enb2, iv, wsnd, wrcv)

    mp128 = jnp.zeros((NPAD, L), f32).at[0:N, 0:3].set(mesh_pos)
    mp_s = _sc_gather(mp128, s_pad)
    e0 = pl.pallas_call(
        _edge_enc_body,
        grid_spec=pltpu.PrefetchScalarGridSpec(
            num_scalar_prefetch=1,
            grid=(NBLK,),
            in_specs=[
                _rowblk(EB, L), _rowblk(EB, 1),
                _const2((NPAD, 16)),
                _const2((16, L)), _const2((1, L)), _const2((L, L)),
                _const2((1, L)),
            ],
            out_specs=_rowblk(EB, L),
        ),
        out_shape=jax.ShapeDtypeStruct((EPAD, L), f32),
    )(wstart, mp_s, r_col, mp16, eew1, eeb1, eew2, eeb2)

    edge_call = pl.pallas_call(
        _edge_step_body,
        grid_spec=pltpu.PrefetchScalarGridSpec(
            num_scalar_prefetch=1,
            grid=(NBLK,),
            in_specs=[
                _rowblk(EB, L), _rowblk(EB, L),
                _rowblk(EB, 1), _rowblk(EB, 1),
                _const2((NPAD, L)),
                _const2((L, L)), _const2((L, L)),
                _const2((1, L)), _const2((1, L)), _const2((1, L)),
            ],
            out_specs=[
                _rowblk(EB, L),
                _const2((NPAD, L)),
                _const2((NPAD, 8)),
            ],
        ),
        out_shape=[
            jax.ShapeDtypeStruct((EPAD, L), f32),
            jax.ShapeDtypeStruct((NPAD, L), f32),
            jax.ShapeDtypeStruct((NPAD, 8), f32),
        ],
        input_output_aliases={1: 0},
    )

    node_call = pl.pallas_call(
        _node_step_body,
        grid=(NNBLK,),
        in_specs=[
            _rowblk(NB, L), _rowblk(NB, 8), _rowblk(NB, L),
            _const2((L, L)), _const2((L, L)), _const2((1, L)),
            _const2((L, L)), _const2((1, L)),
            _const2((L, L)), _const2((L, L)),
        ],
        out_specs=[_rowblk(NB, L)] * 3,
        out_shape=[jax.ShapeDtypeStruct((NPAD, L), f32)] * 3,
        input_output_aliases={2: 0},
    )

    def step(carry, _):
        x, e, xs, xr = carry
        gs = _sc_gather(xs, s_pad)
        e_new, num, den = edge_call(wstart, e, gs, r_col, m_col, xr,
                                    we, p['mp_e_w2'], b1e, b2e, aw)
        x_new, xs2, xr2 = node_call(num, den, x, wnx, wna, b1n,
                                    p['mp_n_w2'], b2n, wsnd, wrcv)
        return (x_new, e_new, xs2, xr2), None

    (x, e, xs, xr), _ = lax.scan(step, (x0, e0, xs0, xr0), None, length=STEPS)

    pred = pl.pallas_call(
        _dec_body,
        grid=(NNBLK,),
        in_specs=[
            _rowblk(NB, L),
            _const2((L, L)), _const2((1, L)), _const2((L, L)), _const2((1, L)),
        ],
        out_specs=_rowblk(NB, L),
        out_shape=jax.ShapeDtypeStruct((NPAD, L), f32),
    )(x, dw1, db1, dw2, db2)

    return pred[0:N, 0:3]

# --- scband reference (transcript-rebuilt; emitter-appended) ---
"""Pipeline reference for scband-cloth-model-10548439679023 (READ-ONLY COPY).

The authoritative reference and input builder live on the scoring server;
editing this copy changes nothing except your own understanding.
"""

import jax, jax.numpy as jnp
import numpy as np

N_NODES = 10000
N_EDGES = 160000
LATENT = 128
STEPS = 15


def _dense(k, fan_in, fan_out):
    return jax.random.normal(k, (fan_in, fan_out), dtype=jnp.float32) / np.sqrt(fan_in)


def setup_inputs(seed: int = 0):
    key = jax.random.key(seed)
    ks = jax.random.split(key, 24)
    batch = jax.random.normal(ks[0], (1, 3, 224, 224), dtype=jnp.float32)
    mesh_pos = jax.random.normal(ks[1], (N_NODES, 3), dtype=jnp.float32)
    edge_idx = jax.random.randint(ks[2], (N_EDGES, 2), 0, N_NODES)
    params = {
        'conv_w': jax.random.normal(ks[3], (64, 3, 7, 7), dtype=jnp.float32) / np.sqrt(3 * 7 * 7),
        'conv_b': jnp.zeros((64,), jnp.float32),
        'fc_w': _dense(ks[4], 64, 512), 'fc_b': jnp.zeros((512,), jnp.float32),
        'img_proj_w': _dense(ks[5], 512, LATENT), 'img_proj_b': jnp.zeros((LATENT,), jnp.float32),
        'enc_n_w1': _dense(ks[6], 3, LATENT), 'enc_n_b1': jnp.zeros((LATENT,), jnp.float32),
        'enc_n_w2': _dense(ks[7], LATENT, LATENT), 'enc_n_b2': jnp.zeros((LATENT,), jnp.float32),
        'enc_e_w1': _dense(ks[8], 4, LATENT), 'enc_e_b1': jnp.zeros((LATENT,), jnp.float32),
        'enc_e_w2': _dense(ks[9], LATENT, LATENT), 'enc_e_b2': jnp.zeros((LATENT,), jnp.float32),
        'mp_e_w1': _dense(ks[10], 3 * LATENT, LATENT), 'mp_e_b1': jnp.zeros((LATENT,), jnp.float32),
        'mp_e_w2': _dense(ks[11], LATENT, LATENT), 'mp_e_b2': jnp.zeros((LATENT,), jnp.float32),
        'att_w': jax.random.normal(ks[12], (LATENT,), dtype=jnp.float32) / np.sqrt(LATENT),
        'mp_n_w1': _dense(ks[13], 2 * LATENT, LATENT), 'mp_n_b1': jnp.zeros((LATENT,), jnp.float32),
        'mp_n_w2': _dense(ks[14], LATENT, LATENT), 'mp_n_b2': jnp.zeros((LATENT,), jnp.float32),
        'dec_w1': _dense(ks[15], LATENT, LATENT), 'dec_b1': jnp.zeros((LATENT,), jnp.float32),
        'dec_w2': _dense(ks[16], LATENT, 3), 'dec_b2': jnp.zeros((3,), jnp.float32),
    }
    return {'batch': batch, 'mesh_pos': mesh_pos, 'edge_idx': edge_idx, 'params': params}


def _ln(x):
    m = jnp.mean(x, axis=-1, keepdims=True)
    v = jnp.var(x, axis=-1, keepdims=True)
    return (x - m) / jnp.sqrt(v + 1e-5)


def _mlp2(x, w1, b1, w2, b2):
    return jnp.dot(jax.nn.relu(jnp.dot(x, w1) + b1), w2) + b2


def _backbone(batch, p):
    h = jax.lax.conv_general_dilated(batch, p['conv_w'], (4, 4), 'SAME',
                                     dimension_numbers=('NCHW', 'OIHW', 'NCHW'))
    h = jax.nn.relu(h + p['conv_b'][None, :, None, None])
    h = jnp.mean(h, axis=(2, 3))
    return jax.nn.relu(jnp.dot(h, p['fc_w']) + p['fc_b'])


def _forward(batch, mesh_pos, params, senders, receivers):
    # template graph edge features: relative vector + norm
    rel = mesh_pos[senders] - mesh_pos[receivers]
    nrm = jnp.linalg.norm(rel, axis=-1, keepdims=True)
    efeat = jnp.concatenate([rel, nrm], axis=-1)
    img = _backbone(batch, params)  # [1, 512]
    x = _ln(_mlp2(mesh_pos, params['enc_n_w1'], params['enc_n_b1'], params['enc_n_w2'], params['enc_n_b2']))
    e = _ln(_mlp2(efeat, params['enc_e_w1'], params['enc_e_b1'], params['enc_e_w2'], params['enc_e_b2']))
    x = x + (jnp.dot(img, params['img_proj_w'])[0] + params['img_proj_b'])

    def step(carry, _):
        x, e = carry
        cat_e = jnp.concatenate([e, x[senders], x[receivers]], axis=-1)
        e_new = _ln(_mlp2(cat_e, params['mp_e_w1'], params['mp_e_b1'], params['mp_e_w2'], params['mp_e_b2'])) + e
        logits = jax.nn.leaky_relu(jnp.dot(e_new, params['att_w']), 0.2)
        seg_max = jax.ops.segment_max(logits, receivers, num_segments=N_NODES)
        unnorm = jnp.exp(logits - seg_max[receivers])
        denom = jax.ops.segment_sum(unnorm, receivers, num_segments=N_NODES)
        alpha = unnorm / (denom[receivers] + 1e-9)
        agg = jax.ops.segment_sum(alpha[:, None] * e_new, receivers, num_segments=N_NODES)
        x_new = _ln(_mlp2(jnp.concatenate([x, agg], axis=-1), params['mp_n_w1'], params['mp_n_b1'], params['mp_n_w2'], params['mp_n_b2'])) + x
        return (x_new, e_new), None

    (x, e), _ = jax.lax.scan(jax.checkpoint(step), (x, e), None, length=STEPS)
    pred = _mlp2(x, params['dec_w1'], params['dec_b1'], params['dec_w2'], params['dec_b2'])
    return pred


def reference(batch, mesh_pos, edge_idx, params):
    senders = jnp.concatenate([edge_idx[:, 0], edge_idx[:, 1]], axis=0)
    receivers = jnp.concatenate([edge_idx[:, 1], edge_idx[:, 0]], axis=0)
    return _forward(batch, mesh_pos, params, senders, receivers)

if __name__ == "__main__":
    import jax
    _d = setup_inputs()
    print(jax.jit(kernel)(*tuple(_d.values())))

</pallas_src>

<mosaic_0001>
#map = affine_map<(d0, d1) -> (0, 0)>
#map1 = affine_map<(d0, d1) -> (0, 0, 0)>
module attributes {stable_mosaic.version = 14 : i64} {
  func.func @k(%arg0: i32, %arg1: i32, %arg2: memref<10112x128xf32, #tpu.memory_space<hbm>>, %arg3: memref<32x98x128xi32, #tpu.memory_space<hbm>>, %arg4: memref<401408x128xf32, #tpu.memory_space<hbm>>, %arg5: memref<10112x128xf32, #tpu.memory_space<vmem_shared>>, %arg6: memref<128xi32, #tpu.memory_space<vmem>>, %arg7: memref<128xi32, #tpu.memory_space<vmem>>, %arg8: memref<128x128xf32, #tpu.memory_space<vmem>>, %arg9: memref<128x128xf32, #tpu.memory_space<vmem>>, %arg10: memref<!tpu.dma_semaphore, #tpu.memory_space<semaphore_mem>>, %arg11: memref<!tpu.dma_semaphore, #tpu.memory_space<semaphore_mem>>, %arg12: memref<!tpu.dma_semaphore, #tpu.memory_space<semaphore_mem>>, %arg13: memref<!tpu.dma_semaphore, #tpu.memory_space<semaphore_mem>>, %arg14: memref<!tpu.dma_semaphore, #tpu.memory_space<semaphore_mem>>, %arg15: memref<!tpu.dma_semaphore, #tpu.memory_space<semaphore_mem>>) attributes {dimension_semantics = [#tpu.dimension_semantics<core_parallel>, #tpu.dimension_semantics<subcore_parallel>], iteration_bounds = array<i64: 2, 16>, scalar_prefetch = 0 : i64, scratch_operands = 11 : i64, tpu.core_type = #tpu.core_type<sc_vector_subcore>, window_params = [{transform_indices = #map}, {transform_indices = #map1}, {transform_indices = #map}]} {
    %mul3A = arith.constant 2 : i32
    %mul3A_0 = arith.muli %arg1, %mul3A : i32
    %add3A = arith.addi %mul3A_0, %arg0 : i32
    %mul3A_1 = arith.constant 12544 : i32
    %mul3A_2 = arith.muli %add3A, %mul3A_1 : i32
    %eq3A = arith.constant 0 : i32
    %eq3A_3 = arith.cmpi eq, %arg1, %eq3A : i32
    %convert_element_type3A = arith.extui %eq3A_3 : i1 to i32
    %cond3A = arith.constant 0 : i32
    %cond3A_4 = arith.cmpi ne, %convert_element_type3A, %cond3A : i32
    scf.if %cond3A_4 {
      "tpu.region"() ({
        %run_scoped3A = tpu.sem_alloc : memref<!tpu.dma_semaphore, #tpu.memory_space<semaphore_mem>>
        tpu.enqueue_dma source(%arg2 : memref<10112x128xf32, #tpu.memory_space<hbm>>) target(%arg5 : memref<10112x128xf32, #tpu.memory_space<vmem_shared>>) target_semaphore(%run_scoped3A : memref<!tpu.dma_semaphore, #tpu.memory_space<semaphore_mem>>)
        tpu.wait_dma2 semaphore(%run_scoped3A : memref<!tpu.dma_semaphore, #tpu.memory_space<semaphore_mem>>) src(%arg2 : memref<10112x128xf32, #tpu.memory_space<hbm>>) dst(%arg5 : memref<10112x128xf32, #tpu.memory_space<vmem_shared>>)
        tpu.yield
      }) : () -> ()
    } else {
    }
    %barrier3A = arith.constant 0 : index
    tpu.barrier barrier_id(%barrier3A)
    %dma_start3A = arith.constant 0 : i32
    %dma_start3A_5 = arith.constant 0 : i32
    %dma_start3A_6 = tpu.memref_slice %arg3[%add3A, %dma_start3A, %dma_start3A_5] : memref<32x98x128xi32, #tpu.memory_space<hbm>> -> memref<1x1x128xi32, #tpu.memory_space<hbm>>
    %dma_start3A_7 = tpu.memref_squeeze %dma_start3A_6 : memref<1x1x128xi32, #tpu.memory_space<hbm>> -> memref<128xi32, #tpu.memory_space<hbm>>
    %dma_start3A_8 = arith.constant 0 : i32
    %dma_start3A_9 = tpu.memref_slice %arg3[%add3A, %dma_start3A, %dma_start3A_8] : memref<32x98x128xi32, #tpu.memory_space<hbm>> -> memref<1x1x128xi32, #tpu.memory_space<hbm>>
    %dma_start3A_10 = tpu.memref_squeeze %dma_start3A_9 : memref<1x1x128xi32, #tpu.memory_space<hbm>> -> memref<128xi32, #tpu.memory_space<hbm>>
    tpu.enqueue_dma source(%dma_start3A_10 : memref<128xi32, #tpu.memory_space<hbm>>) target(%arg6 : memref<128xi32, #tpu.memory_space<vmem>>) target_semaphore(%arg10 : memref<!tpu.dma_semaphore, #tpu.memory_space<semaphore_mem>>)
    %dma_start3A_11 = arith.constant 1 : i32
    %dma_start3A_12 = arith.constant 0 : i32
    %dma_start3A_13 = tpu.memref_slice %arg3[%add3A, %dma_start3A_11, %dma_start3A_12] : memref<32x98x128xi32, #tpu.memory_space<hbm>> -> memref<1x1x128xi32, #tpu.memory_space<hbm>>
    %dma_start3A_14 = tpu.memref_squeeze %dma_start3A_13 : memref<1x1x128xi32, #tpu.memory_space<hbm>> -> memref<128xi32, #tpu.memory_space<hbm>>
    %dma_start3A_15 = arith.constant 0 : i32
    %dma_start3A_16 = tpu.memref_slice %arg3[%add3A, %dma_start3A_11, %dma_start3A_15] : memref<32x98x128xi32, #tpu.memory_space<hbm>> -> memref<1x1x128xi32, #tpu.memory_space<hbm>>
    %dma_start3A_17 = tpu.memref_squeeze %dma_start3A_16 : memref<1x1x128xi32, #tpu.memory_space<hbm>> -> memref<128xi32, #tpu.memory_space<hbm>>
    tpu.enqueue_dma source(%dma_start3A_17 : memref<128xi32, #tpu.memory_space<hbm>>) target(%arg7 : memref<128xi32, #tpu.memory_space<vmem>>) target_semaphore(%arg11 : memref<!tpu.dma_semaphore, #tpu.memory_space<semaphore_mem>>)
    %scan3A = arith.constant 0 : i32
    %scan3A_18 = arith.constant 0 : i32
    %scan3A_19 = arith.constant 49 : i32
    %scan3A_20 = arith.addi %scan3A_18, %scan3A_19 : i32
    %scan3A_21 = arith.constant 1 : i32
    %scan3A_22 = scf.for %scan3A_29 = %scan3A_18 to %scan3A_20 step %scan3A_21 iter_args(%scan3A_30 = %scan3A) -> (i32)  : i32 {
      %mul3A_31 = arith.constant 2 : i32
      %mul3A_32 = arith.muli %scan3A_29, %mul3A_31 : i32
      %add3A_33 = arith.constant 0 : i32
      %add3A_34 = arith.addi %mul3A_32, %add3A_33 : i32
      %dma_wait3A_35 = arith.constant 0 : i32
      %dma_wait3A_36 = arith.constant 0 : i32
      %dma_wait3A_37 = tpu.memref_slice %arg3[%add3A, %dma_wait3A_35, %dma_wait3A_36] : memref<32x98x128xi32, #tpu.memory_space<hbm>> -> memref<1x1x128xi32, #tpu.memory_space<hbm>>
      %dma_wait3A_38 = tpu.memref_squeeze %dma_wait3A_37 : memref<1x1x128xi32, #tpu.memory_space<hbm>> -> memref<128xi32, #tpu.memory_space<hbm>>
      %dma_wait3A_39 = arith.constant 0 : i32
      %dma_wait3A_40 = tpu.memref_slice %arg3[%add3A, %dma_wait3A_35, %dma_wait3A_39] : memref<32x98x128xi32, #tpu.memory_space<hbm>> -> memref<1x1x128xi32, #tpu.memory_space<hbm>>
      %dma_wait3A_41 = tpu.memref_squeeze %dma_wait3A_40 : memref<1x1x128xi32, #tpu.memory_space<hbm>> -> memref<128xi32, #tpu.memory_space<hbm>>
      tpu.wait_dma2 semaphore(%arg10 : memref<!tpu.dma_semaphore, #tpu.memory_space<semaphore_mem>>) src(%dma_wait3A_41 : memref<128xi32, #tpu.memory_space<hbm>>) dst(%arg6 : memref<128xi32, #tpu.memory_space<vmem>>)
      %ge3A = arith.constant 2 : i32
      %ge3A_42 = arith.cmpi sge, %add3A_34, %ge3A : i32
      %convert_element_type3A_43 = arith.extui %ge3A_42 : i1 to i32
      %cond3A_44 = arith.constant 0 : i32
      %cond3A_45 = arith.cmpi ne, %convert_element_type3A_43, %cond3A_44 : i32
      scf.if %cond3A_45 {
        %dma_wait3A_102 = arith.constant 0 : i32
        %dma_wait3A_103 = arith.constant 0 : i32
        %dma_wait3A_104 = tpu.memref_slice %arg2[%dma_wait3A_102, %dma_wait3A_103] : memref<10112x128xf32, #tpu.memory_space<hbm>> -> memref<10112x128xf32, #tpu.memory_space<hbm>>
        tpu.wait_indirect_dma semaphore(%arg14 : memref<!tpu.dma_semaphore, #tpu.memory_space<semaphore_mem>>) src(%dma_wait3A_104 : memref<10112x128xf32, #tpu.memory_space<hbm>>) dst(%arg8 : memref<128x128xf32, #tpu.memory_space<vmem>>)
      } else {
      }
      %dma_start3A_46 = arith.constant 0 : i32
      %dma_start3A_47 = arith.constant 0 : i32
      %dma_start3A_48 = tpu.memref_slice %arg5[%dma_start3A_46, %dma_start3A_47] : memref<10112x128xf32, #tpu.memory_space<vmem_shared>> -> memref<10112x128xf32, #tpu.memory_space<vmem_shared>>
      tpu.enqueue_indirect_dma source(%dma_start3A_48 : memref<10112x128xf32, #tpu.memory_space<vmem_shared>>) target(%arg8 : memref<128x128xf32, #tpu.memory_space<vmem>>) offsets(%arg6 : memref<128xi32, #tpu.memory_space<vmem>>) semaphore(%arg12 : memref<!tpu.dma_semaphore, #tpu.memory_space<semaphore_mem>>)
      %dma_wait3A_49 = arith.constant 0 : i32
      %dma_wait3A_50 = arith.constant 0 : i32
      %dma_wait3A_51 = tpu.memref_slice %arg2[%dma_wait3A_49, %dma_wait3A_50] : memref<10112x128xf32, #tpu.memory_space<hbm>> -> memref<10112x128xf32, #tpu.memory_space<hbm>>
      tpu.wait_indirect_dma semaphore(%arg12 : memref<!tpu.dma_semaphore, #tpu.memory_space<semaphore_mem>>) src(%dma_wait3A_51 : memref<10112x128xf32, #tpu.memory_space<hbm>>) dst(%arg8 : memref<128x128xf32, #tpu.memory_space<vmem>>)
      %mul3A_52 = arith.constant 128 : i32
      %mul3A_53 = arith.muli %add3A_34, %mul3A_52 : i32
      %add3A_54 = arith.addi %mul3A_2, %mul3A_53 : i32
      %dma_start3A_55 = arith.constant 0 : i32
      %dma_start3A_56 = tpu.memref_slice %arg4[%add3A_54, %dma_start3A_55] : memref<401408x128xf32, #tpu.memory_space<hbm>> -> memref<128x128xf32, #tpu.memory_space<hbm>>
      %dma_start3A_57 = arith.constant 0 : i32
      %dma_start3A_58 = tpu.memref_slice %arg4[%add3A_54, %dma_start3A_57] : memref<401408x128xf32, #tpu.memory_space<hbm>> -> memref<128x128xf32, #tpu.memory_space<hbm>>
      tpu.enqueue_dma source(%arg8 : memref<128x128xf32, #tpu.memory_space<vmem>>) target(%dma_start3A_58 : memref<128x128xf32, #tpu.memory_space<hbm>>) target_semaphore(%arg14 : memref<!tpu.dma_semaphore, #tpu.memory_space<semaphore_mem>>)
      %add3A_59 = arith.constant 2 : i32
      %add3A_60 = arith.addi %add3A_34, %add3A_59 : i32
      %lt3A = arith.constant 98 : i32
      %lt3A_61 = arith.cmpi slt, %add3A_60, %lt3A : i32
      %convert_element_type3A_62 = arith.extui %lt3A_61 : i1 to i32
      %cond3A_63 = arith.constant 0 : i32
      %cond3A_64 = arith.cmpi ne, %convert_element_type3A_62, %cond3A_63 : i32
      scf.if %cond3A_64 {
        %add3A_102 = arith.constant 2 : i32
        %add3A_103 = arith.addi %add3A_34, %add3A_102 : i32
        %dma_start3A_104 = arith.constant 0 : i32
        %dma_start3A_105 = tpu.memref_slice %arg3[%add3A, %add3A_103, %dma_start3A_104] : memref<32x98x128xi32, #tpu.memory_space<hbm>> -> memref<1x1x128xi32, #tpu.memory_space<hbm>>
        %dma_start3A_106 = tpu.memref_squeeze %dma_start3A_105 : memref<1x1x128xi32, #tpu.memory_space<hbm>> -> memref<128xi32, #tpu.memory_space<hbm>>
        %dma_start3A_107 = arith.constant 0 : i32
        %dma_start3A_108 = tpu.memref_slice %arg3[%add3A, %add3A_103, %dma_start3A_107] : memref<32x98x128xi32, #tpu.memory_space<hbm>> -> memref<1x1x128xi32, #tpu.memory_space<hbm>>
        %dma_start3A_109 = tpu.memref_squeeze %dma_start3A_108 : memref<1x1x128xi32, #tpu.memory_space<hbm>> -> memref<128xi32, #tpu.memory_space<hbm>>
        tpu.enqueue_dma source(%dma_start3A_109 : memref<128xi32, #tpu.memory_space<hbm>>) target(%arg6 : memref<128xi32, #tpu.memory_space<vmem>>) target_semaphore(%arg10 : memref<!tpu.dma_semaphore, #tpu.memory_space<semaphore_mem>>)
      } else {
      }
      %mul3A_65 = arith.constant 2 : i32
      %mul3A_66 = arith.muli %scan3A_29, %mul3A_65 : i32
      %add3A_67 = arith.constant 1 : i32
      %add3A_68 = arith.addi %mul3A_66, %add3A_67 : i32
      %dma_wait3A_69 = arith.constant 0 : i32
      %dma_wait3A_70 = arith.constant 0 : i32
      %dma_wait3A_71 = tpu.memref_slice %arg3[%add3A, %dma_wait3A_69, %dma_wait3A_70] : memref<32x98x128xi32, #tpu.memory_space<hbm>> -> memref<1x1x128xi32, #tpu.memory_space<hbm>>
      %dma_wait3A_72 = tpu.memref_squeeze %dma_wait3A_71 : memref<1x1x128xi32, #tpu.memory_space<hbm>> -> memref<128xi32, #tpu.memory_space<hbm>>
      %dma_wait3A_73 = arith.constant 0 : i32
      %dma_wait3A_74 = tpu.memref_slice %arg3[%add3A, %dma_wait3A_69, %dma_wait3A_73] : memref<32x98x128xi32, #tpu.memory_space<hbm>> -> memref<1x1x128xi32, #tpu.memory_space<hbm>>
      %dma_wait3A_75 = tpu.memref_squeeze %dma_wait3A_74 : memref<1x1x128xi32, #tpu.memory_space<hbm>> -> memref<128xi32, #tpu.memory_space<hbm>>
      tpu.wait_dma2 semaphore(%arg11 : memref<!tpu.dma_semaphore, #tpu.memory_space<semaphore_mem>>) src(%dma_wait3A_75 : memref<128xi32, #tpu.memory_space<hbm>>) dst(%arg7 : memref<128xi32, #tpu.memory_space<vmem>>)
      %ge3A_76 = arith.constant 2 : i32
      %ge3A_77 = arith.cmpi sge, %add3A_68, %ge3A_76 : i32
      %convert_element_type3A_78 = arith.extui %ge3A_77 : i1 to i32
      %cond3A_79 = arith.constant 0 : i32
      %cond3A_80 = arith.cmpi ne, %convert_element_type3A_78, %cond3A_79 : i32
      scf.if %cond3A_80 {
        %dma_wait3A_102 = arith.constant 0 : i32
        %dma_wait3A_103 = arith.constant 0 : i32
        %dma_wait3A_104 = tpu.memref_slice %arg2[%dma_wait3A_102, %dma_wait3A_103] : memref<10112x128xf32, #tpu.memory_space<hbm>> -> memref<10112x128xf32, #tpu.memory_space<hbm>>
        tpu.wait_indirect_dma semaphore(%arg15 : memref<!tpu.dma_semaphore, #tpu.memory_space<semaphore_mem>>) src(%dma_wait3A_104 : memref<10112x128xf32, #tpu.memory_space<hbm>>) dst(%arg9 : memref<128x128xf32, #tpu.memory_space<vmem>>)
      } else {
      }
      %dma_start3A_81 = arith.constant 0 : i32
      %dma_start3A_82 = arith.constant 0 : i32
      %dma_start3A_83 = tpu.memref_slice %arg5[%dma_start3A_81, %dma_start3A_82] : memref<10112x128xf32, #tpu.memory_space<vmem_shared>> -> memref<10112x128xf32, #tpu.memory_space<vmem_shared>>
      tpu.enqueue_indirect_dma source(%dma_start3A_83 : memref<10112x128xf32, #tpu.memory_space<vmem_shared>>) target(%arg9 : memref<128x128xf32, #tpu.memory_space<vmem>>) offsets(%arg7 : memref<128xi32, #tpu.memory_space<vmem>>) semaphore(%arg13 : memref<!tpu.dma_semaphore, #tpu.memory_space<semaphore_mem>>)
      %dma_wait3A_84 = arith.constant 0 : i32
      %dma_wait3A_85 = arith.constant 0 : i32
      %dma_wait3A_86 = tpu.memref_slice %arg2[%dma_wait3A_84, %dma_wait3A_85] : memref<10112x128xf32, #tpu.memory_space<hbm>> -> memref<10112x128xf32, #tpu.memory_space<hbm>>
      tpu.wait_indirect_dma semaphore(%arg13 : memref<!tpu.dma_semaphore, #tpu.memory_space<semaphore_mem>>) src(%dma_wait3A_86 : memref<10112x128xf32, #tpu.memory_space<hbm>>) dst(%arg9 : memref<128x128xf32, #tpu.memory_space<vmem>>)
      %mul3A_87 = arith.constant 128 : i32
      %mul3A_88 = arith.muli %add3A_68, %mul3A_87 : i32
      %add3A_89 = arith.addi %mul3A_2, %mul3A_88 : i32
      %dma_start3A_90 = arith.constant 0 : i32
      %dma_start3A_91 = tpu.memref_slice %arg4[%add3A_89, %dma_start3A_90] : memref<401408x128xf32, #tpu.memory_space<hbm>> -> memref<128x128xf32, #tpu.memory_space<hbm>>
      %dma_start3A_92 = arith.constant 0 : i32
      %dma_start3A_93 = tpu.memref_slice %arg4[%add3A_89, %dma_start3A_92] : memref<401408x128xf32, #tpu.memory_space<hbm>> -> memref<128x128xf32, #tpu.memory_space<hbm>>
      tpu.enqueue_dma source(%arg9 : memref<128x128xf32, #tpu.memory_space<vmem>>) target(%dma_start3A_93 : memref<128x128xf32, #tpu.memory_space<hbm>>) target_semaphore(%arg15 : memref<!tpu.dma_semaphore, #tpu.memory_space<semaphore_mem>>)
      %add3A_94 = arith.constant 2 : i32
      %add3A_95 = arith.addi %add3A_68, %add3A_94 : i32
      %lt3A_96 = arith.constant 98 : i32
      %lt3A_97 = arith.cmpi slt, %add3A_95, %lt3A_96 : i32
      %convert_element_type3A_98 = arith.extui %lt3A_97 : i1 to i32
      %cond3A_99 = arith.constant 0 : i32
      %cond3A_100 = arith.cmpi ne, %convert_element_type3A_98, %cond3A_99 : i32
      scf.if %cond3A_100 {
        %add3A_102 = arith.constant 2 : i32
        %add3A_103 = arith.addi %add3A_68, %add3A_102 : i32
        %dma_start3A_104 = arith.constant 0 : i32
        %dma_start3A_105 = tpu.memref_slice %arg3[%add3A, %add3A_103, %dma_start3A_104] : memref<32x98x128xi32, #tpu.memory_space<hbm>> -> memref<1x1x128xi32, #tpu.memory_space<hbm>>
        %dma_start3A_106 = tpu.memref_squeeze %dma_start3A_105 : memref<1x1x128xi32, #tpu.memory_space<hbm>> -> memref<128xi32, #tpu.memory_space<hbm>>
        %dma_start3A_107 = arith.constant 0 : i32
        %dma_start3A_108 = tpu.memref_slice %arg3[%add3A, %add3A_103, %dma_start3A_107] : memref<32x98x128xi32, #tpu.memory_space<hbm>> -> memref<1x1x128xi32, #tpu.memory_space<hbm>>
        %dma_start3A_109 = tpu.memref_squeeze %dma_start3A_108 : memref<1x1x128xi32, #tpu.memory_space<hbm>> -> memref<128xi32, #tpu.memory_space<hbm>>
        tpu.enqueue_dma source(%dma_start3A_109 : memref<128xi32, #tpu.memory_space<hbm>>) target(%arg7 : memref<128xi32, #tpu.memory_space<vmem>>) target_semaphore(%arg11 : memref<!tpu.dma_semaphore, #tpu.memory_space<semaphore_mem>>)
      } else {
      }
      %scan3A_101 = arith.constant 0 : i32
      scf.yield %scan3A_101 : i32
    }
    %scan3A_23 = arith.constant 49 : i32
    %dma_wait3A = arith.constant 0 : i32
    %dma_wait3A_24 = arith.constant 0 : i32
    %dma_wait3A_25 = tpu.memref_slice %arg2[%dma_wait3A, %dma_wait3A_24] : memref<10112x128xf32, #tpu.memory_space<hbm>> -> memref<10112x128xf32, #tpu.memory_space<hbm>>
    tpu.wait_indirect_dma semaphore(%arg14 : memref<!tpu.dma_semaphore, #tpu.memory_space<semaphore_mem>>) src(%dma_wait3A_25 : memref<10112x128xf32, #tpu.memory_space<hbm>>) dst(%arg8 : memref<128x128xf32, #tpu.memory_space<vmem>>)
    %dma_wait3A_26 = arith.constant 0 : i32
    %dma_wait3A_27 = arith.constant 0 : i32
    %dma_wait3A_28 = tpu.memref_slice %arg2[%dma_wait3A_26, %dma_wait3A_27] : memref<10112x128xf32, #tpu.memory_space<hbm>> -> memref<10112x128xf32, #tpu.memory_space<hbm>>
    tpu.wait_indirect_dma semaphore(%arg15 : memref<!tpu.dma_semaphore, #tpu.memory_space<semaphore_mem>>) src(%dma_wait3A_28 : memref<10112x128xf32, #tpu.memory_space<hbm>>) dst(%arg9 : memref<128x128xf32, #tpu.memory_space<vmem>>)
    return
  }
}

#map = affine_map<(d0, d1) -> (0, 0)>
#map1 = affine_map<(d0, d1) -> (0, 0, 0)>
module attributes {stable_mosaic.version = 14 : i64} {
  func.func @k(%arg0: i32, %arg1: i32, %arg2: memref<10112x128xf32, #tpu.memory_space<hbm>>, %arg3: memref<32x98x128xi32, #tpu.memory_space<hbm>>, %arg4: memref<401408x128xf32, #tpu.memory_space<hbm>>, %arg5: memref<10112x128xf32, #tpu.memory_space<vmem_shared>>, %arg6: memref<128xi32, #tpu.memory_space<vmem>>, %arg7: memref<128xi32, #tpu.memory_space<vmem>>, %arg8: memref<128x128xf32, #tpu.memory_space<vmem>>, %arg9: memref<128x128xf32, #tpu.memory_space<vmem>>, %arg10: memref<!tpu.dma_semaphore, #tpu.memory_space<semaphore_mem>>, %arg11: memref<!tpu.dma_semaphore, #tpu.memory_space<semaphore_mem>>, %arg12: memref<!tpu.dma_semaphore, #tpu.memory_space<semaphore_mem>>, %arg13: memref<!tpu.dma_semaphore, #tpu.memory_space<semaphore_mem>>, %arg14: memref<!tpu.dma_semaphore, #tpu.memory_space<semaphore_mem>>, %arg15: memref<!tpu.dma_semaphore, #tpu.memory_space<semaphore_mem>>) attributes {dimension_semantics = [#tpu.dimension_semantics<core_parallel>, #tpu.dimension_semantics<subcore_parallel>], iteration_bounds = array<i64: 2, 16>, scalar_prefetch = 0 : i64, scratch_operands = 11 : i64, tpu.core_type = #tpu.core_type<sc_vector_subcore>, window_params = [{transform_indices = #map}, {transform_indices = #map1}, {transform_indices = #map}]} {
    %mul3A = arith.constant 2 : i32
    %mul3A_0 = arith.muli %arg1, %mul3A : i32
    %add3A = arith.addi %mul3A_0, %arg0 : i32
    %mul3A_1 = arith.constant 12544 : i32
    %mul3A_2 = arith.muli %add3A, %mul3A_1 : i32
    %eq3A = arith.constant 0 : i32
    %eq3A_3 = arith.cmpi eq, %arg1, %eq3A : i32
    %convert_element_type3A = arith.extui %eq3A_3 : i1 to i32
    %cond3A = arith.constant 0 : i32
    %cond3A_4 = arith.cmpi ne, %convert_element_type3A, %cond3A : i32
    scf.if %cond3A_4 {
      "tpu.region"() ({
        %run_scoped3A = tpu.sem_alloc : memref<!tpu.dma_semaphore, #tpu.memory_space<semaphore_mem>>
        tpu.enqueue_dma source(%arg2 : memref<10112x128xf32, #tpu.memory_space<hbm>>) target(%arg5 : memref<10112x128xf32, #tpu.memory_space<vmem_shared>>) target_semaphore(%run_scoped3A : memref<!tpu.dma_semaphore, #tpu.memory_space<semaphore_mem>>)
        tpu.wait_dma2 semaphore(%run_scoped3A : memref<!tpu.dma_semaphore, #tpu.memory_space<semaphore_mem>>) src(%arg2 : memref<10112x128xf32, #tpu.memory_space<hbm>>) dst(%arg5 : memref<10112x128xf32, #tpu.memory_space<vmem_shared>>)
        tpu.yield
      }) : () -> ()
    } else {
    }
    %barrier3A = arith.constant 0 : index
    tpu.barrier barrier_id(%barrier3A)
    %dma_start3A = arith.constant 0 : i32
    %dma_start3A_5 = arith.constant 0 : i32
    %dma_start3A_6 = tpu.memref_slice %arg3[%add3A, %dma_start3A, %dma_start3A_5] : memref<32x98x128xi32, #tpu.memory_space<hbm>> -> memref<1x1x128xi32, #tpu.memory_space<hbm>>
    %dma_start3A_7 = tpu.memref_squeeze %dma_start3A_6 : memref<1x1x128xi32, #tpu.memory_space<hbm>> -> memref<128xi32, #tpu.memory_space<hbm>>
    %dma_start3A_8 = arith.constant 0 : i32
    %dma_start3A_9 = tpu.memref_slice %arg3[%add3A, %dma_start3A, %dma_start3A_8] : memref<32x98x128xi32, #tpu.memory_space<hbm>> -> memref<1x1x128xi32, #tpu.memory_space<hbm>>
    %dma_start3A_10 = tpu.memref_squeeze %dma_start3A_9 : memref<1x1x128xi32, #tpu.memory_space<hbm>> -> memref<128xi32, #tpu.memory_space<hbm>>
    tpu.enqueue_dma source(%dma_start3A_10 : memref<128xi32, #tpu.memory_space<hbm>>) target(%arg6 : memref<128xi32, #tpu.memory_space<vmem>>) target_semaphore(%arg10 : memref<!tpu.dma_semaphore, #tpu.memory_space<semaphore_mem>>)
    %dma_start3A_11 = arith.constant 1 : i32
    %dma_start3A_12 = arith.constant 0 : i32
    %dma_start3A_13 = tpu.memref_slice %arg3[%add3A, %dma_start3A_11, %dma_start3A_12] : memref<32x98x128xi32, #tpu.memory_space<hbm>> -> memref<1x1x128xi32, #tpu.memory_space<hbm>>
    %dma_start3A_14 = tpu.memref_squeeze %dma_start3A_13 : memref<1x1x128xi32, #tpu.memory_space<hbm>> -> memref<128xi32, #tpu.memory_space<hbm>>
    %dma_start3A_15 = arith.constant 0 : i32
    %dma_start3A_16 = tpu.memref_slice %arg3[%add3A, %dma_start3A_11, %dma_start3A_15] : memref<32x98x128xi32, #tpu.memory_space<hbm>> -> memref<1x1x128xi32, #tpu.memory_space<hbm>>
    %dma_start3A_17 = tpu.memref_squeeze %dma_start3A_16 : memref<1x1x128xi32, #tpu.memory_space<hbm>> -> memref<128xi32, #tpu.memory_space<hbm>>
    tpu.enqueue_dma source(%dma_start3A_17 : memref<128xi32, #tpu.memory_space<hbm>>) target(%arg7 : memref<128xi32, #tpu.memory_space<vmem>>) target_semaphore(%arg11 : memref<!tpu.dma_semaphore, #tpu.memory_space<semaphore_mem>>)
    %scan3A = arith.constant 0 : i32
    %scan3A_18 = arith.constant 0 : i32
    %scan3A_19 = arith.constant 49 : i32
    %scan3A_20 = arith.addi %scan3A_18, %scan3A_19 : i32
    %scan3A_21 = arith.constant 1 : i32
    %scan3A_22 = scf.for %scan3A_29 = %scan3A_18 to %scan3A_20 step %scan3A_21 iter_args(%scan3A_30 = %scan3A) -> (i32)  : i32 {
      %mul3A_31 = arith.constant 2 : i32
      %mul3A_32 = arith.muli %scan3A_29, %mul3A_31 : i32
      %add3A_33 = arith.constant 0 : i32
      %add3A_34 = arith.addi %mul3A_32, %add3A_33 : i32
      %dma_wait3A_35 = arith.constant 0 : i32
      %dma_wait3A_36 = arith.constant 0 : i32
      %dma_wait3A_37 = tpu.memref_slice %arg3[%add3A, %dma_wait3A_35, %dma_wait3A_36] : memref<32x98x128xi32, #tpu.memory_space<hbm>> -> memref<1x1x128xi32, #tpu.memory_space<hbm>>
      %dma_wait3A_38 = tpu.memref_squeeze %dma_wait3A_37 : memref<1x1x128xi32, #tpu.memory_space<hbm>> -> memref<128xi32, #tpu.memory_space<hbm>>
      %dma_wait3A_39 = arith.constant 0 : i32
      %dma_wait3A_40 = tpu.memref_slice %arg3[%add3A, %dma_wait3A_35, %dma_wait3A_39] : memref<32x98x128xi32, #tpu.memory_space<hbm>> -> memref<1x1x128xi32, #tpu.memory_space<hbm>>
      %dma_wait3A_41 = tpu.memref_squeeze %dma_wait3A_40 : memref<1x1x128xi32, #tpu.memory_space<hbm>> -> memref<128xi32, #tpu.memory_space<hbm>>
      tpu.wait_dma2 semaphore(%arg10 : memref<!tpu.dma_semaphore, #tpu.memory_space<semaphore_mem>>) src(%dma_wait3A_41 : memref<128xi32, #tpu.memory_space<hbm>>) dst(%arg6 : memref<128xi32, #tpu.memory_space<vmem>>)
      %ge3A = arith.constant 2 : i32
      %ge3A_42 = arith.cmpi sge, %add3A_34, %ge3A : i32
      %convert_element_type3A_43 = arith.extui %ge3A_42 : i1 to i32
      %cond3A_44 = arith.constant 0 : i32
      %cond3A_45 = arith.cmpi ne, %convert_element_type3A_43, %cond3A_44 : i32
      scf.if %cond3A_45 {
        %dma_wait3A_102 = arith.constant 0 : i32
        %dma_wait3A_103 = arith.constant 0 : i32
        %dma_wait3A_104 = tpu.memref_slice %arg2[%dma_wait3A_102, %dma_wait3A_103] : memref<10112x128xf32, #tpu.memory_space<hbm>> -> memref<10112x128xf32, #tpu.memory_space<hbm>>
        tpu.wait_indirect_dma semaphore(%arg14 : memref<!tpu.dma_semaphore, #tpu.memory_space<semaphore_mem>>) src(%dma_wait3A_104 : memref<10112x128xf32, #tpu.memory_space<hbm>>) dst(%arg8 : memref<128x128xf32, #tpu.memory_space<vmem>>)
      } else {
      }
      %dma_start3A_46 = arith.constant 0 : i32
      %dma_start3A_47 = arith.constant 0 : i32
      %dma_start3A_48 = tpu.memref_slice %arg5[%dma_start3A_46, %dma_start3A_47] : memref<10112x128xf32, #tpu.memory_space<vmem_shared>> -> memref<10112x128xf32, #tpu.memory_space<vmem_shared>>
      tpu.enqueue_indirect_dma source(%dma_start3A_48 : memref<10112x128xf32, #tpu.memory_space<vmem_shared>>) target(%arg8 : memref<128x128xf32, #tpu.memory_space<vmem>>) offsets(%arg6 : memref<128xi32, #tpu.memory_space<vmem>>) semaphore(%arg12 : memref<!tpu.dma_semaphore, #tpu.memory_space<semaphore_mem>>)
      %dma_wait3A_49 = arith.constant 0 : i32
      %dma_wait3A_50 = arith.constant 0 : i32
      %dma_wait3A_51 = tpu.memref_slice %arg2[%dma_wait3A_49, %dma_wait3A_50] : memref<10112x128xf32, #tpu.memory_space<hbm>> -> memref<10112x128xf32, #tpu.memory_space<hbm>>
      tpu.wait_indirect_dma semaphore(%arg12 : memref<!tpu.dma_semaphore, #tpu.memory_space<semaphore_mem>>) src(%dma_wait3A_51 : memref<10112x128xf32, #tpu.memory_space<hbm>>) dst(%arg8 : memref<128x128xf32, #tpu.memory_space<vmem>>)
      %mul3A_52 = arith.constant 128 : i32
      %mul3A_53 = arith.muli %add3A_34, %mul3A_52 : i32
      %add3A_54 = arith.addi %mul3A_2, %mul3A_53 : i32
      %dma_start3A_55 = arith.constant 0 : i32
      %dma_start3A_56 = tpu.memref_slice %arg4[%add3A_54, %dma_start3A_55] : memref<401408x128xf32, #tpu.memory_space<hbm>> -> memref<128x128xf32, #tpu.memory_space<hbm>>
      %dma_start3A_57 = arith.constant 0 : i32
      %dma_start3A_58 = tpu.memref_slice %arg4[%add3A_54, %dma_start3A_57] : memref<401408x128xf32, #tpu.memory_space<hbm>> -> memref<128x128xf32, #tpu.memory_space<hbm>>
      tpu.enqueue_dma source(%arg8 : memref<128x128xf32, #tpu.memory_space<vmem>>) target(%dma_start3A_58 : memref<128x128xf32, #tpu.memory_space<hbm>>) target_semaphore(%arg14 : memref<!tpu.dma_semaphore, #tpu.memory_space<semaphore_mem>>)
      %add3A_59 = arith.constant 2 : i32
      %add3A_60 = arith.addi %add3A_34, %add3A_59 : i32
      %lt3A = arith.constant 98 : i32
      %lt3A_61 = arith.cmpi slt, %add3A_60, %lt3A : i32
      %convert_element_type3A_62 = arith.extui %lt3A_61 : i1 to i32
      %cond3A_63 = arith.constant 0 : i32
      %cond3A_64 = arith.cmpi ne, %convert_element_type3A_62, %cond3A_63 : i32
      scf.if %cond3A_64 {
        %add3A_102 = arith.constant 2 : i32
        %add3A_103 = arith.addi %add3A_34, %add3A_102 : i32
        %dma_start3A_104 = arith.constant 0 : i32
        %dma_start3A_105 = tpu.memref_slice %arg3[%add3A, %add3A_103, %dma_start3A_104] : memref<32x98x128xi32, #tpu.memory_space<hbm>> -> memref<1x1x128xi32, #tpu.memory_space<hbm>>
        %dma_start3A_106 = tpu.memref_squeeze %dma_start3A_105 : memref<1x1x128xi32, #tpu.memory_space<hbm>> -> memref<128xi32, #tpu.memory_space<hbm>>
        %dma_start3A_107 = arith.constant 0 : i32
        %dma_start3A_108 = tpu.memref_slice %arg3[%add3A, %add3A_103, %dma_start3A_107] : memref<32x98x128xi32, #tpu.memory_space<hbm>> -> memref<1x1x128xi32, #tpu.memory_space<hbm>>
        %dma_start3A_109 = tpu.memref_squeeze %dma_start3A_108 : memref<1x1x128xi32, #tpu.memory_space<hbm>> -> memref<128xi32, #tpu.memory_space<hbm>>
        tpu.enqueue_dma source(%dma_start3A_109 : memref<128xi32, #tpu.memory_space<hbm>>) target(%arg6 : memref<128xi32, #tpu.memory_space<vmem>>) target_semaphore(%arg10 : memref<!tpu.dma_semaphore, #tpu.memory_space<semaphore_mem>>)
      } else {
      }
      %mul3A_65 = arith.constant 2 : i32
      %mul3A_66 = arith.muli %scan3A_29, %mul3A_65 : i32
      %add3A_67 = arith.constant 1 : i32
      %add3A_68 = arith.addi %mul3A_66, %add3A_67 : i32
      %dma_wait3A_69 = arith.constant 0 : i32
      %dma_wait3A_70 = arith.constant 0 : i32
      %dma_wait3A_71 = tpu.memref_slice %arg3[%add3A, %dma_wait3A_69, %dma_wait3A_70] : memref<32x98x128xi32, #tpu.memory_space<hbm>> -> memref<1x1x128xi32, #tpu.memory_space<hbm>>
      %dma_wait3A_72 = tpu.memref_squeeze %dma_wait3A_71 : memref<1x1x128xi32, #tpu.memory_space<hbm>> -> memref<128xi32, #tpu.memory_space<hbm>>
      %dma_wait3A_73 = arith.constant 0 : i32
      %dma_wait3A_74 = tpu.memref_slice %arg3[%add3A, %dma_wait3A_69, %dma_wait3A_73] : memref<32x98x128xi32, #tpu.memory_space<hbm>> -> memref<1x1x128xi32, #tpu.memory_space<hbm>>
      %dma_wait3A_75 = tpu.memref_squeeze %dma_wait3A_74 : memref<1x1x128xi32, #tpu.memory_space<hbm>> -> memref<128xi32, #tpu.memory_space<hbm>>
      tpu.wait_dma2 semaphore(%arg11 : memref<!tpu.dma_semaphore, #tpu.memory_space<semaphore_mem>>) src(%dma_wait3A_75 : memref<128xi32, #tpu.memory_space<hbm>>) dst(%arg7 : memref<128xi32, #tpu.memory_space<vmem>>)
      %ge3A_76 = arith.constant 2 : i32
      %ge3A_77 = arith.cmpi sge, %add3A_68, %ge3A_76 : i32
      %convert_element_type3A_78 = arith.extui %ge3A_77 : i1 to i32
      %cond3A_79 = arith.constant 0 : i32
      %cond3A_80 = arith.cmpi ne, %convert_element_type3A_78, %cond3A_79 : i32
      scf.if %cond3A_80 {
        %dma_wait3A_102 = arith.constant 0 : i32
        %dma_wait3A_103 = arith.constant 0 : i32
        %dma_wait3A_104 = tpu.memref_slice %arg2[%dma_wait3A_102, %dma_wait3A_103] : memref<10112x128xf32, #tpu.memory_space<hbm>> -> memref<10112x128xf32, #tpu.memory_space<hbm>>
        tpu.wait_indirect_dma semaphore(%arg15 : memref<!tpu.dma_semaphore, #tpu.memory_space<semaphore_mem>>) src(%dma_wait3A_104 : memref<10112x128xf32, #tpu.memory_space<hbm>>) dst(%arg9 : memref<128x128xf32, #tpu.memory_space<vmem>>)
      } else {
      }
      %dma_start3A_81 = arith.constant 0 : i32
      %dma_start3A_82 = arith.constant 0 : i32
      %dma_start3A_83 = tpu.memref_slice %arg5[%dma_start3A_81, %dma_start3A_82] : memref<10112x128xf32, #tpu.memory_space<vmem_shared>> -> memref<10112x128xf32, #tpu.memory_space<vmem_shared>>
      tpu.enqueue_indirect_dma source(%dma_start3A_83 : memref<10112x128xf32, #tpu.memory_space<vmem_shared>>) target(%arg9 : memref<128x128xf32, #tpu.memory_space<vmem>>) offsets(%arg7 : memref<128xi32, #tpu.memory_space<vmem>>) semaphore(%arg13 : memref<!tpu.dma_semaphore, #tpu.memory_space<semaphore_mem>>)
      %dma_wait3A_84 = arith.constant 0 : i32
      %dma_wait3A_85 = arith.constant 0 : i32
      %dma_wait3A_86 = tpu.memref_slice %arg2[%dma_wait3A_84, %dma_wait3A_85] : memref<10112x128xf32, #tpu.memory_space<hbm>> -> memref<10112x128xf32, #tpu.memory_space<hbm>>
      tpu.wait_indirect_dma semaphore(%arg13 : memref<!tpu.dma_semaphore, #tpu.memory_space<semaphore_mem>>) src(%dma_wait3A_86 : memref<10112x128xf32, #tpu.memory_space<hbm>>) dst(%arg9 : memref<128x128xf32, #tpu.memory_space<vmem>>)
      %mul3A_87 = arith.constant 128 : i32
      %mul3A_88 = arith.muli %add3A_68, %mul3A_87 : i32
      %add3A_89 = arith.addi %mul3A_2, %mul3A_88 : i32
      %dma_start3A_90 = arith.constant 0 : i32
      %dma_start3A_91 = tpu.memref_slice %arg4[%add3A_89, %dma_start3A_90] : memref<401408x128xf32, #tpu.memory_space<hbm>> -> memref<128x128xf32, #tpu.memory_space<hbm>>
      %dma_start3A_92 = arith.constant 0 : i32
      %dma_start3A_93 = tpu.memref_slice %arg4[%add3A_89, %dma_start3A_92] : memref<401408x128xf32, #tpu.memory_space<hbm>> -> memref<128x128xf32, #tpu.memory_space<hbm>>
      tpu.enqueue_dma source(%arg9 : memref<128x128xf32, #tpu.memory_space<vmem>>) target(%dma_start3A_93 : memref<128x128xf32, #tpu.memory_space<hbm>>) target_semaphore(%arg15 : memref<!tpu.dma_semaphore, #tpu.memory_space<semaphore_mem>>)
      %add3A_94 = arith.constant 2 : i32
      %add3A_95 = arith.addi %add3A_68, %add3A_94 : i32
      %lt3A_96 = arith.constant 98 : i32
      %lt3A_97 = arith.cmpi slt, %add3A_95, %lt3A_96 : i32
      %convert_element_type3A_98 = arith.extui %lt3A_97 : i1 to i32
      %cond3A_99 = arith.constant 0 : i32
      %cond3A_100 = arith.cmpi ne, %convert_element_type3A_98, %cond3A_99 : i32
      scf.if %cond3A_100 {
        %add3A_102 = arith.constant 2 : i32
        %add3A_103 = arith.addi %add3A_68, %add3A_102 : i32
        %dma_start3A_104 = arith.constant 0 : i32
        %dma_start3A_105 = tpu.memref_slice %arg3[%add3A, %add3A_103, %dma_start3A_104] : memref<32x98x128xi32, #tpu.memory_space<hbm>> -> memref<1x1x128xi32, #tpu.memory_space<hbm>>
        %dma_start3A_106 = tpu.memref_squeeze %dma_start3A_105 : memref<1x1x128xi32, #tpu.memory_space<hbm>> -> memref<128xi32, #tpu.memory_space<hbm>>
        %dma_start3A_107 = arith.constant 0 : i32
        %dma_start3A_108 = tpu.memref_slice %arg3[%add3A, %add3A_103, %dma_start3A_107] : memref<32x98x128xi32, #tpu.memory_space<hbm>> -> memref<1x1x128xi32, #tpu.memory_space<hbm>>
        %dma_start3A_109 = tpu.memref_squeeze %dma_start3A_108 : memref<1x1x128xi32, #tpu.memory_space<hbm>> -> memref<128xi32, #tpu.memory_space<hbm>>
        tpu.enqueue_dma source(%dma_start3A_109 : memref<128xi32, #tpu.memory_space<hbm>>) target(%arg7 : memref<128xi32, #tpu.memory_space<vmem>>) target_semaphore(%arg11 : memref<!tpu.dma_semaphore, #tpu.memory_space<semaphore_mem>>)
      } else {
      }
      %scan3A_101 = arith.constant 0 : i32
      scf.yield %scan3A_101 : i32
    }
    %scan3A_23 = arith.constant 49 : i32
    %dma_wait3A = arith.constant 0 : i32
    %dma_wait3A_24 = arith.constant 0 : i32
    %dma_wait3A_25 = tpu.memref_slice %arg2[%dma_wait3A, %dma_wait3A_24] : memref<10112x128xf32, #tpu.memory_space<hbm>> -> memref<10112x128xf32, #tpu.memory_space<hbm>>
    tpu.wait_indirect_dma semaphore(%arg14 : memref<!tpu.dma_semaphore, #tpu.memory_space<semaphore_mem>>) src(%dma_wait3A_25 : memref<10112x128xf32, #tpu.memory_space<hbm>>) dst(%arg8 : memref<128x128xf32, #tpu.memory_space<vmem>>)
    %dma_wait3A_26 = arith.constant 0 : i32
    %dma_wait3A_27 = arith.constant 0 : i32
    %dma_wait3A_28 = tpu.memref_slice %arg2[%dma_wait3A_26, %dma_wait3A_27] : memref<10112x128xf32, #tpu.memory_space<hbm>> -> memref<10112x128xf32, #tpu.memory_space<hbm>>
    tpu.wait_indirect_dma semaphore(%arg15 : memref<!tpu.dma_semaphore, #tpu.memory_space<semaphore_mem>>) src(%dma_wait3A_28 : memref<10112x128xf32, #tpu.memory_space<hbm>>) dst(%arg9 : memref<128x128xf32, #tpu.memory_space<vmem>>)
    return
  }
}

module attributes {stable_mosaic.version = 14 : i64} {
  func.func @_backbone_body(%arg0: i32, %arg1: memref<448x160xf32, #tpu.memory_space<vmem>>, %arg2: memref<160x64xf32, #tpu.memory_space<vmem>>, %arg3: memref<1x64xf32, #tpu.memory_space<vmem>>, %arg4: memref<64x512xf32, #tpu.memory_space<vmem>>, %arg5: memref<1x512xf32, #tpu.memory_space<vmem>>, %arg6: memref<512x128xf32, #tpu.memory_space<vmem>>, %arg7: memref<1x128xf32, #tpu.memory_space<vmem>>, %arg8: memref<8x128xf32, #tpu.memory_space<vmem>>, %arg9: memref<8x64xf32, #tpu.memory_space<vmem>>) attributes {dimension_semantics = [#tpu.dimension_semantics<arbitrary>], iteration_bounds = array<i64: 7>, scalar_prefetch = 0 : i64, scratch_operands = 1 : i64, tpu.core_type = #tpu.core_type<tc>, window_params = [{transform_indices = @transform_0, window_bounds = array<i64: 448, 160>}, {pipeline_mode = #tpu.pipeline_mode<synchronous>, transform_indices = @transform_1, window_bounds = array<i64: 160, 64>}, {pipeline_mode = #tpu.pipeline_mode<synchronous>, transform_indices = @transform_2, window_bounds = array<i64: 1, 64>}, {pipeline_mode = #tpu.pipeline_mode<synchronous>, transform_indices = @transform_3, window_bounds = array<i64: 64, 512>}, {pipeline_mode = #tpu.pipeline_mode<synchronous>, transform_indices = @transform_4, window_bounds = array<i64: 1, 512>}, {pipeline_mode = #tpu.pipeline_mode<synchronous>, transform_indices = @transform_5, window_bounds = array<i64: 512, 128>}, {pipeline_mode = #tpu.pipeline_mode<synchronous>, transform_indices = @transform_6, window_bounds = array<i64: 1, 128>}, {pipeline_mode = #tpu.pipeline_mode<synchronous>, transform_indices = @transform_7, window_bounds = array<i64: 8, 128>}]} {
    %eq3A = arith.constant 0 : i32
    %eq3A_0 = arith.cmpi eq, %arg0, %eq3A : i32
    %convert_element_type3A = arith.extui %eq3A_0 : i1 to i32
    %cond3A = arith.constant 0 : i32
    %cond3A_1 = arith.cmpi ne, %convert_element_type3A, %cond3A : i32
    scf.if %cond3A_1 {
      %broadcast_in_dim3A_28 = arith.constant 0.000000e+00 : f32
      %broadcast_in_dim3A_29 = vector.broadcast %broadcast_in_dim3A_28 : f32 to vector<8x64xf32>
      %swap3A_30 = arith.constant 0 : index
      %swap3A_31 = arith.constant 0 : index
      %swap3A_32 = vector.load %arg9[%swap3A_30, %swap3A_31] : memref<8x64xf32, #tpu.memory_space<vmem>>, vector<8x64xf32>
      tpu.vector_store %arg9[%swap3A_30, %swap3A_31], %broadcast_in_dim3A_29 {strides = array<i32>} : memref<8x64xf32, #tpu.memory_space<vmem>>, vector<8x64xf32>,
    } else {
    }
    %get3A = arith.constant 0 : index
    %get3A_2 = arith.constant 0 : index
    %get3A_3 = vector.load %arg1[%get3A, %get3A_2] : memref<448x160xf32, #tpu.memory_space<vmem>>, vector<448x160xf32>
    %get3A_4 = arith.constant 0 : index
    %get3A_5 = arith.constant 0 : index
    %get3A_6 = vector.load %arg2[%get3A_4, %get3A_5] : memref<160x64xf32, #tpu.memory_space<vmem>>, vector<160x64xf32>
    %dot_general3A = arith.constant dense<0.000000e+00> : vector<448x64xf32>
    %dot_general3A_7 = tpu.matmul %get3A_3, %get3A_6, %dot_general3A {dimension_numbers = #tpu.dot_dimension_numbers<[1], [0], [0], [1], [0, 0, 1, 1], [], []>, transpose_lhs_hint = false} : vector<448x160xf32>, vector<160x64xf32>, vector<448x64xf32> -> vector<448x64xf32>
    %get3A_8 = arith.constant 0 : index
    %get3A_9 = arith.constant 0 : index
    %get3A_10 = vector.load %arg3[%get3A_8, %get3A_9] : memref<1x64xf32, #tpu.memory_space<vmem>>, vector<1x64xf32>
    %add3A = vector.broadcast %get3A_10 : vector<1x64xf32> to vector<448x64xf32>
    %add3A_11 = arith.addf %dot_general3A_7, %add3A : vector<448x64xf32>
    %max3A = arith.constant 0.000000e+00 : f32
    %max3A_12 = vector.broadcast %max3A : f32 to vector<448x64xf32>
    %max3A_13 = arith.maximumf %add3A_11, %max3A_12 : vector<448x64xf32>
    %get3A_14 = arith.constant 0 : index
    %get3A_15 = arith.constant 0 : index
    %get3A_16 = vector.load %arg9[%get3A_14, %get3A_15] : memref<8x64xf32, #tpu.memory_space<vmem>>, vector<8x64xf32>
    %broadcast_in_dim3A = arith.constant 1.000000e+00 : f32
    %broadcast_in_dim3A_17 = vector.broadcast %broadcast_in_dim3A : f32 to vector<8x448xf32>
    %dot_general3A_18 = arith.constant dense<0.000000e+00> : vector<8x64xf32>
    %dot_general3A_19 = tpu.matmul %broadcast_in_dim3A_17, %max3A_13, %dot_general3A_18 {dimension_numbers = #tpu.dot_dimension_numbers<[1], [0], [0], [1], [0, 0, 1, 1], [], []>, transpose_lhs_hint = false} : vector<8x448xf32>, vector<448x64xf32>, vector<8x64xf32> -> vector<8x64xf32>
    %add3A_20 = arith.addf %get3A_16, %dot_general3A_19 : vector<8x64xf32>
    %swap3A = arith.constant 0 : index
    %swap3A_21 = arith.constant 0 : index
    %swap3A_22 = vector.load %arg9[%swap3A, %swap3A_21] : memref<8x64xf32, #tpu.memory_space<vmem>>, vector<8x64xf32>
    tpu.vector_store %arg9[%swap3A, %swap3A_21], %add3A_20 {strides = array<i32>} : memref<8x64xf32, #tpu.memory_space<vmem>>, vector<8x64xf32>,
    %eq3A_23 = arith.constant 6 : i32
    %eq3A_24 = arith.cmpi eq, %arg0, %eq3A_23 : i32
    %convert_element_type3A_25 = arith.extui %eq3A_24 : i1 to i32
    %cond3A_26 = arith.constant 0 : i32
    %cond3A_27 = arith.cmpi ne, %convert_element_type3A_25, %cond3A_26 : i32
    scf.if %cond3A_27 {
      %get3A_28 = arith.constant 0 : index
      %get3A_29 = arith.constant 0 : index
      %get3A_30 = vector.load %arg9[%get3A_28, %get3A_29] : memref<8x64xf32, #tpu.memory_space<vmem>>, vector<8x64xf32>
      %mul3A = arith.constant 3.18877544E-4 : f32
      %mul3A_31 = vector.broadcast %mul3A : f32 to vector<8x64xf32>
      %mul3A_32 = arith.mulf %get3A_30, %mul3A_31 : vector<8x64xf32>
      %get3A_33 = arith.constant 0 : index
      %get3A_34 = arith.constant 0 : index
      %get3A_35 = vector.load %arg4[%get3A_33, %get3A_34] : memref<64x512xf32, #tpu.memory_space<vmem>>, vector<64x512xf32>
      %dot_general3A_36 = arith.constant dense<0.000000e+00> : vector<8x512xf32>
      %dot_general3A_37 = tpu.matmul %mul3A_32, %get3A_35, %dot_general3A_36 {dimension_numbers = #tpu.dot_dimension_numbers<[1], [0], [0], [1], [0, 0, 1, 1], [], []>, transpose_lhs_hint = false} : vector<8x64xf32>, vector<64x512xf32>, vector<8x512xf32> -> vector<8x512xf32>
      %get3A_38 = arith.constant 0 : index
      %get3A_39 = arith.constant 0 : index
      %get3A_40 = vector.load %arg5[%get3A_38, %get3A_39] : memref<1x512xf32, #tpu.memory_space<vmem>>, vector<1x512xf32>
      %add3A_41 = vector.broadcast %get3A_40 : vector<1x512xf32> to vector<8x512xf32>
      %add3A_42 = arith.addf %dot_general3A_37, %add3A_41 : vector<8x512xf32>
      %max3A_43 = arith.constant 0.000000e+00 : f32
      %max3A_44 = vector.broadcast %max3A_43 : f32 to vector<8x512xf32>
      %max3A_45 = arith.maximumf %add3A_42, %max3A_44 : vector<8x512xf32>
      %get3A_46 = arith.constant 0 : index
      %get3A_47 = arith.constant 0 : index
      %get3A_48 = vector.load %arg6[%get3A_46, %get3A_47] : memref<512x128xf32, #tpu.memory_space<vmem>>, vector<512x128xf32>
      %dot_general3A_49 = arith.constant dense<0.000000e+00> : vector<8x128xf32>
      %dot_general3A_50 = tpu.matmul %max3A_45, %get3A_48, %dot_general3A_49 {dimension_numbers = #tpu.dot_dimension_numbers<[1], [0], [0], [1], [0, 0, 1, 1], [], []>, transpose_lhs_hint = false} : vector<8x512xf32>, vector<512x128xf32>, vector<8x128xf32> -> vector<8x128xf32>
      %get3A_51 = arith.constant 0 : index
      %get3A_52 = arith.constant 0 : index
      %get3A_53 = vector.load %arg7[%get3A_51, %get3A_52] : memref<1x128xf32, #tpu.memory_space<vmem>>, vector<1x128xf32>
      %add3A_54 = vector.broadcast %get3A_53 : vector<1x128xf32> to vector<8x128xf32>
      %add3A_55 = arith.addf %dot_general3A_50, %add3A_54 : vector<8x128xf32>
      %swap3A_56 = arith.constant 0 : index
      %swap3A_57 = arith.constant 0 : index
      %swap3A_58 = vector.load %arg8[%swap3A_56, %swap3A_57] : memref<8x128xf32, #tpu.memory_space<vmem>>, vector<8x128xf32>
      tpu.vector_store %arg8[%swap3A_56, %swap3A_57], %add3A_55 {strides = array<i32>} : memref<8x128xf32, #tpu.memory_space<vmem>>, vector<8x128xf32>,
    } else {
    }
    return
  }
  func.func @transform_0(%arg0: i32) -> (i32, i32) {
    %c0_i32 = arith.constant 0 : i32
    %c0_i32_0 = arith.constant 0 : i32
    return %arg0, %c0_i32 : i32, i32
  }
  func.func @transform_1(%arg0: i32) -> (i32, i32) {
    %c0_i32 = arith.constant 0 : i32
    %c0_i32_0 = arith.constant 0 : i32
    %c0_i32_1 = arith.constant 0 : i32
    return %c0_i32, %c0_i32_0 : i32, i32
  }
  func.func @transform_2(%arg0: i32) -> (i32, i32) {
    %c0_i32 = arith.constant 0 : i32
    %c0_i32_0 = arith.constant 0 : i32
    %c0_i32_1 = arith.constant 0 : i32
    return %c0_i32, %c0_i32_0 : i32, i32
  }
  func.func @transform_3(%arg0: i32) -> (i32, i32) {
    %c0_i32 = arith.constant 0 : i32
    %c0_i32_0 = arith.constant 0 : i32
    %c0_i32_1 = arith.constant 0 : i32
    return %c0_i32, %c0_i32_0 : i32, i32
  }
  func.func @transform_4(%arg0: i32) -> (i32, i32) {
    %c0_i32 = arith.constant 0 : i32
    %c0_i32_0 = arith.constant 0 : i32
    %c0_i32_1 = arith.constant 0 : i32
    return %c0_i32, %c0_i32_0 : i32, i32
  }
  func.func @transform_5(%arg0: i32) -> (i32, i32) {
    %c0_i32 = arith.constant 0 : i32
    %c0_i32_0 = arith.constant 0 : i32
    %c0_i32_1 = arith.constant 0 : i32
    return %c0_i32, %c0_i32_0 : i32, i32
  }
  func.func @transform_6(%arg0: i32) -> (i32, i32) {
    %c0_i32 = arith.constant 0 : i32
    %c0_i32_0 = arith.constant 0 : i32
    %c0_i32_1 = arith.constant 0 : i32
    return %c0_i32, %c0_i32_0 : i32, i32
  }
  func.func @transform_7(%arg0: i32) -> (i32, i32) {
    %c0_i32 = arith.constant 0 : i32
    %c0_i32_0 = arith.constant 0 : i32
    %c0_i32_1 = arith.constant 0 : i32
    return %c0_i32, %c0_i32_0 : i32, i32
  }
}

module attributes {stable_mosaic.version = 14 : i64} {
  func.func @_node_enc_body(%arg0: i32, %arg1: memref<128x16xf32, #tpu.memory_space<vmem>>, %arg2: memref<16x128xf32, #tpu.memory_space<vmem>>, %arg3: memref<1x128xf32, #tpu.memory_space<vmem>>, %arg4: memref<128x128xf32, #tpu.memory_space<vmem>>, %arg5: memref<1x128xf32, #tpu.memory_space<vmem>>, %arg6: memref<8x128xf32, #tpu.memory_space<vmem>>, %arg7: memref<128x128xf32, #tpu.memory_space<vmem>>, %arg8: memref<128x128xf32, #tpu.memory_space<vmem>>, %arg9: memref<128x128xf32, #tpu.memory_space<vmem>>, %arg10: memref<128x128xf32, #tpu.memory_space<vmem>>, %arg11: memref<128x128xf32, #tpu.memory_space<vmem>>) attributes {dimension_semantics = [#tpu.dimension_semantics<arbitrary>], iteration_bounds = array<i64: 79>, scalar_prefetch = 0 : i64, scratch_operands = 0 : i64, tpu.core_type = #tpu.core_type<tc>, window_params = [{transform_indices = @transform_0, window_bounds = array<i64: 128, 16>}, {pipeline_mode = #tpu.pipeline_mode<synchronous>, transform_indices = @transform_1, window_bounds = array<i64: 16, 128>}, {pipeline_mode = #tpu.pipeline_mode<synchronous>, transform_indices = @transform_2, window_bounds = array<i64: 1, 128>}, {pipeline_mode = #tpu.pipeline_mode<synchronous>, transform_indices = @transform_3, window_bounds = array<i64: 128, 128>}, {pipeline_mode = #tpu.pipeline_mode<synchronous>, transform_indices = @transform_4, window_bounds = array<i64: 1, 128>}, {pipeline_mode = #tpu.pipeline_mode<synchronous>, transform_indices = @transform_5, window_bounds = array<i64: 8, 128>}, {pipeline_mode = #tpu.pipeline_mode<synchronous>, transform_indices = @transform_6, window_bounds = array<i64: 128, 128>}, {pipeline_mode = #tpu.pipeline_mode<synchronous>, transform_indices = @transform_7, window_bounds = array<i64: 128, 128>}, {transform_indices = @transform_8, window_bounds = array<i64: 128, 128>}, {transform_indices = @transform_9, window_bounds = array<i64: 128, 128>}, {transform_indices = @transform_10, window_bounds = array<i64: 128, 128>}]} {
    %get3A = arith.constant 0 : index
    %get3A_0 = arith.constant 0 : index
    %get3A_1 = vector.load %arg1[%get3A, %get3A_0] : memref<128x16xf32, #tpu.memory_space<vmem>>, vector<128x16xf32>
    %get3A_2 = arith.constant 0 : index
    %get3A_3 = arith.constant 0 : index
    %get3A_4 = vector.load %arg2[%get3A_2, %get3A_3] : memref<16x128xf32, #tpu.memory_space<vmem>>, vector<16x128xf32>
    %dot_general3A = arith.constant dense<0.000000e+00> : vector<128x128xf32>
    %dot_general3A_5 = tpu.matmul %get3A_1, %get3A_4, %dot_general3A {dimension_numbers = #tpu.dot_dimension_numbers<[1], [0], [0], [1], [0, 0, 1, 1], [], []>, transpose_lhs_hint = false} : vector<128x16xf32>, vector<16x128xf32>, vector<128x128xf32> -> vector<128x128xf32>
    %get3A_6 = arith.constant 0 : index
    %get3A_7 = arith.constant 0 : index
    %get3A_8 = vector.load %arg3[%get3A_6, %get3A_7] : memref<1x128xf32, #tpu.memory_space<vmem>>, vector<1x128xf32>
    %add3A = vector.broadcast %get3A_8 : vector<1x128xf32> to vector<128x128xf32>
    %add3A_9 = arith.addf %dot_general3A_5, %add3A : vector<128x128xf32>
    %max3A = arith.constant 0.000000e+00 : f32
    %max3A_10 = vector.broadcast %max3A : f32 to vector<128x128xf32>
    %max3A_11 = arith.maximumf %add3A_9, %max3A_10 : vector<128x128xf32>
    %get3A_12 = arith.constant 0 : index
    %get3A_13 = arith.constant 0 : index
    %get3A_14 = vector.load %arg4[%get3A_12, %get3A_13] : memref<128x128xf32, #tpu.memory_space<vmem>>, vector<128x128xf32>
    %dot_general3A_15 = arith.constant dense<0.000000e+00> : vector<128x128xf32>
    %dot_general3A_16 = tpu.matmul %max3A_11, %get3A_14, %dot_general3A_15 {dimension_numbers = #tpu.dot_dimension_numbers<[1], [0], [0], [1], [0, 0, 1, 1], [], []>, transpose_lhs_hint = false} : vector<128x128xf32>, vector<128x128xf32>, vector<128x128xf32> -> vector<128x128xf32>
    %get3A_17 = arith.constant 0 : index
    %get3A_18 = arith.constant 0 : index
    %get3A_19 = vector.load %arg5[%get3A_17, %get3A_18] : memref<1x128xf32, #tpu.memory_space<vmem>>, vector<1x128xf32>
    %add3A_20 = vector.broadcast %get3A_19 : vector<1x128xf32> to vector<128x128xf32>
    %add3A_21 = arith.addf %dot_general3A_16, %add3A_20 : vector<128x128xf32>
    %reduce_sum3A = arith.constant dense<0.000000e+00> : vector<128xf32>
    %reduce_sum3A_22 = vector.multi_reduction <add>, %add3A_21, %reduce_sum3A [1] : vector<128x128xf32> to vector<128xf32>
    %broadcast_in_dim3A = vector.shape_cast %reduce_sum3A_22 : vector<128xf32> to vector<128x1xf32>
    %div3A = arith.constant 1.280000e+02 : f32
    %div3A_23 = vector.broadcast %div3A : f32 to vector<128x1xf32>
    %div3A_24 = arith.divf %broadcast_in_dim3A, %div3A_23 : vector<128x1xf32>
    %sub3A = vector.broadcast %div3A_24 : vector<128x1xf32> to vector<128x128xf32>
    %sub3A_25 = arith.subf %add3A_21, %sub3A : vector<128x128xf32>
    %sub3A_26 = vector.broadcast %div3A_24 : vector<128x1xf32> to vector<128x128xf32>
    %sub3A_27 = arith.subf %add3A_21, %sub3A_26 : vector<128x128xf32>
    %mul3A = arith.mulf %sub3A_25, %sub3A_27 : vector<128x128xf32>
    %reduce_sum3A_28 = arith.constant dense<0.000000e+00> : vector<128xf32>
    %reduce_sum3A_29 = vector.multi_reduction <add>, %mul3A, %reduce_sum3A_28 [1] : vector<128x128xf32> to vector<128xf32>
    %broadcast_in_dim3A_30 = vector.shape_cast %reduce_sum3A_29 : vector<128xf32> to vector<128x1xf32>
    %div3A_31 = arith.constant 1.280000e+02 : f32
    %div3A_32 = vector.broadcast %div3A_31 : f32 to vector<128x1xf32>
    %div3A_33 = arith.divf %broadcast_in_dim3A_30, %div3A_32 : vector<128x1xf32>
    %sub3A_34 = vector.broadcast %div3A_24 : vector<128x1xf32> to vector<128x128xf32>
    %sub3A_35 = arith.subf %add3A_21, %sub3A_34 : vector<128x128xf32>
    %add3A_36 = arith.constant 9.99999974E-6 : f32
    %add3A_37 = vector.broadcast %add3A_36 : f32 to vector<128x1xf32>
    %add3A_38 = arith.addf %div3A_33, %add3A_37 : vector<128x1xf32>
    %rsqrt3A = math.rsqrt %add3A_38 : vector<128x1xf32>
    %mul3A_39 = vector.broadcast %rsqrt3A : vector<128x1xf32> to vector<128x128xf32>
    %mul3A_40 = arith.mulf %sub3A_35, %mul3A_39 : vector<128x128xf32>
    %get3A_41 = arith.constant 0 : index
    %get3A_42 = arith.constant 0 : index
    %get3A_43 = vector.load %arg6[%get3A_41, %get3A_42] : memref<8x128xf32, #tpu.memory_space<vmem>>, vector<1x128xf32>
    %add3A_44 = vector.broadcast %get3A_43 : vector<1x128xf32> to vector<128x128xf32>
    %add3A_45 = arith.addf %mul3A_40, %add3A_44 : vector<128x128xf32>
    %swap3A = arith.constant 0 : index
    %swap3A_46 = arith.constant 0 : index
    %swap3A_47 = vector.load %arg9[%swap3A, %swap3A_46] : memref<128x128xf32, #tpu.memory_space<vmem>>, vector<128x128xf32>
    tpu.vector_store %arg9[%swap3A, %swap3A_46], %add3A_45 {strides = array<i32>} : memref<128x128xf32, #tpu.memory_space<vmem>>, vector<128x128xf32>,
    %get3A_48 = arith.constant 0 : index
    %get3A_49 = arith.constant 0 : index
    %get3A_50 = vector.load %arg7[%get3A_48, %get3A_49] : memref<128x128xf32, #tpu.memory_space<vmem>>, vector<128x128xf32>
    %dot_general3A_51 = arith.constant dense<0.000000e+00> : vector<128x128xf32>
    %dot_general3A_52 = tpu.matmul %add3A_45, %get3A_50, %dot_general3A_51 {dimension_numbers = #tpu.dot_dimension_numbers<[1], [0], [0], [1], [0, 0, 1, 1], [], []>, transpose_lhs_hint = false} : vector<128x128xf32>, vector<128x128xf32>, vector<128x128xf32> -> vector<128x128xf32>
    %swap3A_53 = arith.constant 0 : index
    %swap3A_54 = arith.constant 0 : index
    %swap3A_55 = vector.load %arg10[%swap3A_53, %swap3A_54] : memref<128x128xf32, #tpu.memory_space<vmem>>, vector<128x128xf32>
    tpu.vector_store %arg10[%swap3A_53, %swap3A_54], %dot_general3A_52 {strides = array<i32>} : memref<128x128xf32, #tpu.memory_space<vmem>>, vector<128x128xf32>,
    %get3A_56 = arith.constant 0 : index
    %get3A_57 = arith.constant 0 : index
    %get3A_58 = vector.load %arg8[%get3A_56, %get3A_57] : memref<128x128xf32, #tpu.memory_space<vmem>>, vector<128x128xf32>
    %dot_general3A_59 = arith.constant dense<0.000000e+00> : vector<128x128xf32>
    %dot_general3A_60 = tpu.matmul %add3A_45, %get3A_58, %dot_general3A_59 {dimension_numbers = #tpu.dot_dimension_numbers<[1], [0], [0], [1], [0, 0, 1, 1], [], []>, transpose_lhs_hint = false} : vector<128x128xf32>, vector<128x128xf32>, vector<128x128xf32> -> vector<128x128xf32>
    %swap3A_61 = arith.constant 0 : index
    %swap3A_62 = arith.constant 0 : index
    %swap3A_63 = vector.load %arg11[%swap3A_61, %swap3A_62] : memref<128x128xf32, #tpu.memory_space<vmem>>, vector<128x128xf32>
    tpu.vector_store %arg11[%swap3A_61, %swap3A_62], %dot_general3A_60 {strides = array<i32>} : memref<128x128xf32, #tpu.memory_space<vmem>>, vector<128x128xf32>,
    return
  }
  func.func @transform_0(%arg0: i32) -> (i32, i32) {
    %c0_i32 = arith.constant 0 : i32
    %c0_i32_0 = arith.constant 0 : i32
    return %arg0, %c0_i32 : i32, i32
  }
  func.func @transform_1(%arg0: i32) -> (i32, i32) {
    %c0_i32 = arith.constant 0 : i32
    %c0_i32_0 = arith.constant 0 : i32
    %c0_i32_1 = arith.constant 0 : i32
    return %c0_i32, %c0_i32_0 : i32, i32
  }
  func.func @transform_2(%arg0: i32) -> (i32, i32) {
    %c0_i32 = arith.constant 0 : i32
    %c0_i32_0 = arith.constant 0 : i32
    %c0_i32_1 = arith.constant 0 : i32
    return %c0_i32, %c0_i32_0 : i32, i32
  }
  func.func @transform_3(%arg0: i32) -> (i32, i32) {
    %c0_i32 = arith.constant 0 : i32
    %c0_i32_0 = arith.constant 0 : i32
    %c0_i32_1 = arith.constant 0 : i32
    return %c0_i32, %c0_i32_0 : i32, i32
  }
  func.func @transform_4(%arg0: i32) -> (i32, i32) {
    %c0_i32 = arith.constant 0 : i32
    %c0_i32_0 = arith.constant 0 : i32
    %c0_i32_1 = arith.constant 0 : i32
    return %c0_i32, %c0_i32_0 : i32, i32
  }
  func.func @transform_5(%arg0: i32) -> (i32, i32) {
    %c0_i32 = arith.constant 0 : i32
    %c0_i32_0 = arith.constant 0 : i32
    %c0_i32_1 = arith.constant 0 : i32
    return %c0_i32, %c0_i32_0 : i32, i32
  }
  func.func @transform_6(%arg0: i32) -> (i32, i32) {
    %c0_i32 = arith.constant 0 : i32
    %c0_i32_0 = arith.constant 0 : i32
    %c0_i32_1 = arith.constant 0 : i32
    return %c0_i32, %c0_i32_0 : i32, i32
  }
  func.func @transform_7(%arg0: i32) -> (i32, i32) {
    %c0_i32 = arith.constant 0 : i32
    %c0_i32_0 = arith.constant 0 : i32
    %c0_i32_1 = arith.constant 0 : i32
    return %c0_i32, %c0_i32_0 : i32, i32
  }
  func.func @transform_8(%arg0: i32) -> (i32, i32) {
    %c0_i32 = arith.constant 0 : i32
    %c0_i32_0 = arith.constant 0 : i32
    return %arg0, %c0_i32 : i32, i32
  }
  func.func @transform_9(%arg0: i32) -> (i32, i32) {
    %c0_i32 = arith.constant 0 : i32
    %c0_i32_0 = arith.constant 0 : i32
    return %arg0, %c0_i32 : i32, i32
  }
  func.func @transform_10(%arg0: i32) -> (i32, i32) {
    %c0_i32 = arith.constant 0 : i32
    %c0_i32_0 = arith.constant 0 : i32
    return %arg0, %c0_i32 : i32, i32
  }
}

module attributes {stable_mosaic.version = 14 : i64} {
  func.func @_edge_enc_body(%arg0: i32, %arg1: memref<784xi32, #tpu.memory_space<smem>>, %arg2: memref<512x128xf32, #tpu.memory_space<vmem>>, %arg3: memref<512x1xi32, #tpu.memory_space<vmem>>, %arg4: memref<10112x16xf32, #tpu.memory_space<vmem>>, %arg5: memref<16x128xf32, #tpu.memory_space<vmem>>, %arg6: memref<1x128xf32, #tpu.memory_space<vmem>>, %arg7: memref<128x128xf32, #tpu.memory_space<vmem>>, %arg8: memref<1x128xf32, #tpu.memory_space<vmem>>, %arg9: memref<512x128xf32, #tpu.memory_space<vmem>>) attributes {dimension_semantics = [#tpu.dimension_semantics<arbitrary>], iteration_bounds = array<i64: 784>, scalar_prefetch = 1 : i64, scratch_operands = 0 : i64, tpu.core_type = #tpu.core_type<tc>, window_params = [{transform_indices = @transform_0, window_bounds = array<i64: 512, 128>}, {transform_indices = @transform_1, window_bounds = array<i64: 512, 1>}, {pipeline_mode = #tpu.pipeline_mode<synchronous>, transform_indices = @transform_2, window_bounds = array<i64: 10112, 16>}, {pipeline_mode = #tpu.pipeline_mode<synchronous>, transform_indices = @transform_3, window_bounds = array<i64: 16, 128>}, {pipeline_mode = #tpu.pipeline_mode<synchronous>, transform_indices = @transform_4, window_bounds = array<i64: 1, 128>}, {pipeline_mode = #tpu.pipeline_mode<synchronous>, transform_indices = @transform_5, window_bounds = array<i64: 128, 128>}, {pipeline_mode = #tpu.pipeline_mode<synchronous>, transform_indices = @transform_6, window_bounds = array<i64: 1, 128>}, {transform_indices = @transform_7, window_bounds = array<i64: 512, 128>}]} {
    %get3A = arith.index_cast %arg0 : i32 to index
    %get3A_0 = memref.load %arg1[%get3A] : memref<784xi32, #tpu.memory_space<smem>>
    %get3A_1 = arith.constant 0 : index
    %get3A_2 = arith.constant 0 : index
    %get3A_3 = vector.load %arg3[%get3A_1, %get3A_2] : memref<512x1xi32, #tpu.memory_space<vmem>>, vector<512x1xi32>
    %sub3A = vector.broadcast %get3A_0 : i32 to vector<512x1xi32>
    %sub3A_4 = arith.subi %get3A_3, %sub3A : vector<512x1xi32>
    %iota3A = tpu.iota {dimensions = array<i32: 1>} : vector<512x72xi32>
    %eq3A = vector.broadcast %sub3A_4 : vector<512x1xi32> to vector<512x72xi32>
    %eq3A_5 = arith.cmpi eq, %eq3A, %iota3A : vector<512x72xi32>
    %convert_element_type3A = arith.extui %eq3A_5 : vector<512x72xi1> to vector<512x72xi32>
    %convert_element_type3A_6 = arith.sitofp %convert_element_type3A : vector<512x72xi32> to vector<512x72xf32>
    %get3A_7 = arith.index_cast %get3A_0 : i32 to index
    %get3A_8 = arith.constant 0 : index
    %get3A_9 = vector.load %arg4[%get3A_7, %get3A_8] : memref<10112x16xf32, #tpu.memory_space<vmem>>, vector<72x16xf32>
    %dot_general3A = arith.constant dense<0.000000e+00> : vector<512x16xf32>
    %dot_general3A_10 = tpu.matmul %convert_element_type3A_6, %get3A_9, %dot_general3A {dimension_numbers = #tpu.dot_dimension_numbers<[1], [0], [0], [1], [0, 0, 1, 1], [], []>, transpose_lhs_hint = false} : vector<512x72xf32>, vector<72x16xf32>, vector<512x16xf32> -> vector<512x16xf32>
    %get3A_11 = arith.constant 0 : index
    %get3A_12 = arith.constant 0 : index
    %get3A_13 = vector.load %arg2[%get3A_11, %get3A_12] : memref<512x128xf32, #tpu.memory_space<vmem>>, vector<512x16xf32>
    %sub3A_14 = arith.subf %get3A_13, %dot_general3A_10 : vector<512x16xf32>
    %mul3A = arith.mulf %sub3A_14, %sub3A_14 : vector<512x16xf32>
    %reduce_sum3A = arith.constant dense<0.000000e+00> : vector<512xf32>
    %reduce_sum3A_15 = vector.multi_reduction <add>, %mul3A, %reduce_sum3A [1] : vector<512x16xf32> to vector<512xf32>
    %broadcast_in_dim3A = vector.shape_cast %reduce_sum3A_15 : vector<512xf32> to vector<512x1xf32>
    %sqrt3A = math.sqrt %broadcast_in_dim3A : vector<512x1xf32>
    %iota3A_16 = tpu.iota {dimensions = array<i32: 1>} : vector<512x16xi32>
    %eq3A_17 = arith.constant 3 : i32
    %eq3A_18 = vector.broadcast %eq3A_17 : i32 to vector<512x16xi32>
    %eq3A_19 = arith.cmpi eq, %iota3A_16, %eq3A_18 : vector<512x16xi32>
    %jit3A = arith.constant 0.000000e+00 : f32
    %broadcast_in_dim3A_20 = vector.shape_cast %sqrt3A : vector<512x1xf32> to vector<512x1xf32>
    %broadcast_in_dim3A_21 = vector.broadcast %broadcast_in_dim3A_20 : vector<512x1xf32> to vector<512x16xf32>
    %broadcast_in_dim3A_22 = vector.broadcast %jit3A : f32 to vector<512x16xf32>
    %select_n3A = arith.select %eq3A_19, %broadcast_in_dim3A_21, %broadcast_in_dim3A_22 : vector<512x16xi1>, vector<512x16xf32>
    %add3A = arith.addf %sub3A_14, %select_n3A : vector<512x16xf32>
    %get3A_23 = arith.constant 0 : index
    %get3A_24 = arith.constant 0 : index
    %get3A_25 = vector.load %arg5[%get3A_23, %get3A_24] : memref<16x128xf32, #tpu.memory_space<vmem>>, vector<16x128xf32>
    %dot_general3A_26 = arith.constant dense<0.000000e+00> : vector<512x128xf32>
    %dot_general3A_27 = tpu.matmul %add3A, %get3A_25, %dot_general3A_26 {dimension_numbers = #tpu.dot_dimension_numbers<[1], [0], [0], [1], [0, 0, 1, 1], [], []>, transpose_lhs_hint = false} : vector<512x16xf32>, vector<16x128xf32>, vector<512x128xf32> -> vector<512x128xf32>
    %get3A_28 = arith.constant 0 : index
    %get3A_29 = arith.constant 0 : index
    %get3A_30 = vector.load %arg6[%get3A_28, %get3A_29] : memref<1x128xf32, #tpu.memory_space<vmem>>, vector<1x128xf32>
    %add3A_31 = vector.broadcast %get3A_30 : vector<1x128xf32> to vector<512x128xf32>
    %add3A_32 = arith.addf %dot_general3A_27, %add3A_31 : vector<512x128xf32>
    %max3A = arith.constant 0.000000e+00 : f32
    %max3A_33 = vector.broadcast %max3A : f32 to vector<512x128xf32>
    %max3A_34 = arith.maximumf %add3A_32, %max3A_33 : vector<512x128xf32>
    %get3A_35 = arith.constant 0 : index
    %get3A_36 = arith.constant 0 : index
    %get3A_37 = vector.load %arg7[%get3A_35, %get3A_36] : memref<128x128xf32, #tpu.memory_space<vmem>>, vector<128x128xf32>
    %dot_general3A_38 = arith.constant dense<0.000000e+00> : vector<512x128xf32>
    %dot_general3A_39 = tpu.matmul %max3A_34, %get3A_37, %dot_general3A_38 {dimension_numbers = #tpu.dot_dimension_numbers<[1], [0], [0], [1], [0, 0, 1, 1], [], []>, transpose_lhs_hint = false} : vector<512x128xf32>, vector<128x128xf32>, vector<512x128xf32> -> vector<512x128xf32>
    %get3A_40 = arith.constant 0 : index
    %get3A_41 = arith.constant 0 : index
    %get3A_42 = vector.load %arg8[%get3A_40, %get3A_41] : memref<1x128xf32, #tpu.memory_space<vmem>>, vector<1x128xf32>
    %add3A_43 = vector.broadcast %get3A_42 : vector<1x128xf32> to vector<512x128xf32>
    %add3A_44 = arith.addf %dot_general3A_39, %add3A_43 : vector<512x128xf32>
    %reduce_sum3A_45 = arith.constant dense<0.000000e+00> : vector<512xf32>
    %reduce_sum3A_46 = vector.multi_reduction <add>, %add3A_44, %reduce_sum3A_45 [1] : vector<512x128xf32> to vector<512xf32>
    %broadcast_in_dim3A_47 = vector.shape_cast %reduce_sum3A_46 : vector<512xf32> to vector<512x1xf32>
    %div3A = arith.constant 1.280000e+02 : f32
    %div3A_48 = vector.broadcast %div3A : f32 to vector<512x1xf32>
    %div3A_49 = arith.divf %broadcast_in_dim3A_47, %div3A_48 : vector<512x1xf32>
    %sub3A_50 = vector.broadcast %div3A_49 : vector<512x1xf32> to vector<512x128xf32>
    %sub3A_51 = arith.subf %add3A_44, %sub3A_50 : vector<512x128xf32>
    %sub3A_52 = vector.broadcast %div3A_49 : vector<512x1xf32> to vector<512x128xf32>
    %sub3A_53 = arith.subf %add3A_44, %sub3A_52 : vector<512x128xf32>
    %mul3A_54 = arith.mulf %sub3A_51, %sub3A_53 : vector<512x128xf32>
    %reduce_sum3A_55 = arith.constant dense<0.000000e+00> : vector<512xf32>
    %reduce_sum3A_56 = vector.multi_reduction <add>, %mul3A_54, %reduce_sum3A_55 [1] : vector<512x128xf32> to vector<512xf32>
    %broadcast_in_dim3A_57 = vector.shape_cast %reduce_sum3A_56 : vector<512xf32> to vector<512x1xf32>
    %div3A_58 = arith.constant 1.280000e+02 : f32
    %div3A_59 = vector.broadcast %div3A_58 : f32 to vector<512x1xf32>
    %div3A_60 = arith.divf %broadcast_in_dim3A_57, %div3A_59 : vector<512x1xf32>
    %sub3A_61 = vector.broadcast %div3A_49 : vector<512x1xf32> to vector<512x128xf32>
    %sub3A_62 = arith.subf %add3A_44, %sub3A_61 : vector<512x128xf32>
    %add3A_63 = arith.constant 9.99999974E-6 : f32
    %add3A_64 = vector.broadcast %add3A_63 : f32 to vector<512x1xf32>
    %add3A_65 = arith.addf %div3A_60, %add3A_64 : vector<512x1xf32>
    %rsqrt3A = math.rsqrt %add3A_65 : vector<512x1xf32>
    %mul3A_66 = vector.broadcast %rsqrt3A : vector<512x1xf32> to vector<512x128xf32>
    %mul3A_67 = arith.mulf %sub3A_62, %mul3A_66 : vector<512x128xf32>
    %swap3A = arith.constant 0 : index
    %swap3A_68 = arith.constant 0 : index
    %swap3A_69 = vector.load %arg9[%swap3A, %swap3A_68] : memref<512x128xf32, #tpu.memory_space<vmem>>, vector<512x128xf32>
    tpu.vector_store %arg9[%swap3A, %swap3A_68], %mul3A_67 {strides = array<i32>} : memref<512x128xf32, #tpu.memory_space<vmem>>, vector<512x128xf32>,
    return
  }
  func.func @transform_0(%arg0: i32, %arg1: memref<784xi32, #tpu.memory_space<smem>>) -> (i32, i32) {
    %c0_i32 = arith.constant 0 : i32
    %c0_i32_0 = arith.constant 0 : i32
    return %arg0, %c0_i32 : i32, i32
  }
  func.func @transform_1(%arg0: i32, %arg1: memref<784xi32, #tpu.memory_space<smem>>) -> (i32, i32) {
    %c0_i32 = arith.constant 0 : i32
    %c0_i32_0 = arith.constant 0 : i32
    return %arg0, %c0_i32 : i32, i32
  }
  func.func @transform_2(%arg0: i32, %arg1: memref<784xi32, #tpu.memory_space<smem>>) -> (i32, i32) {
    %c0_i32 = arith.constant 0 : i32
    %c0_i32_0 = arith.constant 0 : i32
    %c0_i32_1 = arith.constant 0 : i32
    return %c0_i32, %c0_i32_0 : i32, i32
  }
  func.func @transform_3(%arg0: i32, %arg1: memref<784xi32, #tpu.memory_space<smem>>) -> (i32, i32) {
    %c0_i32 = arith.constant 0 : i32
    %c0_i32_0 = arith.constant 0 : i32
    %c0_i32_1 = arith.constant 0 : i32
    return %c0_i32, %c0_i32_0 : i32, i32
  }
  func.func @transform_4(%arg0: i32, %arg1: memref<784xi32, #tpu.memory_space<smem>>) -> (i32, i32) {
    %c0_i32 = arith.constant 0 : i32
    %c0_i32_0 = arith.constant 0 : i32
    %c0_i32_1 = arith.constant 0 : i32
    return %c0_i32, %c0_i32_0 : i32, i32
  }
  func.func @transform_5(%arg0: i32, %arg1: memref<784xi32, #tpu.memory_space<smem>>) -> (i32, i32) {
    %c0_i32 = arith.constant 0 : i32
    %c0_i32_0 = arith.constant 0 : i32
    %c0_i32_1 = arith.constant 0 : i32
    return %c0_i32, %c0_i32_0 : i32, i32
  }
  func.func @transform_6(%arg0: i32, %arg1: memref<784xi32, #tpu.memory_space<smem>>) -> (i32, i32) {
    %c0_i32 = arith.constant 0 : i32
    %c0_i32_0 = arith.constant 0 : i32
    %c0_i32_1 = arith.constant 0 : i32
    return %c0_i32, %c0_i32_0 : i32, i32
  }
  func.func @transform_7(%arg0: i32, %arg1: memref<784xi32, #tpu.memory_space<smem>>) -> (i32, i32) {
    %c0_i32 = arith.constant 0 : i32
    %c0_i32_0 = arith.constant 0 : i32
    return %arg0, %c0_i32 : i32, i32
  }
}

module attributes {stable_mosaic.version = 14 : i64} {
  func.func @_edge_step_body(%arg0: i32, %arg1: memref<784xi32, #tpu.memory_space<smem>>, %arg2: memref<512x128xf32, #tpu.memory_space<vmem>>, %arg3: memref<512x128xf32, #tpu.memory_space<vmem>>, %arg4: memref<512x1xi32, #tpu.memory_space<vmem>>, %arg5: memref<512x1xf32, #tpu.memory_space<vmem>>, %arg6: memref<10112x128xf32, #tpu.memory_space<vmem>>, %arg7: memref<128x128xf32, #tpu.memory_space<vmem>>, %arg8: memref<128x128xf32, #tpu.memory_space<vmem>>, %arg9: memref<1x128xf32, #tpu.memory_space<vmem>>, %arg10: memref<1x128xf32, #tpu.memory_space<vmem>>, %arg11: memref<1x128xf32, #tpu.memory_space<vmem>>, %arg12: memref<512x128xf32, #tpu.memory_space<vmem>>, %arg13: memref<10112x128xf32, #tpu.memory_space<vmem>>, %arg14: memref<10112x8xf32, #tpu.memory_space<vmem>>) attributes {dimension_semantics = [#tpu.dimension_semantics<arbitrary>], iteration_bounds = array<i64: 784>, scalar_prefetch = 1 : i64, scratch_operands = 0 : i64, tpu.core_type = #tpu.core_type<tc>, window_params = [{transform_indices = @transform_0, window_bounds = array<i64: 512, 128>}, {transform_indices = @transform_1, window_bounds = array<i64: 512, 128>}, {transform_indices = @transform_2, window_bounds = array<i64: 512, 1>}, {transform_indices = @transform_3, window_bounds = array<i64: 512, 1>}, {pipeline_mode = #tpu.pipeline_mode<synchronous>, transform_indices = @transform_4, window_bounds = array<i64: 10112, 128>}, {pipeline_mode = #tpu.pipeline_mode<synchronous>, transform_indices = @transform_5, window_bounds = array<i64: 128, 128>}, {pipeline_mode = #tpu.pipeline_mode<synchronous>, transform_indices = @transform_6, window_bounds = array<i64: 128, 128>}, {pipeline_mode = #tpu.pipeline_mode<synchronous>, transform_indices = @transform_7, window_bounds = array<i64: 1, 128>}, {pipeline_mode = #tpu.pipeline_mode<synchronous>, transform_indices = @transform_8, window_bounds = array<i64: 1, 128>}, {pipeline_mode = #tpu.pipeline_mode<synchronous>, transform_indices = @transform_9, window_bounds = array<i64: 1, 128>}, {transform_indices = @transform_10, window_bounds = array<i64: 512, 128>}, {pipeline_mode = #tpu.pipeline_mode<synchronous>, transform_indices = @transform_11, window_bounds = array<i64: 10112, 128>}, {pipeline_mode = #tpu.pipeline_mode<synchronous>, transform_indices = @transform_12, window_bounds = array<i64: 10112, 8>}]} {
    %eq3A = arith.constant 0 : i32
    %eq3A_0 = arith.cmpi eq, %arg0, %eq3A : i32
    %convert_element_type3A = arith.extui %eq3A_0 : i1 to i32
    %cond3A = arith.constant 0 : i32
    %cond3A_1 = arith.cmpi ne, %convert_element_type3A, %cond3A : i32
    scf.if %cond3A_1 {
      %broadcast_in_dim3A_109 = arith.constant 0.000000e+00 : f32
      %broadcast_in_dim3A_110 = vector.broadcast %broadcast_in_dim3A_109 : f32 to vector<10112x128xf32>
      %swap3A_111 = arith.constant 0 : index
      %swap3A_112 = arith.constant 0 : index
      %swap3A_113 = vector.load %arg13[%swap3A_111, %swap3A_112] : memref<10112x128xf32, #tpu.memory_space<vmem>>, vector<10112x128xf32>
      tpu.vector_store %arg13[%swap3A_111, %swap3A_112], %broadcast_in_dim3A_110 {strides = array<i32>} : memref<10112x128xf32, #tpu.memory_space<vmem>>, vector<10112x128xf32>,
      %broadcast_in_dim3A_114 = arith.constant 0.000000e+00 : f32
      %broadcast_in_dim3A_115 = vector.broadcast %broadcast_in_dim3A_114 : f32 to vector<10112x8xf32>
      %swap3A_116 = arith.constant 0 : index
      %swap3A_117 = arith.constant 0 : index
      %swap3A_118 = vector.load %arg14[%swap3A_116, %swap3A_117] : memref<10112x8xf32, #tpu.memory_space<vmem>>, vector<10112x8xf32>
      tpu.vector_store %arg14[%swap3A_116, %swap3A_117], %broadcast_in_dim3A_115 {strides = array<i32>} : memref<10112x8xf32, #tpu.memory_space<vmem>>, vector<10112x8xf32>,
    } else {
    }
    %get3A = arith.index_cast %arg0 : i32 to index
    %get3A_2 = memref.load %arg1[%get3A] : memref<784xi32, #tpu.memory_space<smem>>
    %get3A_3 = arith.constant 0 : index
    %get3A_4 = arith.constant 0 : index
    %get3A_5 = vector.load %arg2[%get3A_3, %get3A_4] : memref<512x128xf32, #tpu.memory_space<vmem>>, vector<512x128xf32>
    %get3A_6 = arith.constant 0 : index
    %get3A_7 = arith.constant 0 : index
    %get3A_8 = vector.load %arg4[%get3A_6, %get3A_7] : memref<512x1xi32, #tpu.memory_space<vmem>>, vector<512x1xi32>
    %sub3A = vector.broadcast %get3A_2 : i32 to vector<512x1xi32>
    %sub3A_9 = arith.subi %get3A_8, %sub3A : vector<512x1xi32>
    %get3A_10 = arith.constant 0 : index
    %get3A_11 = arith.constant 0 : index
    %get3A_12 = vector.load %arg5[%get3A_10, %get3A_11] : memref<512x1xf32, #tpu.memory_space<vmem>>, vector<512x1xf32>
    %iota3A = tpu.iota {dimensions = array<i32: 1>} : vector<512x72xi32>
    %eq3A_13 = vector.broadcast %sub3A_9 : vector<512x1xi32> to vector<512x72xi32>
    %eq3A_14 = arith.cmpi eq, %eq3A_13, %iota3A : vector<512x72xi32>
    %convert_element_type3A_15 = arith.extui %eq3A_14 : vector<512x72xi1> to vector<512x72xi32>
    %convert_element_type3A_16 = arith.sitofp %convert_element_type3A_15 : vector<512x72xi32> to vector<512x72xf32>
    %get3A_17 = arith.index_cast %get3A_2 : i32 to index
    %get3A_18 = arith.constant 0 : index
    %get3A_19 = vector.load %arg6[%get3A_17, %get3A_18] : memref<10112x128xf32, #tpu.memory_space<vmem>>, vector<72x128xf32>
    %dot_general3A = arith.constant dense<0.000000e+00> : vector<512x128xf32>
    %dot_general3A_20 = tpu.matmul %convert_element_type3A_16, %get3A_19, %dot_general3A {dimension_numbers = #tpu.dot_dimension_numbers<[1], [0], [0], [1], [0, 0, 1, 1], [], []>, transpose_lhs_hint = false} : vector<512x72xf32>, vector<72x128xf32>, vector<512x128xf32> -> vector<512x128xf32>
    %get3A_21 = arith.constant 0 : index
    %get3A_22 = arith.constant 0 : index
    %get3A_23 = vector.load %arg7[%get3A_21, %get3A_22] : memref<128x128xf32, #tpu.memory_space<vmem>>, vector<128x128xf32>
    %dot_general3A_24 = arith.constant dense<0.000000e+00> : vector<512x128xf32>
    %dot_general3A_25 = tpu.matmul %get3A_5, %get3A_23, %dot_general3A_24 {dimension_numbers = #tpu.dot_dimension_numbers<[1], [0], [0], [1], [0, 0, 1, 1], [], []>, transpose_lhs_hint = false} : vector<512x128xf32>, vector<128x128xf32>, vector<512x128xf32> -> vector<512x128xf32>
    %get3A_26 = arith.constant 0 : index
    %get3A_27 = arith.constant 0 : index
    %get3A_28 = vector.load %arg3[%get3A_26, %get3A_27] : memref<512x128xf32, #tpu.memory_space<vmem>>, vector<512x128xf32>
    %add3A = arith.addf %dot_general3A_25, %get3A_28 : vector<512x128xf32>
    %add3A_29 = arith.addf %add3A, %dot_general3A_20 : vector<512x128xf32>
    %get3A_30 = arith.constant 0 : index
    %get3A_31 = arith.constant 0 : index
    %get3A_32 = vector.load %arg9[%get3A_30, %get3A_31] : memref<1x128xf32, #tpu.memory_space<vmem>>, vector<1x128xf32>
    %add3A_33 = vector.broadcast %get3A_32 : vector<1x128xf32> to vector<512x128xf32>
    %add3A_34 = arith.addf %add3A_29, %add3A_33 : vector<512x128xf32>
    %max3A = arith.constant 0.000000e+00 : f32
    %max3A_35 = vector.broadcast %max3A : f32 to vector<512x128xf32>
    %max3A_36 = arith.maximumf %add3A_34, %max3A_35 : vector<512x128xf32>
    %get3A_37 = arith.constant 0 : index
    %get3A_38 = arith.constant 0 : index
    %get3A_39 = vector.load %arg8[%get3A_37, %get3A_38] : memref<128x128xf32, #tpu.memory_space<vmem>>, vector<128x128xf32>
    %dot_general3A_40 = arith.constant dense<0.000000e+00> : vector<512x128xf32>
    %dot_general3A_41 = tpu.matmul %max3A_36, %get3A_39, %dot_general3A_40 {dimension_numbers = #tpu.dot_dimension_numbers<[1], [0], [0], [1], [0, 0, 1, 1], [], []>, transpose_lhs_hint = false} : vector<512x128xf32>, vector<128x128xf32>, vector<512x128xf32> -> vector<512x128xf32>
    %get3A_42 = arith.constant 0 : index
    %get3A_43 = arith.constant 0 : index
    %get3A_44 = vector.load %arg10[%get3A_42, %get3A_43] : memref<1x128xf32, #tpu.memory_space<vmem>>, vector<1x128xf32>
    %add3A_45 = vector.broadcast %get3A_44 : vector<1x128xf32> to vector<512x128xf32>
    %add3A_46 = arith.addf %dot_general3A_41, %add3A_45 : vector<512x128xf32>
    %reduce_sum3A = arith.constant dense<0.000000e+00> : vector<512xf32>
    %reduce_sum3A_47 = vector.multi_reduction <add>, %add3A_46, %reduce_sum3A [1] : vector<512x128xf32> to vector<512xf32>
    %broadcast_in_dim3A = vector.shape_cast %reduce_sum3A_47 : vector<512xf32> to vector<512x1xf32>
    %div3A = arith.constant 1.280000e+02 : f32
    %div3A_48 = vector.broadcast %div3A : f32 to vector<512x1xf32>
    %div3A_49 = arith.divf %broadcast_in_dim3A, %div3A_48 : vector<512x1xf32>
    %sub3A_50 = vector.broadcast %div3A_49 : vector<512x1xf32> to vector<512x128xf32>
    %sub3A_51 = arith.subf %add3A_46, %sub3A_50 : vector<512x128xf32>
    %sub3A_52 = vector.broadcast %div3A_49 : vector<512x1xf32> to vector<512x128xf32>
    %sub3A_53 = arith.subf %add3A_46, %sub3A_52 : vector<512x128xf32>
    %mul3A = arith.mulf %sub3A_51, %sub3A_53 : vector<512x128xf32>
    %reduce_sum3A_54 = arith.constant dense<0.000000e+00> : vector<512xf32>
    %reduce_sum3A_55 = vector.multi_reduction <add>, %mul3A, %reduce_sum3A_54 [1] : vector<512x128xf32> to vector<512xf32>
    %broadcast_in_dim3A_56 = vector.shape_cast %reduce_sum3A_55 : vector<512xf32> to vector<512x1xf32>
    %div3A_57 = arith.constant 1.280000e+02 : f32
    %div3A_58 = vector.broadcast %div3A_57 : f32 to vector<512x1xf32>
    %div3A_59 = arith.divf %broadcast_in_dim3A_56, %div3A_58 : vector<512x1xf32>
    %sub3A_60 = vector.broadcast %div3A_49 : vector<512x1xf32> to vector<512x128xf32>
    %sub3A_61 = arith.subf %add3A_46, %sub3A_60 : vector<512x128xf32>
    %add3A_62 = arith.constant 9.99999974E-6 : f32
    %add3A_63 = vector.broadcast %add3A_62 : f32 to vector<512x1xf32>
    %add3A_64 = arith.addf %div3A_59, %add3A_63 : vector<512x1xf32>
    %rsqrt3A = math.rsqrt %add3A_64 : vector<512x1xf32>
    %mul3A_65 = vector.broadcast %rsqrt3A : vector<512x1xf32> to vector<512x128xf32>
    %mul3A_66 = arith.mulf %sub3A_61, %mul3A_65 : vector<512x128xf32>
    %add3A_67 = arith.addf %mul3A_66, %get3A_5 : vector<512x128xf32>
    %swap3A = arith.constant 0 : index
    %swap3A_68 = arith.constant 0 : index
    %swap3A_69 = vector.load %arg12[%swap3A, %swap3A_68] : memref<512x128xf32, #tpu.memory_space<vmem>>, vector<512x128xf32>
    tpu.vector_store %arg12[%swap3A, %swap3A_68], %add3A_67 {strides = array<i32>} : memref<512x128xf32, #tpu.memory_space<vmem>>, vector<512x128xf32>,
    %get3A_70 = arith.constant 0 : index
    %get3A_71 = arith.constant 0 : index
    %get3A_72 = vector.load %arg11[%get3A_70, %get3A_71] : memref<1x128xf32, #tpu.memory_space<vmem>>, vector<1x128xf32>
    %mul3A_73 = vector.broadcast %get3A_72 : vector<1x128xf32> to vector<512x128xf32>
    %mul3A_74 = arith.mulf %add3A_67, %mul3A_73 : vector<512x128xf32>
    %reduce_sum3A_75 = arith.constant dense<0.000000e+00> : vector<512xf32>
    %reduce_sum3A_76 = vector.multi_reduction <add>, %mul3A_74, %reduce_sum3A_75 [1] : vector<512x128xf32> to vector<512xf32>
    %broadcast_in_dim3A_77 = vector.shape_cast %reduce_sum3A_76 : vector<512xf32> to vector<512x1xf32>
    %ge3A = arith.constant 0.000000e+00 : f32
    %ge3A_78 = vector.broadcast %ge3A : f32 to vector<512x1xf32>
    %ge3A_79 = arith.cmpf oge, %broadcast_in_dim3A_77, %ge3A_78 : vector<512x1xf32>
    %mul3A_80 = arith.constant 2.000000e-01 : f32
    %mul3A_81 = vector.broadcast %mul3A_80 : f32 to vector<512x1xf32>
    %mul3A_82 = arith.mulf %mul3A_81, %broadcast_in_dim3A_77 : vector<512x1xf32>
    %select_n3A = arith.select %ge3A_79, %broadcast_in_dim3A_77, %mul3A_82 : vector<512x1xi1>, vector<512x1xf32>
    %gt3A = arith.constant 5.000000e-01 : f32
    %gt3A_83 = vector.broadcast %gt3A : f32 to vector<512x1xf32>
    %gt3A_84 = arith.cmpf ogt, %get3A_12, %gt3A_83 : vector<512x1xf32>
    %exp3A = math.exp %select_n3A : vector<512x1xf32>
    %jit3A = arith.constant 0.000000e+00 : f32
    %broadcast_in_dim3A_85 = vector.broadcast %jit3A : f32 to vector<512x1xf32>
    %select_n3A_86 = arith.select %gt3A_84, %exp3A, %broadcast_in_dim3A_85 : vector<512x1xi1>, vector<512x1xf32>
    %mul3A_87 = vector.broadcast %select_n3A_86 : vector<512x1xf32> to vector<512x128xf32>
    %mul3A_88 = arith.mulf %add3A_67, %mul3A_87 : vector<512x128xf32>
    %dot_general3A_89 = arith.constant dense<0.000000e+00> : vector<72x128xf32>
    %dot_general3A_90 = tpu.matmul %convert_element_type3A_16, %mul3A_88, %dot_general3A_89 {dimension_numbers = #tpu.dot_dimension_numbers<[0], [0], [1], [1], [0, 1, 1, 1], [], []>, transpose_lhs_hint = false} : vector<512x72xf32>, vector<512x128xf32>, vector<72x128xf32> -> vector<72x128xf32>
    %broadcast_in_dim3A_91 = vector.shape_cast %select_n3A_86 : vector<512x1xf32> to vector<512x1xf32>
    %broadcast_in_dim3A_92 = vector.broadcast %broadcast_in_dim3A_91 : vector<512x1xf32> to vector<512x8xf32>
    %dot_general3A_93 = arith.constant dense<0.000000e+00> : vector<72x8xf32>
    %dot_general3A_94 = tpu.matmul %convert_element_type3A_16, %broadcast_in_dim3A_92, %dot_general3A_93 {dimension_numbers = #tpu.dot_dimension_numbers<[0], [0], [1], [1], [0, 1, 1, 1], [], []>, transpose_lhs_hint = false} : vector<512x72xf32>, vector<512x8xf32>, vector<72x8xf32> -> vector<72x8xf32>
    %get3A_95 = arith.index_cast %get3A_2 : i32 to index
    %get3A_96 = arith.constant 0 : index
    %get3A_97 = vector.load %arg13[%get3A_95, %get3A_96] : memref<10112x128xf32, #tpu.memory_space<vmem>>, vector<72x128xf32>
    %add3A_98 = arith.addf %get3A_97, %dot_general3A_90 : vector<72x128xf32>
    %swap3A_99 = arith.index_cast %get3A_2 : i32 to index
    %swap3A_100 = arith.constant 0 : index
    %swap3A_101 = vector.load %arg13[%swap3A_99, %swap3A_100] : memref<10112x128xf32, #tpu.memory_space<vmem>>, vector<72x128xf32>
    tpu.vector_store %arg13[%swap3A_99, %swap3A_100], %add3A_98 {strides = array<i32>} : memref<10112x128xf32, #tpu.memory_space<vmem>>, vector<72x128xf32>,
    %get3A_102 = arith.index_cast %get3A_2 : i32 to index
    %get3A_103 = arith.constant 0 : index
    %get3A_104 = vector.load %arg14[%get3A_102, %get3A_103] : memref<10112x8xf32, #tpu.memory_space<vmem>>, vector<72x8xf32>
    %add3A_105 = arith.addf %get3A_104, %dot_general3A_94 : vector<72x8xf32>
    %swap3A_106 = arith.index_cast %get3A_2 : i32 to index
    %swap3A_107 = arith.constant 0 : index
    %swap3A_108 = vector.load %arg14[%swap3A_106, %swap3A_107] : memref<10112x8xf32, #tpu.memory_space<vmem>>, vector<72x8xf32>
    tpu.vector_store %arg14[%swap3A_106, %swap3A_107], %add3A_105 {strides = array<i32>} : memref<10112x8xf32, #tpu.memory_space<vmem>>, vector<72x8xf32>,
    return
  }
  func.func @transform_0(%arg0: i32, %arg1: memref<784xi32, #tpu.memory_space<smem>>) -> (i32, i32) {
    %c0_i32 = arith.constant 0 : i32
    %c0_i32_0 = arith.constant 0 : i32
    return %arg0, %c0_i32 : i32, i32
  }
  func.func @transform_1(%arg0: i32, %arg1: memref<784xi32, #tpu.memory_space<smem>>) -> (i32, i32) {
    %c0_i32 = arith.constant 0 : i32
    %c0_i32_0 = arith.constant 0 : i32
    return %arg0, %c0_i32 : i32, i32
  }
  func.func @transform_2(%arg0: i32, %arg1: memref<784xi32, #tpu.memory_space<smem>>) -> (i32, i32) {
    %c0_i32 = arith.constant 0 : i32
    %c0_i32_0 = arith.constant 0 : i32
    return %arg0, %c0_i32 : i32, i32
  }
  func.func @transform_3(%arg0: i32, %arg1: memref<784xi32, #tpu.memory_space<smem>>) -> (i32, i32) {
    %c0_i32 = arith.constant 0 : i32
    %c0_i32_0 = arith.constant 0 : i32
    return %arg0, %c0_i32 : i32, i32
  }
  func.func @transform_4(%arg0: i32, %arg1: memref<784xi32, #tpu.memory_space<smem>>) -> (i32, i32) {
    %c0_i32 = arith.constant 0 : i32
    %c0_i32_0 = arith.constant 0 : i32
    %c0_i32_1 = arith.constant 0 : i32
    return %c0_i32, %c0_i32_0 : i32, i32
  }
  func.func @transform_5(%arg0: i32, %arg1: memref<784xi32, #tpu.memory_space<smem>>) -> (i32, i32) {
    %c0_i32 = arith.constant 0 : i32
    %c0_i32_0 = arith.constant 0 : i32
    %c0_i32_1 = arith.constant 0 : i32
    return %c0_i32, %c0_i32_0 : i32, i32
  }
  func.func @transform_6(%arg0: i32, %arg1: memref<784xi32, #tpu.memory_space<smem>>) -> (i32, i32) {
    %c0_i32 = arith.constant 0 : i32
    %c0_i32_0 = arith.constant 0 : i32
    %c0_i32_1 = arith.constant 0 : i32
    return %c0_i32, %c0_i32_0 : i32, i32
  }
  func.func @transform_7(%arg0: i32, %arg1: memref<784xi32, #tpu.memory_space<smem>>) -> (i32, i32) {
    %c0_i32 = arith.constant 0 : i32
    %c0_i32_0 = arith.constant 0 : i32
    %c0_i32_1 = arith.constant 0 : i32
    return %c0_i32, %c0_i32_0 : i32, i32
  }
  func.func @transform_8(%arg0: i32, %arg1: memref<784xi32, #tpu.memory_space<smem>>) -> (i32, i32) {
    %c0_i32 = arith.constant 0 : i32
    %c0_i32_0 = arith.constant 0 : i32
    %c0_i32_1 = arith.constant 0 : i32
    return %c0_i32, %c0_i32_0 : i32, i32
  }
  func.func @transform_9(%arg0: i32, %arg1: memref<784xi32, #tpu.memory_space<smem>>) -> (i32, i32) {
    %c0_i32 = arith.constant 0 : i32
    %c0_i32_0 = arith.constant 0 : i32
    %c0_i32_1 = arith.constant 0 : i32
    return %c0_i32, %c0_i32_0 : i32, i32
  }
  func.func @transform_10(%arg0: i32, %arg1: memref<784xi32, #tpu.memory_space<smem>>) -> (i32, i32) {
    %c0_i32 = arith.constant 0 : i32
    %c0_i32_0 = arith.constant 0 : i32
    return %arg0, %c0_i32 : i32, i32
  }
  func.func @transform_11(%arg0: i32, %arg1: memref<784xi32, #tpu.memory_space<smem>>) -> (i32, i32) {
    %c0_i32 = arith.constant 0 : i32
    %c0_i32_0 = arith.constant 0 : i32
    %c0_i32_1 = arith.constant 0 : i32
    return %c0_i32, %c0_i32_0 : i32, i32
  }
  func.func @transform_12(%arg0: i32, %arg1: memref<784xi32, #tpu.memory_space<smem>>) -> (i32, i32) {
    %c0_i32 = arith.constant 0 : i32
    %c0_i32_0 = arith.constant 0 : i32
    %c0_i32_1 = arith.constant 0 : i32
    return %c0_i32, %c0_i32_0 : i32, i32
  }
}

module attributes {stable_mosaic.version = 14 : i64} {
  func.func @_node_step_body(%arg0: i32, %arg1: memref<128x128xf32, #tpu.memory_space<vmem>>, %arg2: memref<128x8xf32, #tpu.memory_space<vmem>>, %arg3: memref<128x128xf32, #tpu.memory_space<vmem>>, %arg4: memref<128x128xf32, #tpu.memory_space<vmem>>, %arg5: memref<128x128xf32, #tpu.memory_space<vmem>>, %arg6: memref<1x128xf32, #tpu.memory_space<vmem>>, %arg7: memref<128x128xf32, #tpu.memory_space<vmem>>, %arg8: memref<1x128xf32, #tpu.memory_space<vmem>>, %arg9: memref<128x128xf32, #tpu.memory_space<vmem>>, %arg10: memref<128x128xf32, #tpu.memory_space<vmem>>, %arg11: memref<128x128xf32, #tpu.memory_space<vmem>>, %arg12: memref<128x128xf32, #tpu.memory_space<vmem>>, %arg13: memref<128x128xf32, #tpu.memory_space<vmem>>) attributes {dimension_semantics = [#tpu.dimension_semantics<arbitrary>], iteration_bounds = array<i64: 79>, scalar_prefetch = 0 : i64, scratch_operands = 0 : i64, tpu.core_type = #tpu.core_type<tc>, window_params = [{transform_indices = @transform_0, window_bounds = array<i64: 128, 128>}, {transform_indices = @transform_1, window_bounds = array<i64: 128, 8>}, {transform_indices = @transform_2, window_bounds = array<i64: 128, 128>}, {pipeline_mode = #tpu.pipeline_mode<synchronous>, transform_indices = @transform_3, window_bounds = array<i64: 128, 128>}, {pipeline_mode = #tpu.pipeline_mode<synchronous>, transform_indices = @transform_4, window_bounds = array<i64: 128, 128>}, {pipeline_mode = #tpu.pipeline_mode<synchronous>, transform_indices = @transform_5, window_bounds = array<i64: 1, 128>}, {pipeline_mode = #tpu.pipeline_mode<synchronous>, transform_indices = @transform_6, window_bounds = array<i64: 128, 128>}, {pipeline_mode = #tpu.pipeline_mode<synchronous>, transform_indices = @transform_7, window_bounds = array<i64: 1, 128>}, {pipeline_mode = #tpu.pipeline_mode<synchronous>, transform_indices = @transform_8, window_bounds = array<i64: 128, 128>}, {pipeline_mode = #tpu.pipeline_mode<synchronous>, transform_indices = @transform_9, window_bounds = array<i64: 128, 128>}, {transform_indices = @transform_10, window_bounds = array<i64: 128, 128>}, {transform_indices = @transform_11, window_bounds = array<i64: 128, 128>}, {transform_indices = @transform_12, window_bounds = array<i64: 128, 128>}]} {
    %get3A = arith.constant 0 : index
    %get3A_0 = arith.constant 0 : index
    %get3A_1 = vector.load %arg1[%get3A, %get3A_0] : memref<128x128xf32, #tpu.memory_space<vmem>>, vector<128x128xf32>
    %get3A_2 = arith.constant 0 : index
    %get3A_3 = arith.constant 0 : index
    %get3A_4 = vector.load %arg2[%get3A_2, %get3A_3] : memref<128x8xf32, #tpu.memory_space<vmem>>, vector<128x1xf32>
    %max3A = arith.constant 9.99999968E-21 : f32
    %max3A_5 = vector.broadcast %max3A : f32 to vector<128x1xf32>
    %max3A_6 = arith.maximumf %get3A_4, %max3A_5 : vector<128x1xf32>
    %div3A = vector.broadcast %max3A_6 : vector<128x1xf32> to vector<128x128xf32>
    %div3A_7 = arith.divf %get3A_1, %div3A : vector<128x128xf32>
    %get3A_8 = arith.constant 0 : index
    %get3A_9 = arith.constant 0 : index
    %get3A_10 = vector.load %arg3[%get3A_8, %get3A_9] : memref<128x128xf32, #tpu.memory_space<vmem>>, vector<128x128xf32>
    %get3A_11 = arith.constant 0 : index
    %get3A_12 = arith.constant 0 : index
    %get3A_13 = vector.load %arg4[%get3A_11, %get3A_12] : memref<128x128xf32, #tpu.memory_space<vmem>>, vector<128x128xf32>
    %dot_general3A = arith.constant dense<0.000000e+00> : vector<128x128xf32>
    %dot_general3A_14 = tpu.matmul %get3A_10, %get3A_13, %dot_general3A {dimension_numbers = #tpu.dot_dimension_numbers<[1], [0], [0], [1], [0, 0, 1, 1], [], []>, transpose_lhs_hint = false} : vector<128x128xf32>, vector<128x128xf32>, vector<128x128xf32> -> vector<128x128xf32>
    %get3A_15 = arith.constant 0 : index
    %get3A_16 = arith.constant 0 : index
    %get3A_17 = vector.load %arg5[%get3A_15, %get3A_16] : memref<128x128xf32, #tpu.memory_space<vmem>>, vector<128x128xf32>
    %dot_general3A_18 = arith.constant dense<0.000000e+00> : vector<128x128xf32>
    %dot_general3A_19 = tpu.matmul %div3A_7, %get3A_17, %dot_general3A_18 {dimension_numbers = #tpu.dot_dimension_numbers<[1], [0], [0], [1], [0, 0, 1, 1], [], []>, transpose_lhs_hint = false} : vector<128x128xf32>, vector<128x128xf32>, vector<128x128xf32> -> vector<128x128xf32>
    %add3A = arith.addf %dot_general3A_14, %dot_general3A_19 : vector<128x128xf32>
    %get3A_20 = arith.constant 0 : index
    %get3A_21 = arith.constant 0 : index
    %get3A_22 = vector.load %arg6[%get3A_20, %get3A_21] : memref<1x128xf32, #tpu.memory_space<vmem>>, vector<1x128xf32>
    %add3A_23 = vector.broadcast %get3A_22 : vector<1x128xf32> to vector<128x128xf32>
    %add3A_24 = arith.addf %add3A, %add3A_23 : vector<128x128xf32>
    %max3A_25 = arith.constant 0.000000e+00 : f32
    %max3A_26 = vector.broadcast %max3A_25 : f32 to vector<128x128xf32>
    %max3A_27 = arith.maximumf %add3A_24, %max3A_26 : vector<128x128xf32>
    %get3A_28 = arith.constant 0 : index
    %get3A_29 = arith.constant 0 : index
    %get3A_30 = vector.load %arg7[%get3A_28, %get3A_29] : memref<128x128xf32, #tpu.memory_space<vmem>>, vector<128x128xf32>
    %dot_general3A_31 = arith.constant dense<0.000000e+00> : vector<128x128xf32>
    %dot_general3A_32 = tpu.matmul %max3A_27, %get3A_30, %dot_general3A_31 {dimension_numbers = #tpu.dot_dimension_numbers<[1], [0], [0], [1], [0, 0, 1, 1], [], []>, transpose_lhs_hint = false} : vector<128x128xf32>, vector<128x128xf32>, vector<128x128xf32> -> vector<128x128xf32>
    %get3A_33 = arith.constant 0 : index
    %get3A_34 = arith.constant 0 : index
    %get3A_35 = vector.load %arg8[%get3A_33, %get3A_34] : memref<1x128xf32, #tpu.memory_space<vmem>>, vector<1x128xf32>
    %add3A_36 = vector.broadcast %get3A_35 : vector<1x128xf32> to vector<128x128xf32>
    %add3A_37 = arith.addf %dot_general3A_32, %add3A_36 : vector<128x128xf32>
    %reduce_sum3A = arith.constant dense<0.000000e+00> : vector<128xf32>
    %reduce_sum3A_38 = vector.multi_reduction <add>, %add3A_37, %reduce_sum3A [1] : vector<128x128xf32> to vector<128xf32>
    %broadcast_in_dim3A = vector.shape_cast %reduce_sum3A_38 : vector<128xf32> to vector<128x1xf32>
    %div3A_39 = arith.constant 1.280000e+02 : f32
    %div3A_40 = vector.broadcast %div3A_39 : f32 to vector<128x1xf32>
    %div3A_41 = arith.divf %broadcast_in_dim3A, %div3A_40 : vector<128x1xf32>
    %sub3A = vector.broadcast %div3A_41 : vector<128x1xf32> to vector<128x128xf32>
    %sub3A_42 = arith.subf %add3A_37, %sub3A : vector<128x128xf32>
    %sub3A_43 = vector.broadcast %div3A_41 : vector<128x1xf32> to vector<128x128xf32>
    %sub3A_44 = arith.subf %add3A_37, %sub3A_43 : vector<128x128xf32>
    %mul3A = arith.mulf %sub3A_42, %sub3A_44 : vector<128x128xf32>
    %reduce_sum3A_45 = arith.constant dense<0.000000e+00> : vector<128xf32>
    %reduce_sum3A_46 = vector.multi_reduction <add>, %mul3A, %reduce_sum3A_45 [1] : vector<128x128xf32> to vector<128xf32>
    %broadcast_in_dim3A_47 = vector.shape_cast %reduce_sum3A_46 : vector<128xf32> to vector<128x1xf32>
    %div3A_48 = arith.constant 1.280000e+02 : f32
    %div3A_49 = vector.broadcast %div3A_48 : f32 to vector<128x1xf32>
    %div3A_50 = arith.divf %broadcast_in_dim3A_47, %div3A_49 : vector<128x1xf32>
    %sub3A_51 = vector.broadcast %div3A_41 : vector<128x1xf32> to vector<128x128xf32>
    %sub3A_52 = arith.subf %add3A_37, %sub3A_51 : vector<128x128xf32>
    %add3A_53 = arith.constant 9.99999974E-6 : f32
    %add3A_54 = vector.broadcast %add3A_53 : f32 to vector<128x1xf32>
    %add3A_55 = arith.addf %div3A_50, %add3A_54 : vector<128x1xf32>
    %rsqrt3A = math.rsqrt %add3A_55 : vector<128x1xf32>
    %mul3A_56 = vector.broadcast %rsqrt3A : vector<128x1xf32> to vector<128x128xf32>
    %mul3A_57 = arith.mulf %sub3A_52, %mul3A_56 : vector<128x128xf32>
    %add3A_58 = arith.addf %mul3A_57, %get3A_10 : vector<128x128xf32>
    %swap3A = arith.constant 0 : index
    %swap3A_59 = arith.constant 0 : index
    %swap3A_60 = vector.load %arg11[%swap3A, %swap3A_59] : memref<128x128xf32, #tpu.memory_space<vmem>>, vector<128x128xf32>
    tpu.vector_store %arg11[%swap3A, %swap3A_59], %add3A_58 {strides = array<i32>} : memref<128x128xf32, #tpu.memory_space<vmem>>, vector<128x128xf32>,
    %get3A_61 = arith.constant 0 : index
    %get3A_62 = arith.constant 0 : index
    %get3A_63 = vector.load %arg9[%get3A_61, %get3A_62] : memref<128x128xf32, #tpu.memory_space<vmem>>, vector<128x128xf32>
    %dot_general3A_64 = arith.constant dense<0.000000e+00> : vector<128x128xf32>
    %dot_general3A_65 = tpu.matmul %add3A_58, %get3A_63, %dot_general3A_64 {dimension_numbers = #tpu.dot_dimension_numbers<[1], [0], [0], [1], [0, 0, 1, 1], [], []>, transpose_lhs_hint = false} : vector<128x128xf32>, vector<128x128xf32>, vector<128x128xf32> -> vector<128x128xf32>
    %swap3A_66 = arith.constant 0 : index
    %swap3A_67 = arith.constant 0 : index
    %swap3A_68 = vector.load %arg12[%swap3A_66, %swap3A_67] : memref<128x128xf32, #tpu.memory_space<vmem>>, vector<128x128xf32>
    tpu.vector_store %arg12[%swap3A_66, %swap3A_67], %dot_general3A_65 {strides = array<i32>} : memref<128x128xf32, #tpu.memory_space<vmem>>, vector<128x128xf32>,
    %get3A_69 = arith.constant 0 : index
    %get3A_70 = arith.constant 0 : index
    %get3A_71 = vector.load %arg10[%get3A_69, %get3A_70] : memref<128x128xf32, #tpu.memory_space<vmem>>, vector<128x128xf32>
    %dot_general3A_72 = arith.constant dense<0.000000e+00> : vector<128x128xf32>
    %dot_general3A_73 = tpu.matmul %add3A_58, %get3A_71, %dot_general3A_72 {dimension_numbers = #tpu.dot_dimension_numbers<[1], [0], [0], [1], [0, 0, 1, 1], [], []>, transpose_lhs_hint = false} : vector<128x128xf32>, vector<128x128xf32>, vector<128x128xf32> -> vector<128x128xf32>
    %swap3A_74 = arith.constant 0 : index
    %swap3A_75 = arith.constant 0 : index
    %swap3A_76 = vector.load %arg13[%swap3A_74, %swap3A_75] : memref<128x128xf32, #tpu.memory_space<vmem>>, vector<128x128xf32>
    tpu.vector_store %arg13[%swap3A_74, %swap3A_75], %dot_general3A_73 {strides = array<i32>} : memref<128x128xf32, #tpu.memory_space<vmem>>, vector<128x128xf32>,
    return
  }
  func.func @transform_0(%arg0: i32) -> (i32, i32) {
    %c0_i32 = arith.constant 0 : i32
    %c0_i32_0 = arith.constant 0 : i32
    return %arg0, %c0_i32 : i32, i32
  }
  func.func @transform_1(%arg0: i32) -> (i32, i32) {
    %c0_i32 = arith.constant 0 : i32
    %c0_i32_0 = arith.constant 0 : i32
    return %arg0, %c0_i32 : i32, i32
  }
  func.func @transform_2(%arg0: i32) -> (i32, i32) {
    %c0_i32 = arith.constant 0 : i32
    %c0_i32_0 = arith.constant 0 : i32
    return %arg0, %c0_i32 : i32, i32
  }
  func.func @transform_3(%arg0: i32) -> (i32, i32) {
    %c0_i32 = arith.constant 0 : i32
    %c0_i32_0 = arith.constant 0 : i32
    %c0_i32_1 = arith.constant 0 : i32
    return %c0_i32, %c0_i32_0 : i32, i32
  }
  func.func @transform_4(%arg0: i32) -> (i32, i32) {
    %c0_i32 = arith.constant 0 : i32
    %c0_i32_0 = arith.constant 0 : i32
    %c0_i32_1 = arith.constant 0 : i32
    return %c0_i32, %c0_i32_0 : i32, i32
  }
  func.func @transform_5(%arg0: i32) -> (i32, i32) {
    %c0_i32 = arith.constant 0 : i32
    %c0_i32_0 = arith.constant 0 : i32
    %c0_i32_1 = arith.constant 0 : i32
    return %c0_i32, %c0_i32_0 : i32, i32
  }
  func.func @transform_6(%arg0: i32) -> (i32, i32) {
    %c0_i32 = arith.constant 0 : i32
    %c0_i32_0 = arith.constant 0 : i32
    %c0_i32_1 = arith.constant 0 : i32
    return %c0_i32, %c0_i32_0 : i32, i32
  }
  func.func @transform_7(%arg0: i32) -> (i32, i32) {
    %c0_i32 = arith.constant 0 : i32
    %c0_i32_0 = arith.constant 0 : i32
    %c0_i32_1 = arith.constant 0 : i32
    return %c0_i32, %c0_i32_0 : i32, i32
  }
  func.func @transform_8(%arg0: i32) -> (i32, i32) {
    %c0_i32 = arith.constant 0 : i32
    %c0_i32_0 = arith.constant 0 : i32
    %c0_i32_1 = arith.constant 0 : i32
    return %c0_i32, %c0_i32_0 : i32, i32
  }
  func.func @transform_9(%arg0: i32) -> (i32, i32) {
    %c0_i32 = arith.constant 0 : i32
    %c0_i32_0 = arith.constant 0 : i32
    %c0_i32_1 = arith.constant 0 : i32
    return %c0_i32, %c0_i32_0 : i32, i32
  }
  func.func @transform_10(%arg0: i32) -> (i32, i32) {
    %c0_i32 = arith.constant 0 : i32
    %c0_i32_0 = arith.constant 0 : i32
    return %arg0, %c0_i32 : i32, i32
  }
  func.func @transform_11(%arg0: i32) -> (i32, i32) {
    %c0_i32 = arith.constant 0 : i32
    %c0_i32_0 = arith.constant 0 : i32
    return %arg0, %c0_i32 : i32, i32
  }
  func.func @transform_12(%arg0: i32) -> (i32, i32) {
    %c0_i32 = arith.constant 0 : i32
    %c0_i32_0 = arith.constant 0 : i32
    return %arg0, %c0_i32 : i32, i32
  }
}

module attributes {stable_mosaic.version = 14 : i64} {
  func.func @_dec_body(%arg0: i32, %arg1: memref<128x128xf32, #tpu.memory_space<vmem>>, %arg2: memref<128x128xf32, #tpu.memory_space<vmem>>, %arg3: memref<1x128xf32, #tpu.memory_space<vmem>>, %arg4: memref<128x128xf32, #tpu.memory_space<vmem>>, %arg5: memref<1x128xf32, #tpu.memory_space<vmem>>, %arg6: memref<128x128xf32, #tpu.memory_space<vmem>>) attributes {dimension_semantics = [#tpu.dimension_semantics<arbitrary>], iteration_bounds = array<i64: 79>, scalar_prefetch = 0 : i64, scratch_operands = 0 : i64, tpu.core_type = #tpu.core_type<tc>, window_params = [{transform_indices = @transform_0, window_bounds = array<i64: 128, 128>}, {pipeline_mode = #tpu.pipeline_mode<synchronous>, transform_indices = @transform_1, window_bounds = array<i64: 128, 128>}, {pipeline_mode = #tpu.pipeline_mode<synchronous>, transform_indices = @transform_2, window_bounds = array<i64: 1, 128>}, {pipeline_mode = #tpu.pipeline_mode<synchronous>, transform_indices = @transform_3, window_bounds = array<i64: 128, 128>}, {pipeline_mode = #tpu.pipeline_mode<synchronous>, transform_indices = @transform_4, window_bounds = array<i64: 1, 128>}, {transform_indices = @transform_5, window_bounds = array<i64: 128, 128>}]} {
    %get3A = arith.constant 0 : index
    %get3A_0 = arith.constant 0 : index
    %get3A_1 = vector.load %arg1[%get3A, %get3A_0] : memref<128x128xf32, #tpu.memory_space<vmem>>, vector<128x128xf32>
    %get3A_2 = arith.constant 0 : index
    %get3A_3 = arith.constant 0 : index
    %get3A_4 = vector.load %arg2[%get3A_2, %get3A_3] : memref<128x128xf32, #tpu.memory_space<vmem>>, vector<128x128xf32>
    %dot_general3A = arith.constant dense<0.000000e+00> : vector<128x128xf32>
    %dot_general3A_5 = tpu.matmul %get3A_1, %get3A_4, %dot_general3A {dimension_numbers = #tpu.dot_dimension_numbers<[1], [0], [0], [1], [0, 0, 1, 1], [], []>, transpose_lhs_hint = false} : vector<128x128xf32>, vector<128x128xf32>, vector<128x128xf32> -> vector<128x128xf32>
    %get3A_6 = arith.constant 0 : index
    %get3A_7 = arith.constant 0 : index
    %get3A_8 = vector.load %arg3[%get3A_6, %get3A_7] : memref<1x128xf32, #tpu.memory_space<vmem>>, vector<1x128xf32>
    %add3A = vector.broadcast %get3A_8 : vector<1x128xf32> to vector<128x128xf32>
    %add3A_9 = arith.addf %dot_general3A_5, %add3A : vector<128x128xf32>
    %max3A = arith.constant 0.000000e+00 : f32
    %max3A_10 = vector.broadcast %max3A : f32 to vector<128x128xf32>
    %max3A_11 = arith.maximumf %add3A_9, %max3A_10 : vector<128x128xf32>
    %get3A_12 = arith.constant 0 : index
    %get3A_13 = arith.constant 0 : index
    %get3A_14 = vector.load %arg4[%get3A_12, %get3A_13] : memref<128x128xf32, #tpu.memory_space<vmem>>, vector<128x128xf32>
    %dot_general3A_15 = arith.constant dense<0.000000e+00> : vector<128x128xf32>
    %dot_general3A_16 = tpu.matmul %max3A_11, %get3A_14, %dot_general3A_15 {dimension_numbers = #tpu.dot_dimension_numbers<[1], [0], [0], [1], [0, 0, 1, 1], [], []>, transpose_lhs_hint = false} : vector<128x128xf32>, vector<128x128xf32>, vector<128x128xf32> -> vector<128x128xf32>
    %get3A_17 = arith.constant 0 : index
    %get3A_18 = arith.constant 0 : index
    %get3A_19 = vector.load %arg5[%get3A_17, %get3A_18] : memref<1x128xf32, #tpu.memory_space<vmem>>, vector<1x128xf32>
    %add3A_20 = vector.broadcast %get3A_19 : vector<1x128xf32> to vector<128x128xf32>
    %add3A_21 = arith.addf %dot_general3A_16, %add3A_20 : vector<128x128xf32>
    %swap3A = arith.constant 0 : index
    %swap3A_22 = arith.constant 0 : index
    %swap3A_23 = vector.load %arg6[%swap3A, %swap3A_22] : memref<128x128xf32, #tpu.memory_space<vmem>>, vector<128x128xf32>
    tpu.vector_store %arg6[%swap3A, %swap3A_22], %add3A_21 {strides = array<i32>} : memref<128x128xf32, #tpu.memory_space<vmem>>, vector<128x128xf32>,
    return
  }
  func.func @transform_0(%arg0: i32) -> (i32, i32) {
    %c0_i32 = arith.constant 0 : i32
    %c0_i32_0 = arith.constant 0 : i32
    return %arg0, %c0_i32 : i32, i32
  }
  func.func @transform_1(%arg0: i32) -> (i32, i32) {
    %c0_i32 = arith.constant 0 : i32
    %c0_i32_0 = arith.constant 0 : i32
    %c0_i32_1 = arith.constant 0 : i32
    return %c0_i32, %c0_i32_0 : i32, i32
  }
  func.func @transform_2(%arg0: i32) -> (i32, i32) {
    %c0_i32 = arith.constant 0 : i32
    %c0_i32_0 = arith.constant 0 : i32
    %c0_i32_1 = arith.constant 0 : i32
    return %c0_i32, %c0_i32_0 : i32, i32
  }
  func.func @transform_3(%arg0: i32) -> (i32, i32) {
    %c0_i32 = arith.constant 0 : i32
    %c0_i32_0 = arith.constant 0 : i32
    %c0_i32_1 = arith.constant 0 : i32
    return %c0_i32, %c0_i32_0 : i32, i32
  }
  func.func @transform_4(%arg0: i32) -> (i32, i32) {
    %c0_i32 = arith.constant 0 : i32
    %c0_i32_0 = arith.constant 0 : i32
    %c0_i32_1 = arith.constant 0 : i32
    return %c0_i32, %c0_i32_0 : i32, i32
  }
  func.func @transform_5(%arg0: i32) -> (i32, i32) {
    %c0_i32 = arith.constant 0 : i32
    %c0_i32_0 = arith.constant 0 : i32
    return %arg0, %c0_i32 : i32, i32
  }
}

</mosaic_0001>

<sc_bundles>
// kernel: closed_call.20.cloned.1.call-start
scs
__scs_entry_jumppad:
0x0: {  	(pc) =	sbr.rel $0x88, $3  }
0x1: {  	(tag) =	ssettag $0x0;
	lr =	simm.s32 $0x1  }
0x2: {  	[smem:$0x3F83] =	sst lr;
	_ =	strace $0xD0000000  }
0x3: {  	_ = 	snop  }
0x4: {  	_ = 	snop  }
0x5: {  	_ = 	snop  }
0x6: {  	_ = 	snop  }
0x7: {  	_ = 	snop  }
__scs_overlays_trampoline_lowered:
0x8: {  	[smem:$0x3F92] =	sst s0  }
0x9: {  	[smem:$0x3F93] =	sst s1  }
0xa: {  	[smem:$0x3F94] =	sst s2  }
0xb: {  	[smem:$0x3F95] =	sst s3  }
0xc: {  	[smem:$0x3F96] =	sst s4  }
0xd: {  	[smem:$0x3F97] =	sst s5  }
0xe: {  	[smem:$0x3F98] =	sst s6  }
0xf: {  	[smem:$0x3F99] =	sst s7  }
0x10: {  	[smem:$0x3F9A] =	sst s8  }
0x11: {  	[smem:$0x3F9B] =	sst s9;
	s0 =	simm.s32 @!p0 $0x0  }
0x12: {  	s1 =	sld [smem:$0x3F81];
	s0 =	simm.s32 @p0 $0x1  }
0x13: {  	[smem:$0x3F9C] =	sst s0;
	s0 =	simm.s32 @!p1 $0x0  }
0x14: {  	s2 =	sld [smem:$0x3F80];
	s0 =	simm.s32 @p1 $0x1  }
0x15: {  	[smem:$0x3F9D] =	sst s0;
	s0 =	simm.s32 @!p2 $0x0  }
0x16: {  	s3 =	sld [smem:$0x3FDB];
	s0 =	simm.s32 @p2 $0x1  }
0x17: {  	s4 =	simm.s32 $0x1BF5;
	[smem:$0x3F9F] =	sst s0  }
0x18: {  	s0 =	sld [smem:$0x3F82];
	_ =	swait.ge [sflag:s4], $0x0  }
0x19: {  	s7 =	sld [smem:$0x3F83]  }
0x1a: {  	s8 =	sadd.s32 $0xFFFFE003, lr  }
0x1b: {  	s9 =	sadd.s32 $0xFFFFFEF7, lr;
	s5 =	simm.s32 $0xFFFFFFFF;
	p2 =	slt.u32 s8, $0xFFFFF086  }
0x1c: {  	p1 =	slt.u32 s9, $0xF7A;
	s5 =	simm.s32 @!p2 $0x0  }
0x1d: {  	s5 =	simm.s32 @p1 $0x1;
	p0 =	seq.s32 s7, s2  }
0x1e: {  	s7 =	smul.u32 @!p0 $0xF7A, s2;
	p2 =	seq.s32 @!p0 s5, $0x0  }
0x1f: {  	s9 =	smul.u32 $0xF7A, s1;
	s8 =	simm.s32 @!p0 $0x1BF5;
	p2 =	por !p2, p0  }
0x20: {  	[sflag:s8] =	ssyncset.s32 @!p0 $0xFFFFF086;
	s6 =	sadd.s32 @!p0 s3, s7;
	s7 =	simm.s32 @!p0 $0x108  }
0x21: {  	s3 =	sadd.s32 s3, s9;
	s6 =	sadd.s32 @!p0 $0x88, s6;
	s7 =	simm.s32 @p2 $0x1082  }
0x22: {  	[simem:s7], [sflag:s8] =	dma.local @!p0 [hbm:s6], $0xF7A  }
0x23: {  	s9 =	sor.u32 $0xD0000000, s2;
	s6 =	simm.s32 $0x108;
	_ =	swait.ge @!p0 [sflag:s8], $0x0  }
0x24: {  	s3 =	sadd.s32 $0x88, s3;
	s6 =	simm.s32 @!p1 $0x1082;
	[sflag:s4] =	ssyncset.s32 $0xFFFFF086  }
0x25: {  	[simem:s6], [sflag:s4] =	dma.local [hbm:s3], $0xF7A  }
0x26: {  	[smem:$0x3F83] =	sst s1;
	(tag) =	ssettag s2;
	_ =	strace s9  }
0x27: {  	s1 =	sld [smem:$0x3F93]  }
0x28: {  	s2 =	sld [smem:$0x3F94]  }
0x29: {  	s4 =	sld [smem:$0x3F96]  }
0x2a: {  	p0 =	seq.s32 s5, $0x0;
	s5 =	sld [smem:$0x3F97]  }
0x2b: {  	s6 =	sld [smem:$0x3F98]  }
0x2c: {  	s7 =	sld [smem:$0x3F99]  }
0x2d: {  	s3 =	simm.s32 $0x108;
	s8 =	sld [smem:$0x3F9A]  }
0x2e: {  	s3 =	simm.s32 @!p0 $0x1082;
	s9 =	sld [smem:$0x3F9B]  }
0x2f: {  	lr =	sadd.s32 s0, s3;
	s0 =	sld [smem:$0x3F92]  }
0x30: {  	s3 =	sld [smem:$0x3F95]  }
0x31: {  	[smem:$0x3F9E] =	sst s10  }
0x32: {  	s10 =	sld [smem:$0x3F9C];
	_ =	sdelay $0x3  }
0x33: {  	p0 =	seq.s32 s10, $0x1;
	s10 =	sld [smem:$0x3F9E];
	_ =	sdelay $0x3  }
0x34: {  	[smem:$0x3F9E] =	sst s10  }
0x35: {  	s10 =	sld [smem:$0x3F9D];
	_ =	sdelay $0x3  }
0x36: {  	p1 =	seq.s32 s10, $0x1;
	s10 =	sld [smem:$0x3F9E];
	_ =	sdelay $0x3  }
0x37: {  	[smem:$0x3F9E] =	sst s10  }
0x38: {  	s10 =	sld [smem:$0x3F9F]  }
0x39: {  	_ = 	snop;
	(pc) =	sbr.ind lr, $3  }
0x3a: {  	_ = 	snop  }
0x3b: {  	_ = 	snop  }
0x3c: {  	p2 =	seq.s32 s10, $0x1;
	s10 =	sld [smem:$0x3F9E]  }
0x3d: {  	_ =	shalt  }
0x3e: {  	_ =	shalt  }
0x3f: {  	_ =	shalt  }
0x40: {  	_ =	shalt  }
0x41: {  	_ =	shalt  }
0x42: {  	_ =	shalt  }
0x43: {  	_ =	shalt  }
0x44: {  	_ =	shalt  }
0x45: {  	_ =	shalt  }
0x46: {  	_ =	shalt  }
0x47: {  	_ =	shalt  }
0x48: {  	_ =	shalt  }
0x49: {  	_ =	shalt  }
0x4a: {  	_ =	shalt  }
0x4b: {  	_ =	shalt  }
0x4c: {  	_ =	shalt  }
0x4d: {  	_ =	shalt  }
0x4e: {  	_ =	shalt  }
0x4f: {  	_ =	shalt  }
0x50: {  	_ =	shalt  }
0x51: {  	_ =	shalt  }
0x52: {  	_ =	shalt  }
0x53: {  	_ =	shalt  }
0x54: {  	_ =	shalt  }
0x55: {  	_ =	shalt  }
0x56: {  	_ =	shalt  }
0x57: {  	_ =	shalt  }
0x58: {  	_ =	shalt  }
0x59: {  	_ =	shalt  }
0x5a: {  	_ =	shalt  }
0x5b: {  	_ =	shalt  }
0x5c: {  	_ =	shalt  }
0x5d: {  	_ =	shalt  }
0x5e: {  	_ =	shalt  }
0x5f: {  	_ =	shalt  }
0x60: {  	_ =	shalt  }
0x61: {  	_ =	shalt  }
0x62: {  	_ =	shalt  }
0x63: {  	_ =	shalt  }
0x64: {  	_ =	shalt  }
0x65: {  	_ =	shalt  }
0x66: {  	_ =	shalt  }
0x67: {  	_ =	shalt  }
0x68: {  	_ =	shalt  }
0x69: {  	_ =	shalt  }
0x6a: {  	_ =	shalt  }
0x6b: {  	_ =	shalt  }
0x6c: {  	_ =	shalt  }
0x6d: {  	_ =	shalt  }
0x6e: {  	_ =	shalt  }
0x6f: {  	_ =	shalt  }
0x70: {  	_ =	shalt  }
0x71: {  	_ =	shalt  }
0x72: {  	_ =	shalt  }
0x73: {  	_ =	shalt  }
0x74: {  	_ =	shalt  }
0x75: {  	_ =	shalt  }
0x76: {  	_ =	shalt  }
0x77: {  	_ =	shalt  }
0x78: {  	_ =	shalt  }
0x79: {  	_ =	shalt  }
0x7a: {  	_ =	shalt  }
0x7b: {  	_ =	shalt  }
0x7c: {  	_ =	shalt  }
0x7d: {  	_ =	shalt  }
0x7e: {  	_ =	shalt  }
0x7f: {  	_ =	shalt  }
0x80: {  	_ =	shalt  }
0x81: {  	_ =	shalt  }
0x82: {  	_ =	shalt  }
0x83: {  	_ =	shalt  }
0x84: {  	_ =	shalt  }
0x85: {  	_ =	shalt  }
0x86: {  	_ =	shalt  }
0x87: {  	_ =	shalt  }
.Lfunc_end0:
.L_simem_size_0:
called_computation.3_lowered:
.L_overlay_start_0:
0x88: {  	s2 =	sld [smem:$0x3FD9]  }
0x89: {  	s3 =	sld [smem:$0x3FFE];
	_ =	sdelay $0x1  }
0x8a: {  	s1 =	srdreg.scid  }
0x8b: {  	s0 =	sand.u32 $0x1, s1  }
0x8c: {  	s16 =	sshll.u32 s0, $0xA;
	s2 =	sadd.s32 s3, s2  }
0x8d: {  	s2 =	sadd.s32 s2, s16  }
0x8e: {  	[smem:$0x3FAA] =	sst s2  }
0x8f: {  	_ = 	snop  }
0x90: {  	(tm) =	ssettm $0x1  }
0x91: {  	s17 =	sld [smem:$0x3FFB];
	_ =	sdelay $0x3  }
0x92: {  	_ =	strace s17  }
0x93: {  	s2 =	sld [smem:$0x3FFC];
	_ =	sdelay $0x3  }
0x94: {  	_ =	strace s2  }
0x95: {  	s2 =	sld [smem:$0x3FFD];
	_ =	sdelay $0x3  }
0x96: {  	_ =	strace s2  }
0x97: {  	_ =	strace $0x8FFFFFFF  }
0x98: {  	s18 =	sld [smem:$0x3FDB];
	_ =	sdelay $0x1  }
0x99: {  	s19 =	simm.s32 $_scs_section_size  }
0x9a: {  	s4 =	simm.s32 $_size__tile_overlayer_lowered;
	s5 =	simm.s32 $_tile_overlayer_lowered  }
0x9b: {  	s22 =	simm.s32 $0x1BFF;
	s21 =	sshll.u32 s5, $0x1;
	s2 =	sadd.s32 s19, s18  }
0x9c: {  	s6 =	simm.s32 $0x0;
	s20 =	sshll.u32 s4, $0x1;
	s4 =	sadd.s32 s21, s2  }
0x9d: {  	[timem:s6], [sflag:s22] =	dma.local [hbm:s4], s20  }
0x9e: {  	_ =	swait.ge [sflag:s22], s20  }
0x9f: {  	s3 =	ssub.s32 $0x0, s20;
	[sflag:s22] =	ssyncset.done $0x0  }
0xa0: {  	[sflag:s22] =	ssyncadd.s32 s3;
	_ =	sdelay $0x1  }
0xa1: {  	s23 =	simm.s32 $0x1B8B  }
0xa2: {  	_ =	swait.ge [sflag:s23], $0x1  }
0xa3: {  	[sflag:s23] =	ssyncset.done $0x0  }
0xa4: {  	s25 =	simm.s32 $0x1B8E;
	s24 =	sld [smem:$0x3FFE];
	[sflag:s23] =	ssyncadd.s32 $0xFFFFFFFF  }
0xa5: {  	s26 =	simm.s32 $execute0_lowered;
	[smem:$0x3FD2] =	sst s25  }
0xa6: {  	s4 =	sshll.u32 s26, $0x1;
	_ =	strace $0x80000052;
	[dreg:$0x1] =	wrdreg $0xFFFFFFFF  }
0xa7: {  	s28 =	simm.s32 $_size_execute0_lowered;
	s2 =	sadd.s32 s2, s4;
	[dreg:$0x0] =	wrdreg $0x0  }
0xa8: {  	s4 =	sshll.u32 s28, $0x1;
	[dreg:$0x2] =	wrdreg s2  }
0xa9: {  	[dreg:$0x3] =	wrdreg s4  }
0xaa: {  	[dreg:$0x4] =	wrdreg $0xC0  }
0xab: {  	_ =	task [dreg:s6], $0x5FFFF  }
0xac: {  	[dreg:$0x1] =	wrdreg $0xFFFFFFFF  }
0xad: {  	[dreg:$0x0] =	wrdreg $0x60  }
0xae: {  	[dreg:$0x2] =	wrdreg s24  }
0xaf: {  	[dreg:$0x3] =	wrdreg $0x0  }
0xb0: {  	[dreg:$0x4] =	wrdreg $0x9  }
0xb1: {  	_ =	task.clear_ibuf [dreg:s6], $0x5FFFF;
	_ =	strace $0x90000052  }
0xb2: {  	s29 =	simm.s32 $0x9;
	_ =	strace $0x80000054  }
0xb3: {  	_ =	swait.ge [sflag:s29], $0x1  }
0xb4: {  	[sflag:s29] =	ssyncadd.s32 $0xFFFFFFFF  }
0xb5: {  	_ =	strace $0x90000054  }
0xb6: {  	_ =	sfence  }
0xb7: {  	s30 =	sld [smem:$0x0];
	_ =	sdelay $0x2  }
0xb8: {  	s31 =	sshll.u32 s1, $0xD;
	s1 =	sshrl.u32 s1, $0x2  }
0xb9: {  	s3 =	sand.u32 $0x4000, s31;
	s1 =	sadd.s32 s1, s30  }
0xba: {  	s0 =	sor.u32 s3, s0;
	s1 =	sshll.u32 s1, $0x11  }
0xbb: {  	s0 =	sor.u32 s1, s0  }
0xbc: {  	s0 =	sadd.s32 $0x8F2B, s0  }
0xbd: {  	[sflag:s0] =	ssyncadd.remote.s32 $0x1  }
0xbe: {  	_ =	sfence.sel $0xFFFF  }
0xbf: {  	[dreg:$0x0] =	wrdreg $0xFFFFFFFF;
	(pc) =	sbr.abs _section_cstart, $3  }
0xc0: {  	[dreg:$0x1] =	wrdreg $0xFFFFFFFF  }
0xc1: {  	_ =	task.clear_ibuf [dreg:s6], $0x2FFFF;
	_ =	strace $0x9FFFFFFF  }
0xc2: {  	(tm) =	ssettm $0x7FFFFFFF  }
0xc3: {  	_ =	shalt  }
tec
execute0_lowered:
.L_overlay_start_1:
0x0: {  	(tag) =	ssettag $0x1  }
0x1: {  	s0 =	rddreg [dreg:$0x0]  }
0x2: {  	s1 =	rddreg [dreg:$0x1]  }
0x3: {  	s2 =	simm.s32 $0x0;
	s3 =	srdreg.scid;
	s14 =	stileid.u32  }
0x4: {  	s18 =	simm.s32 $0x13C80;
	s19 =	simm.s32 $0x1;
	s20 =	simm.s32 $0x80  }
0x5: {  	s21 =	simm.s32 $0x13D00;
	s22 =	simm.s32 $0x3;
	s28 =	simm.s32 $0x6  }
0x6: {  	s29 =	simm.s32 $0x0;
	[smem:$0x7FF] =	sst s2;
	s12 =	sand.u32 $0x1, s3  }
0x7: {  	s23 =	sshll.u32 s14, $0x1;
	s24 =	sadd.s32 $0x6AD800, s0;
	s15 =	smul.u32 $0x62000, s14  }
0x8: {  	s4 =	sadd.s32 $0x800, s0;
	s6 =	sadd.s32 $0x54600, s0;
	s16 =	smul.u32 $0x310000, s14  }
0x9: {  	p0 =	sne.s32 s14, $0x0;
	_ =	strace $0x80000053;
	s30 =	smul.u32 $0x31000, s12  }
0xa: {  	s7 =	sor.u32 s12, s23;
	[dreg:$0x3] =	wrdreg s24;
	s17 =	smul.u32 $0x188000, s12  }
0xb: {  	s25 =	ssub.s32 $0x2, s12;
	s23 =	simm.s32 $0x2;
	s5 =	smul.u32 $0x3400, s7  }
0xc: {  	s24 =	simm.s32 $0x17D00;
	s10 =	smul.u32 $0x188000, s7;
	s8 =	sshrl.u32 s25, $0x1  }
0xd: {  	s11 =	smul.u32 $0x31000, s7;
	s15 =	sadd.s32 s15, s6;
	s0 =	ssub.s32 s25, s8  }
0xe: {  	s31 =	sadd.s32 s17, s16;
	s16 =	sshrl.u32 @!p0 s1, $0x3;
	s17 =	simm.s32 $0x13C00  }
0xf: {  	s25 =	simm.s32 $0x4;
	s9 =	sshrl.u32 s5, $0x3;
	s0 =	smax.u32 s0, $0x1  }
.Ltmp0:
0x10: {  	s11 =	sadd.s32 s11, s6;
	s13 =	sshrl.u32 s10, $0x3;
	(pc) =	sbr.rel .LBB2_1-.Ltmp0, $4  }
0x11: {  	s7 =	sadd.s32 s4, s9;
	[dreg:$0x5] =	wrdreg s0;
	s10 =	sadd.s32 $0x800, s11  }
0x12: {  	s11 =	sadd.s32 s6, s13;
	s0 =	sadd.s32 s30, s15;
	s15 =	sadd.s32 $0x8000, s31  }
0x13: {  	s26 =	sadd.s32 $0x10, s7;
	s12 =	sadd.s32 $0x20, s7;
	s13 =	sadd.s32 $0x30, s7  }
0x14: {  	s0 =	sadd.s32 $0x1800, s0;
	[dreg:$0x4] =	wrdreg s26;
	s26 =	simm.s32 $0x5  }
.LBB2_4:
0x15: {  	_ =	swait.ge [sflag:s26], $0x4000  }
0x16: {  	[sflag:s26] =	ssyncset.done $0x0  }
0x17: {  	[sflag:s26] =	ssyncadd.s32 $0xFFFFC000  }
0x18: {  	_ =	swait.ge [sflag:s28], $0x4000  }
0x19: {  	s29 =	sadd.s32 $0x1, s29;
	s3 =	rddreg [dreg:$0x5]  }
0x1a: {  	p1 =	sne.s32 s29, s3  }
.Ltmp1:
0x1b: {  	_ = 	snop;
	(pc) =	sbr.rel @!p1 .LBB2_5-.Ltmp1, $3  }
0x1c: {  	_ =	sdelay $0x1  }
0x1d: {  	[sflag:s28] =	ssyncset.done $0x0  }
0x1e: {  	[sflag:s28] =	ssyncadd.s32 $0xFFFFC000  }
.LBB2_1:
0x1f: {  	s14 =	simm.s32 @!p0 $0x1C07;
	s3 =	rddreg [dreg:$0x3]  }
0x20: {  	[spmem:s16], [sflag:s14] =	dma.local @!p0 [hbm:s3], $0x27800  }
0x21: {  	s14 =	simm.s32 @!p0 $0x7  }
0x22: {  	_ =	swait.ge @!p0 [sflag:s14], $0x27800  }
0x23: {  	[sflag:s14] =	ssyncset.done @!p0 $0x0  }
0x24: {  	[sflag:s14] =	ssyncadd.s32 @!p0 $0xFFFD8800  }
0x25: {  	[bflag:$0x0] =	sbarrier.arrive $0xFFFF  }
0x26: {  	[tilespmem:s17], [sflag:$0x1] =	stream.linear.gather [hbm4b:s7+s2], $0x80, $0x38;
	[tilespmem:$0x1BD00] =	vst v63  }
0x27: {  	s14 =	rddreg [dreg:$0x4]  }
0x28: {  	[tilespmem:s18], [sflag:$0x2] =	stream.linear.gather [hbm4b:s14+s2], $0x80, $0x38;
	[tilespmem:$0x1BD00] =	vst v63  }
0x29: {  	_ =	swait.ge [sflag:s19], $0x80  }
0x2a: {  	[sflag:s19] =	ssyncset.done $0x0  }
0x2b: {  	[sflag:s19] =	ssyncadd.s32 $0xFFFFFF80  }
0x2c: {  	[tilespmem:s21], [sflag:$0x3] =	stream.indirect.gather [spmem:s1], $0x80, s17, s20, $0xb8;
	[tilespmem:$0x1BD00] =	vst v63  }
0x2d: {  	_ =	swait.ge [sflag:s22], $0x4000  }
0x2e: {  	[sflag:s22] =	ssyncset.done $0x0  }
0x2f: {  	[sflag:s22] =	ssyncadd.s32 $0xFFFFC000  }
0x30: {  	[hbm4b:s11+s2] =	stream.linear.scatter [tilespmem:s21], [sflag:$0x5], $0x4000, $0x38;
	[tilespmem:$0x1BD00] =	vst v63  }
0x31: {  	_ = 	snop  }
0x32: {  	[tilespmem:s17], [sflag:$0x1] =	stream.linear.gather [hbm4b:s12+s2], $0x80, $0x38;
	[tilespmem:$0x1BD00] =	vst v63  }
0x33: {  	_ =	swait.ge [sflag:s23], $0x80  }
0x34: {  	[sflag:s23] =	ssyncset.done $0x0  }
0x35: {  	[sflag:s23] =	ssyncadd.s32 $0xFFFFFF80  }
0x36: {  	[tilespmem:s24], [sflag:$0x4] =	stream.indirect.gather [spmem:s1], $0x80, s18, s20, $0xb8;
	[tilespmem:$0x1BD00] =	vst v63  }
0x37: {  	_ =	swait.ge [sflag:s25], $0x4000  }
0x38: {  	[sflag:s25] =	ssyncset.done $0x0  }
0x39: {  	[sflag:s25] =	ssyncadd.s32 $0xFFFFC000  }
0x3a: {  	[hbm4b:s10+s2] =	stream.linear.scatter [tilespmem:s24], [sflag:$0x6], $0x4000, $0x38;
	[tilespmem:$0x1BD00] =	vst v63  }
0x3b: {  	s30 =	simm.s32 $0x280;
	s31 =	smov.u32 s15;
	s14 =	smov.u32 s0  }
0x3c: {  	[tilespmem:s18], [sflag:$0x2] =	stream.linear.gather [hbm4b:s13+s2], $0x80, $0x38;
	[tilespmem:$0x1BD00] =	vst v63  }
.LBB2_2:
0x3d: {  	_ =	swait.ge [sflag:s19], $0x80  }
0x3e: {  	[sflag:s19] =	ssyncset.done $0x0  }
0x3f: {  	[sflag:s19] =	ssyncadd.s32 $0xFFFFFF80  }
0x40: {  	_ =	swait.ge [sflag:s26], $0x4000  }
0x41: {  	[sflag:s26] =	ssyncset.done $0x0  }
0x42: {  	[sflag:s26] =	ssyncadd.s32 $0xFFFFC000  }
0x43: {  	[tilespmem:s21], [sflag:$0x3] =	stream.indirect.gather [spmem:s1], $0x80, s17, s20, $0xb8;
	[tilespmem:$0x1BD00] =	vst v63  }
0x44: {  	_ =	swait.ge [sflag:s22], $0x4000  }
0x45: {  	s3 =	sshrl.u32 s31, $0x3;
	[sflag:s22] =	ssyncset.done $0x0  }
0x46: {  	p1 =	sne.s32 s30, $0x3180;
	s3 =	sadd.s32 s6, s3;
	[sflag:s22] =	ssyncadd.s32 $0xFFFFC000  }
0x47: {  	[hbm4b:s3+s2] =	stream.linear.scatter [tilespmem:s21], [sflag:$0x5], $0x4000, $0x38;
	[tilespmem:$0x1BD00] =	vst v63  }
0x48: {  	s3 =	sadd.s32 @p1 $0xFFFFFF80, s30  }
0x49: {  	s8 =	sand.u32 @p1 $0x7C00, s3  }
0x4a: {  	s3 =	sand.u32 @p1 $0x300, s3;
	s8 =	sadd.s32 @p1 s5, s8  }
0x4b: {  	s3 =	sor.u32 @p1 s3, s8  }
0x4c: {  	s3 =	sshrl.u32 @p1 s3, $0x3  }
0x4d: {  	s9 =	simm.s32 @p1 $0x13C00;
	s8 =	simm.s32 @p1 $0x0;
	s3 =	sadd.s32 @p1 s4, s3  }
0x4e: {  	[tilespmem:s9], [sflag:$0x1] =	stream.linear.gather @p1 [hbm4b:s3+s8], $0x80, $0x38;
	[tilespmem:$0x1BD00] =	vst v63  }
0x4f: {  	s3 =	simm.s32 @p1 $0x2  }
0x50: {  	_ =	swait.ge @p1 [sflag:s3], $0x80  }
0x51: {  	[sflag:s3] =	ssyncset.done @p1 $0x0  }
0x52: {  	[sflag:s3] =	ssyncadd.s32 @p1 $0xFFFFFF80;
	s3 =	simm.s32 @!p1 $0x2  }
0x53: {  	_ =	swait.ge @!p1 [sflag:s3], $0x80  }
0x54: {  	[sflag:s3] =	ssyncset.done @!p1 $0x0  }
0x55: {  	[sflag:s3] =	ssyncadd.s32 @!p1 $0xFFFFFF80  }
0x56: {  	_ =	swait.ge [sflag:s28], $0x4000  }
0x57: {  	[sflag:s28] =	ssyncset.done $0x0  }
0x58: {  	p1 =	seq.s32 s30, $0x3180;
	[sflag:s28] =	ssyncadd.s32 $0xFFFFC000  }
0x59: {  	[tilespmem:s24], [sflag:$0x4] =	stream.indirect.gather [spmem:s1], $0x80, s18, s20, $0xb8;
	[tilespmem:$0x1BD00] =	vst v63  }
.Ltmp2:
0x5a: {  	_ = 	snop;
	(pc) =	sbr.rel @p1 .LBB2_4-.Ltmp2, $4  }
0x5b: {  	_ =	swait.ge [sflag:s25], $0x4000  }
0x5c: {  	[sflag:s25] =	ssyncset.done $0x0  }
0x5d: {  	[sflag:s25] =	ssyncadd.s32 $0xFFFFC000  }
0x5e: {  	[hbm4b:s14+s2] =	stream.linear.scatter [tilespmem:s24], [sflag:$0x6], $0x4000, $0x38;
	[tilespmem:$0x1BD00] =	vst v63  }
0x5f: {  	s3 =	sand.u32 $0x7C00, s30  }
.Ltmp3:
0x60: {  	s8 =	sand.u32 $0x380, s30;
	s3 =	sadd.s32 s5, s3;
	(pc) =	sbr.rel .LBB2_2-.Ltmp3, $4  }
0x61: {  	s3 =	sor.u32 s8, s3  }
0x62: {  	s14 =	sadd.s32 $0x1000, s14;
	s3 =	sshrl.u32 s3, $0x3  }
0x63: {  	s31 =	sadd.s32 $0x8000, s31;
	s30 =	sadd.s32 $0x100, s30;
	s3 =	sadd.s32 s4, s3  }
0x64: {  	[tilespmem:s18], [sflag:$0x2] =	stream.linear.gather [hbm4b:s3+s2], $0x80, $0x38;
	[tilespmem:$0x1BD00] =	vst v63  }
.LBB2_5:
0x65: {  	_ =	sfence.sel $0x180000  }
0x66: {  	[bflag:$0x0] =	sbarrier.arrive $0xFFFF  }
0x67: {  	_ =	strace $0x90000053  }
0x68: {  	[bflag:$0x2] =	sbarrier.arrive $0xFFFF  }
0x69: {  	s0 =	rddreg [dreg:$0x2]  }
0x6a: {  	s0 =	sadd.s32 @!p0 $0x100000, s0  }
0x6b: {  	[sflag:s0] =	ssyncadd.tile.s32 @!p0 $0x1;
	_ =	shalt  }
.Lfunc_end2:
_tile_overlayer_lowered:
.L_overlay_start_2:
0x6c: {  	(tag) =	ssettag $0x2  }
0x6d: {  	s0 =	rddreg [dreg:$0x0];
	s2 =	stileid.u32  }
0x6e: {  	s1 =	rddreg [dreg:$0x1];
	p0 =	sne.s32 s2, $0x0  }
0x6f: {  	s3 =	rddreg [dreg:$0x2];
	[bflag:$0x3] =	sbarrier.arrive $0xFFFF;
	s2 =	simm.s32 @!p0 $0x1C07  }
0x70: {  	[timem:s3], [sflag:s2] =	dma.local @!p0 [hbm:s0], s1  }
0x71: {  	s0 =	simm.s32 @!p0 $0x7  }
0x72: {  	_ =	swait.ge @!p0 [sflag:s0], s1  }
0x73: {  	s1 =	ssub.s32 @!p0 $0x0, s1;
	[sflag:s0] =	ssyncset.done @!p0 $0x0  }
0x74: {  	[sflag:s0] =	ssyncadd.s32 @!p0 s1  }
0x75: {  	[bflag:$0x3] =	sbarrier.arrive $0xFFFF  }
0x76: {  	_ =	shalt  }

// kernel: gather_offload_async_start.1
scs
__scs_entry_jumppad:
0x0: {  	(pc) =	sbr.rel $0x88, $3  }
0x1: {  	(tag) =	ssettag $0x0;
	lr =	simm.s32 $0x1  }
0x2: {  	[smem:$0x3F83] =	sst lr;
	_ =	strace $0xD0000000  }
0x3: {  	_ = 	snop  }
0x4: {  	_ = 	snop  }
0x5: {  	_ = 	snop  }
0x6: {  	_ = 	snop  }
0x7: {  	_ = 	snop  }
__scs_overlays_trampoline_lowered:
0x8: {  	[smem:$0x3F92] =	sst s0  }
0x9: {  	[smem:$0x3F93] =	sst s1  }
0xa: {  	[smem:$0x3F94] =	sst s2  }
0xb: {  	[smem:$0x3F95] =	sst s3  }
0xc: {  	[smem:$0x3F96] =	sst s4  }
0xd: {  	[smem:$0x3F97] =	sst s5  }
0xe: {  	[smem:$0x3F98] =	sst s6  }
0xf: {  	[smem:$0x3F99] =	sst s7  }
0x10: {  	[smem:$0x3F9A] =	sst s8  }
0x11: {  	[smem:$0x3F9B] =	sst s9;
	s0 =	simm.s32 @!p0 $0x0  }
0x12: {  	s1 =	sld [smem:$0x3F81];
	s0 =	simm.s32 @p0 $0x1  }
0x13: {  	[smem:$0x3F9C] =	sst s0;
	s0 =	simm.s32 @!p1 $0x0  }
0x14: {  	s2 =	sld [smem:$0x3F80];
	s0 =	simm.s32 @p1 $0x1  }
0x15: {  	[smem:$0x3F9D] =	sst s0;
	s0 =	simm.s32 @!p2 $0x0  }
0x16: {  	s3 =	sld [smem:$0x3FDB];
	s0 =	simm.s32 @p2 $0x1  }
0x17: {  	s4 =	simm.s32 $0x1BF5;
	[smem:$0x3F9F] =	sst s0  }
0x18: {  	s0 =	sld [smem:$0x3F82];
	_ =	swait.ge [sflag:s4], $0x0  }
0x19: {  	s7 =	sld [smem:$0x3F83]  }
0x1a: {  	s8 =	sadd.s32 $0xFFFFE003, lr  }
0x1b: {  	s9 =	sadd.s32 $0xFFFFFEF7, lr;
	s5 =	simm.s32 $0xFFFFFFFF;
	p2 =	slt.u32 s8, $0xFFFFF086  }
0x1c: {  	p1 =	slt.u32 s9, $0xF7A;
	s5 =	simm.s32 @!p2 $0x0  }
0x1d: {  	s5 =	simm.s32 @p1 $0x1;
	p0 =	seq.s32 s7, s2  }
0x1e: {  	s7 =	smul.u32 @!p0 $0xF7A, s2;
	p2 =	seq.s32 @!p0 s5, $0x0  }
0x1f: {  	s9 =	smul.u32 $0xF7A, s1;
	s8 =	simm.s32 @!p0 $0x1BF5;
	p2 =	por !p2, p0  }
0x20: {  	[sflag:s8] =	ssyncset.s32 @!p0 $0xFFFFF086;
	s6 =	sadd.s32 @!p0 s3, s7;
	s7 =	simm.s32 @!p0 $0x108  }
0x21: {  	s3 =	sadd.s32 s3, s9;
	s6 =	sadd.s32 @!p0 $0x88, s6;
	s7 =	simm.s32 @p2 $0x1082  }
0x22: {  	[simem:s7], [sflag:s8] =	dma.local @!p0 [hbm:s6], $0xF7A  }
0x23: {  	s9 =	sor.u32 $0xD0000000, s2;
	s6 =	simm.s32 $0x108;
	_ =	swait.ge @!p0 [sflag:s8], $0x0  }
0x24: {  	s3 =	sadd.s32 $0x88, s3;
	s6 =	simm.s32 @!p1 $0x1082;
	[sflag:s4] =	ssyncset.s32 $0xFFFFF086  }
0x25: {  	[simem:s6], [sflag:s4] =	dma.local [hbm:s3], $0xF7A  }
0x26: {  	[smem:$0x3F83] =	sst s1;
	(tag) =	ssettag s2;
	_ =	strace s9  }
0x27: {  	s1 =	sld [smem:$0x3F93]  }
0x28: {  	s2 =	sld [smem:$0x3F94]  }
0x29: {  	s4 =	sld [smem:$0x3F96]  }
0x2a: {  	p0 =	seq.s32 s5, $0x0;
	s5 =	sld [smem:$0x3F97]  }
0x2b: {  	s6 =	sld [smem:$0x3F98]  }
0x2c: {  	s7 =	sld [smem:$0x3F99]  }
0x2d: {  	s3 =	simm.s32 $0x108;
	s8 =	sld [smem:$0x3F9A]  }
0x2e: {  	s3 =	simm.s32 @!p0 $0x1082;
	s9 =	sld [smem:$0x3F9B]  }
0x2f: {  	lr =	sadd.s32 s0, s3;
	s0 =	sld [smem:$0x3F92]  }
0x30: {  	s3 =	sld [smem:$0x3F95]  }
0x31: {  	[smem:$0x3F9E] =	sst s10  }
0x32: {  	s10 =	sld [smem:$0x3F9C];
	_ =	sdelay $0x3  }
0x33: {  	p0 =	seq.s32 s10, $0x1;
	s10 =	sld [smem:$0x3F9E];
	_ =	sdelay $0x3  }
0x34: {  	[smem:$0x3F9E] =	sst s10  }
0x35: {  	s10 =	sld [smem:$0x3F9D];
	_ =	sdelay $0x3  }
0x36: {  	p1 =	seq.s32 s10, $0x1;
	s10 =	sld [smem:$0x3F9E];
	_ =	sdelay $0x3  }
0x37: {  	[smem:$0x3F9E] =	sst s10  }
0x38: {  	s10 =	sld [smem:$0x3F9F]  }
0x39: {  	_ = 	snop;
	(pc) =	sbr.ind lr, $3  }
0x3a: {  	_ = 	snop  }
0x3b: {  	_ = 	snop  }
0x3c: {  	p2 =	seq.s32 s10, $0x1;
	s10 =	sld [smem:$0x3F9E]  }
0x3d: {  	_ =	shalt  }
0x3e: {  	_ =	shalt  }
0x3f: {  	_ =	shalt  }
0x40: {  	_ =	shalt  }
0x41: {  	_ =	shalt  }
0x42: {  	_ =	shalt  }
0x43: {  	_ =	shalt  }
0x44: {  	_ =	shalt  }
0x45: {  	_ =	shalt  }
0x46: {  	_ =	shalt  }
0x47: {  	_ =	shalt  }
0x48: {  	_ =	shalt  }
0x49: {  	_ =	shalt  }
0x4a: {  	_ =	shalt  }
0x4b: {  	_ =	shalt  }
0x4c: {  	_ =	shalt  }
0x4d: {  	_ =	shalt  }
0x4e: {  	_ =	shalt  }
0x4f: {  	_ =	shalt  }
0x50: {  	_ =	shalt  }
0x51: {  	_ =	shalt  }
0x52: {  	_ =	shalt  }
0x53: {  	_ =	shalt  }
0x54: {  	_ =	shalt  }
0x55: {  	_ =	shalt  }
0x56: {  	_ =	shalt  }
0x57: {  	_ =	shalt  }
0x58: {  	_ =	shalt  }
0x59: {  	_ =	shalt  }
0x5a: {  	_ =	shalt  }
0x5b: {  	_ =	shalt  }
0x5c: {  	_ =	shalt  }
0x5d: {  	_ =	shalt  }
0x5e: {  	_ =	shalt  }
0x5f: {  	_ =	shalt  }
0x60: {  	_ =	shalt  }
0x61: {  	_ =	shalt  }
0x62: {  	_ =	shalt  }
0x63: {  	_ =	shalt  }
0x64: {  	_ =	shalt  }
0x65: {  	_ =	shalt  }
0x66: {  	_ =	shalt  }
0x67: {  	_ =	shalt  }
0x68: {  	_ =	shalt  }
0x69: {  	_ =	shalt  }
0x6a: {  	_ =	shalt  }
0x6b: {  	_ =	shalt  }
0x6c: {  	_ =	shalt  }
0x6d: {  	_ =	shalt  }
0x6e: {  	_ =	shalt  }
0x6f: {  	_ =	shalt  }
0x70: {  	_ =	shalt  }
0x71: {  	_ =	shalt  }
0x72: {  	_ =	shalt  }
0x73: {  	_ =	shalt  }
0x74: {  	_ =	shalt  }
0x75: {  	_ =	shalt  }
0x76: {  	_ =	shalt  }
0x77: {  	_ =	shalt  }
0x78: {  	_ =	shalt  }
0x79: {  	_ =	shalt  }
0x7a: {  	_ =	shalt  }
0x7b: {  	_ =	shalt  }
0x7c: {  	_ =	shalt  }
0x7d: {  	_ =	shalt  }
0x7e: {  	_ =	shalt  }
0x7f: {  	_ =	shalt  }
0x80: {  	_ =	shalt  }
0x81: {  	_ =	shalt  }
0x82: {  	_ =	shalt  }
0x83: {  	_ =	shalt  }
0x84: {  	_ =	shalt  }
0x85: {  	_ =	shalt  }
0x86: {  	_ =	shalt  }
0x87: {  	_ =	shalt  }
.Lfunc_end0:
.L_simem_size_0:
called_computation.2_lowered:
.L_overlay_start_0:
0x88: {  	s2 =	sld [smem:$0x3FD9]  }
0x89: {  	s3 =	sld [smem:$0x3FFE];
	_ =	sdelay $0x1  }
0x8a: {  	s1 =	srdreg.scid  }
0x8b: {  	s0 =	sand.u32 $0x1, s1  }
0x8c: {  	s16 =	sshll.u32 s0, $0xA;
	s2 =	sadd.s32 s3, s2  }
0x8d: {  	s2 =	sadd.s32 s2, s16  }
0x8e: {  	[smem:$0x3FAA] =	sst s2  }
0x8f: {  	_ = 	snop  }
0x90: {  	(tm) =	ssettm $0x1  }
0x91: {  	s17 =	sld [smem:$0x3FFB];
	_ =	sdelay $0x3  }
0x92: {  	_ =	strace s17  }
0x93: {  	s2 =	sld [smem:$0x3FFC];
	_ =	sdelay $0x3  }
0x94: {  	_ =	strace s2  }
0x95: {  	s2 =	sld [smem:$0x3FFD];
	_ =	sdelay $0x3  }
0x96: {  	_ =	strace s2  }
0x97: {  	_ =	strace $0x8FFFFFFF  }
0x98: {  	s18 =	sld [smem:$0x3FDB];
	_ =	sdelay $0x1  }
0x99: {  	s19 =	simm.s32 $_scs_section_size  }
0x9a: {  	s4 =	simm.s32 $_size__tile_overlayer_lowered;
	s5 =	simm.s32 $_tile_overlayer_lowered  }
0x9b: {  	s22 =	simm.s32 $0x1BFF;
	s21 =	sshll.u32 s5, $0x1;
	s2 =	sadd.s32 s19, s18  }
0x9c: {  	s6 =	simm.s32 $0x0;
	s20 =	sshll.u32 s4, $0x1;
	s4 =	sadd.s32 s21, s2  }
0x9d: {  	[timem:s6], [sflag:s22] =	dma.local [hbm:s4], s20  }
0x9e: {  	_ =	swait.ge [sflag:s22], s20  }
0x9f: {  	s3 =	ssub.s32 $0x0, s20;
	[sflag:s22] =	ssyncset.done $0x0  }
0xa0: {  	[sflag:s22] =	ssyncadd.s32 s3;
	_ =	sdelay $0x1  }
0xa1: {  	s23 =	simm.s32 $0x1B8B  }
0xa2: {  	_ =	swait.ge [sflag:s23], $0x1  }
0xa3: {  	[sflag:s23] =	ssyncset.done $0x0  }
0xa4: {  	s25 =	simm.s32 $0x1B8E;
	s24 =	sld [smem:$0x3FFE];
	[sflag:s23] =	ssyncadd.s32 $0xFFFFFFFF  }
0xa5: {  	s26 =	simm.s32 $execute0_lowered;
	[smem:$0x3FD2] =	sst s25  }
0xa6: {  	s4 =	sshll.u32 s26, $0x1;
	_ =	strace $0x8000004C;
	[dreg:$0x1] =	wrdreg $0xFFFFFFFF  }
0xa7: {  	s28 =	simm.s32 $_size_execute0_lowered;
	s2 =	sadd.s32 s2, s4;
	[dreg:$0x0] =	wrdreg $0x0  }
0xa8: {  	s4 =	sshll.u32 s28, $0x1;
	[dreg:$0x2] =	wrdreg s2  }
0xa9: {  	[dreg:$0x3] =	wrdreg s4  }
0xaa: {  	[dreg:$0x4] =	wrdreg $0xC0  }
0xab: {  	_ =	task [dreg:s6], $0x5FFFF  }
0xac: {  	[dreg:$0x1] =	wrdreg $0xFFFFFFFF  }
0xad: {  	[dreg:$0x0] =	wrdreg $0x60  }
0xae: {  	[dreg:$0x2] =	wrdreg s24  }
0xaf: {  	[dreg:$0x3] =	wrdreg $0x9  }
0xb0: {  	_ =	task.clear_ibuf [dreg:s6], $0x4FFFF;
	_ =	strace $0x9000004C  }
0xb1: {  	s29 =	simm.s32 $0x9;
	_ =	strace $0x8000004E  }
0xb2: {  	_ =	swait.ge [sflag:s29], $0x1  }
0xb3: {  	[sflag:s29] =	ssyncadd.s32 $0xFFFFFFFF  }
0xb4: {  	_ =	strace $0x9000004E  }
0xb5: {  	_ =	sfence  }
0xb6: {  	s30 =	sld [smem:$0x0];
	_ =	sdelay $0x2  }
0xb7: {  	s31 =	sshll.u32 s1, $0xD;
	s1 =	sshrl.u32 s1, $0x2  }
0xb8: {  	s3 =	sand.u32 $0x4000, s31;
	s1 =	sadd.s32 s1, s30  }
0xb9: {  	s0 =	sor.u32 s3, s0;
	s1 =	sshll.u32 s1, $0x11  }
0xba: {  	s0 =	sor.u32 s1, s0  }
0xbb: {  	s0 =	sadd.s32 $0x8F2B, s0  }
0xbc: {  	[sflag:s0] =	ssyncadd.remote.s32 $0x1  }
0xbd: {  	_ =	sfence.sel $0xFFFF  }
0xbe: {  	[dreg:$0x0] =	wrdreg $0xFFFFFFFF;
	(pc) =	sbr.abs _section_cstart, $3  }
0xbf: {  	[dreg:$0x1] =	wrdreg $0xFFFFFFFF  }
0xc0: {  	_ =	task.clear_ibuf [dreg:s6], $0x2FFFF;
	_ =	strace $0x9FFFFFFF  }
0xc1: {  	(tm) =	ssettm $0x7FFFFFFF  }
tec
execute0_lowered:
.L_overlay_start_1:
0x0: {  	(tag) =	ssettag $0x1  }
0x1: {  	s8 =	rddreg [dreg:$0x0]  }
0x2: {  	s0 =	rddreg [dreg:$0x1];
	_ =	strace $0x8000004D;
	s1 =	stileid.u32  }
0x3: {  	s3 =	srdreg.scid;
	s4 =	simm.s32 $0x1;
	s7 =	simm.s32 $0x1  }
0x4: {  	s9 =	simm.s32 $0x1;
	s10 =	simm.s32 $0x3;
	s13 =	simm.s32 $0x0  }
0x5: {  	s12 =	simm.s32 $0x0;
	s5 =	sand.u32 $0x1, s3;
	s6 =	sshll.u32 s1, $0x1  }
0x6: {  	s2 =	sadd.s32 $0x800, s8;
	s3 =	sadd.s32 $0x14400, s8;
	s5 =	sor.u32 s6, s5  }
.Ltmp0:
0x7: {  	[sflag:s4] =	ssyncpa.u1 $0x0;
	p0 =	slt.u32 s5, $0x9;
	(pc) =	sbr.rel .LBB2_1-.Ltmp0, $4  }
0x8: {  	s6 =	simm.s32 $0x2;
	s7 =	simm.s32 @!p0 $0x0;
	p0 =	sne.s32 s5, $0x8  }
0x9: {  	[sflag:s6] =	ssyncpa.u1 $0x0;
	s5 =	smul.u32 $0x1F40, s5;
	s9 =	simm.s32 @!p0 $0x0  }
0xa: {  	s8 =	sadd.s32 $0x4F200, s8;
	[sflag:s10] =	ssyncpa.u1 $0x0;
	s7 =	sadd.s32 s9, s7  }
0xb: {  	vm0 =	vmmov $0xffff;
	s10 =	simm.s32 $0x0;
	s11 =	smov.u32 s5;
	s9 =	sadd.s32 $0x1, s7  }
.LBB2_4:
0xc: {  	v2 =	vnsel vm1, $0x0, v2  }
0xd: {  	vm1 =	vgt.s32 v0, $0x0;
	v2 =	vmin.u32 v2, $0x4E1FF  }
0xe: {  	v0 =	vnsel vm1, $0x0, v0  }
0xf: {  	v0 =	vmin.u32 v0, $0x4E1FF  }
0x10: {  	[tilespmem:s18], [sflag:$0x1] =	stream.indirect_vreg.gather [hbm4b:s2+s10], $0x1, v1, vm0, $0x4038;
	[tilespmem:$0x7D00] =	vst v63  }
0x11: {  	(ifvalue) =	ssetifvalue $0x7FFFFFFF  }
0x12: {  	[tilespmem:s15], [sflag:$0x1] =	stream.indirect_vreg.gather [hbm4b:s2+s10], $0x1, v2, vm0, $0x4038;
	[tilespmem:$0x7D00] =	vst v63  }
0x13: {  	s29 =	sadd.s32 $0x10, s15;
	(ifvalue) =	ssetifvalue $0x7FFFFFFF  }
0x14: {  	[tilespmem:s29], [sflag:$0x1] =	stream.indirect_vreg.gather [hbm4b:s2+s10], $0x1, v0, vm0, $0x4038;
	[tilespmem:$0x7D00] =	vst v63  }
0x15: {  	_ =	swait.ge [sflag:s4], $0x1F40  }
0x16: {  	s30 =	sshrl.u32 s13, $0x3;
	[sflag:s4] =	ssyncset.done $0x0  }
0x17: {  	s31 =	sand.u32 $0x7, s13;
	s15 =	sadd.s32 s8, s30;
	[sflag:s4] =	ssyncadd.s32 $0xFFFFE0C0  }
0x18: {  	[hbm4b:s15+s31] =	stream.linear.scatter [tilespmem:s14], [sflag:$0x3], $0x1F40, $0x38;
	[tilespmem:$0x7D00] =	vst v63  }
.LBB2_5:
0x19: {  	s15 =	sadd.s32 $0x3E800, s11  }
0x1a: {  	p1 =	sgt.s32 s15, $0x4E1FF  }
0x1b: {  	s15 =	smov.u32 @p1 s5;
	p1 =	sne.s32 s12, s9  }
.Ltmp1:
0x1c: {  	p0 =	slt.u32 s12, $0x2;
	(pc) =	sbr.rel @!p1 .LBB2_6-.Ltmp1, $4  }
0x1d: {  	s14 =	simm.s32 @!p0 $0x3  }
0x1e: {  	_ =	swait.ge @!p0 [sflag:s14], $0x1F40  }
0x1f: {  	s16 =	sadd.s32 $0x1, s12;
	s13 =	smov.u32 s11;
	[sflag:s14] =	ssyncset.done @!p0 $0x0  }
0x20: {  	s12 =	smov.u32 s16;
	s11 =	smov.u32 s15;
	[sflag:s14] =	ssyncadd.s32 @!p0 $0xFFFFE0C0  }
.LBB2_1:
0x21: {  	p0 =	sge.u32 s12, s7  }
0x22: {  	s14 =	sxor.u32 @!p0 $0x1, s12  }
0x23: {  	s14 =	smul.u32 @!p0 $0x7D00, s14  }
0x24: {  	s31 =	sadd.s32 $0xFFFFFFFF, s12;
	s15 =	sshrl.u32 @!p0 s11, $0x3  }
0x25: {  	s16 =	sand.u32 @!p0 $0x7, s11;
	s15 =	sadd.s32 @!p0 s3, s15;
	s14 =	sshra.s32 @!p0 s14, $0x2  }
0x26: {  	[tilespmem:s14], [sflag:$0x2] =	stream.linear.gather @!p0 [hbm4b:s15+s16], $0x1F40, $0x38;
	[tilespmem:$0x7D00] =	vst v63  }
0x27: {  	p0 =	sge.u32 s31, s7  }
.Ltmp2:
0x28: {  	_ = 	snop;
	(pc) =	sbr.rel @p0 .LBB2_5-.Ltmp2, $1  }
0x29: {  	_ =	sdelay $0x3  }
0x2a: {  	s14 =	sand.u32 $0x1, s12  }
0x2b: {  	_ =	swait.ge [sflag:s6], $0x1F40;
	p0 =	seq.s32 s14, $0x1;
	s14 =	simm.s32 $0x1F40  }
0x2c: {  	[sflag:s6] =	ssyncset.done $0x0;
	s14 =	simm.s32 @!p0 $0x0  }
0x2d: {  	[sflag:s6] =	ssyncadd.s32 $0xFFFFE0C0;
	(ifvalue) =	ssetifvalue $0x7FFFFFFF;
	v0 =	vld.msk [tilespmem:s14+$0x0 ss:$0x1], $0xffff;
	_ =	sdelay $0x4  }
0x2e: {  	s15 =	sadd.s32 $0x10, s14;
	vm1 =	vgt.s32 v0, $0x0  }
0x2f: {  	v2 =	vld.msk [tilespmem:s15+$0x0 ss:$0x1], $0xffff;
	v1 =	vnsel vm1, $0x0, v0  }
0x30: {  	v1 =	vmin.u32 v1, $0x4E1FF;
	_ =	sdelay $0x2  }
0x31: {  	s17 =	simm.s32 $0x20;
	s14 =	sadd.s32 $0x3E80, s14;
	s16 =	sadd.s32 $0x10, s15  }
0x32: {  	s15 =	sadd.s32 $0x10, s14;
	s18 =	smov.u32 s14;
	v0 =	vld.msk [tilespmem:s16+$0x0 ss:$0x1], $0xffff;
	vm1 =	vgt.s32 v2, $0x0;
	(ifvalue) =	ssetifvalue $0x7FFFFFFF  }
.LBB2_3:
0x33: {  	[tilespmem:s18], [sflag:$0x1] =	stream.indirect_vreg.gather [hbm4b:s2+s10], $0x1, v1, vm0, $0x4038;
	[tilespmem:$0x7D00] =	vst v63  }
0x34: {  	s17 =	sadd.s32 $0x10, s17  }
0x35: {  	v2 =	vnsel vm1, $0x0, v2;
	p0 =	slt.u32 s17, $0x1F30  }
.Ltmp3:
0x36: {  	s18 =	smov.u32 s15;
	v1 =	vmin.u32 v2, $0x4E1FF;
	(pc) =	sbr.rel @p0 .LBB2_3-.Ltmp3, $3  }
0x37: {  	_ =	sdelay $0x1  }
0x38: {  	s16 =	sadd.s32 $0x10, s16  }
0x39: {  	vm1 =	vgt.s32 v0, $0x0;
	s15 =	sadd.s32 $0x10, s15;
	v2 =	vmov v0;
	(ifvalue) =	ssetifvalue $0x7FFFFFFF;
	v0 =	vld.msk [tilespmem:s16+$0x0 ss:$0x1], $0xffff  }
.Ltmp4:
0x3a: {  	_ = 	snop;
	(pc) =	sbr.rel .LBB2_4-.Ltmp4, $1  }
0x3b: {  	_ =	sdelay $0x3  }
.LBB2_6:
0x3c: {  	_ =	sfence.sel $0x180000  }
0x3d: {  	s2 =	simm.s32 $0x2;
	[bflag:$0x0] =	sbarrier.arrive $0xFFFF  }
0x3e: {  	s30 =	simm.s32 $0x3;
	[sflag:s2] =	ssyncpa.u1 $0x1  }
0x3f: {  	s31 =	simm.s32 $0x1;
	[sflag:s30] =	ssyncpa.u1 $0x1  }
0x40: {  	[sflag:s31] =	ssyncpa.u1 $0x1  }
0x41: {  	p0 =	sne.s32 s1, $0x0;
	_ =	strace $0x9000004D  }
0x42: {  	s0 =	sadd.s32 @!p0 $0x100000, s0;
	[bflag:$0x2] =	sbarrier.arrive $0xFFFF  }
0x43: {  	[sflag:s0] =	ssyncadd.tile.s32 @!p0 $0x1;
	_ =	shalt  }
.Lfunc_end2:
_tile_overlayer_lowered:
.L_overlay_start_2:
0x44: {  	(tag) =	ssettag $0x2  }
0x45: {  	s0 =	rddreg [dreg:$0x0];
	s2 =	stileid.u32  }
0x46: {  	s1 =	rddreg [dreg:$0x1];
	p0 =	sne.s32 s2, $0x0  }
0x47: {  	s3 =	rddreg [dreg:$0x2];
	[bflag:$0x3] =	sbarrier.arrive $0xFFFF;
	s2 =	simm.s32 @!p0 $0x1C01  }
0x48: {  	[timem:s3], [sflag:s2] =	dma.local @!p0 [hbm:s0], s1  }
0x49: {  	s0 =	simm.s32 @!p0 $0x1  }
0x4a: {  	_ =	swait.ge @!p0 [sflag:s0], s1  }
0x4b: {  	s1 =	ssub.s32 @!p0 $0x0, s1;
	[sflag:s0] =	ssyncset.done @!p0 $0x0  }
0x4c: {  	[sflag:s0] =	ssyncadd.s32 @!p0 s1  }
0x4d: {  	[bflag:$0x3] =	sbarrier.arrive $0xFFFF  }
0x4e: {  	_ =	shalt  }

// kernel: gather_offload_async_start
scs
__scs_entry_jumppad:
0x0: {  	(pc) =	sbr.rel $0x88, $3  }
0x1: {  	(tag) =	ssettag $0x0;
	lr =	simm.s32 $0x1  }
0x2: {  	[smem:$0x3F83] =	sst lr;
	_ =	strace $0xD0000000  }
0x3: {  	_ = 	snop  }
0x4: {  	_ = 	snop  }
0x5: {  	_ = 	snop  }
0x6: {  	_ = 	snop  }
0x7: {  	_ = 	snop  }
__scs_overlays_trampoline_lowered:
0x8: {  	[smem:$0x3F92] =	sst s0  }
0x9: {  	[smem:$0x3F93] =	sst s1  }
0xa: {  	[smem:$0x3F94] =	sst s2  }
0xb: {  	[smem:$0x3F95] =	sst s3  }
0xc: {  	[smem:$0x3F96] =	sst s4  }
0xd: {  	[smem:$0x3F97] =	sst s5  }
0xe: {  	[smem:$0x3F98] =	sst s6  }
0xf: {  	[smem:$0x3F99] =	sst s7  }
0x10: {  	[smem:$0x3F9A] =	sst s8  }
0x11: {  	[smem:$0x3F9B] =	sst s9;
	s0 =	simm.s32 @!p0 $0x0  }
0x12: {  	s1 =	sld [smem:$0x3F81];
	s0 =	simm.s32 @p0 $0x1  }
0x13: {  	[smem:$0x3F9C] =	sst s0;
	s0 =	simm.s32 @!p1 $0x0  }
0x14: {  	s2 =	sld [smem:$0x3F80];
	s0 =	simm.s32 @p1 $0x1  }
0x15: {  	[smem:$0x3F9D] =	sst s0;
	s0 =	simm.s32 @!p2 $0x0  }
0x16: {  	s3 =	sld [smem:$0x3FDB];
	s0 =	simm.s32 @p2 $0x1  }
0x17: {  	s4 =	simm.s32 $0x1BF5;
	[smem:$0x3F9F] =	sst s0  }
0x18: {  	s0 =	sld [smem:$0x3F82];
	_ =	swait.ge [sflag:s4], $0x0  }
0x19: {  	s7 =	sld [smem:$0x3F83]  }
0x1a: {  	s8 =	sadd.s32 $0xFFFFE003, lr  }
0x1b: {  	s9 =	sadd.s32 $0xFFFFFEF7, lr;
	s5 =	simm.s32 $0xFFFFFFFF;
	p2 =	slt.u32 s8, $0xFFFFF086  }
0x1c: {  	p1 =	slt.u32 s9, $0xF7A;
	s5 =	simm.s32 @!p2 $0x0  }
0x1d: {  	s5 =	simm.s32 @p1 $0x1;
	p0 =	seq.s32 s7, s2  }
0x1e: {  	s7 =	smul.u32 @!p0 $0xF7A, s2;
	p2 =	seq.s32 @!p0 s5, $0x0  }
0x1f: {  	s9 =	smul.u32 $0xF7A, s1;
	s8 =	simm.s32 @!p0 $0x1BF5;
	p2 =	por !p2, p0  }
0x20: {  	[sflag:s8] =	ssyncset.s32 @!p0 $0xFFFFF086;
	s6 =	sadd.s32 @!p0 s3, s7;
	s7 =	simm.s32 @!p0 $0x108  }
0x21: {  	s3 =	sadd.s32 s3, s9;
	s6 =	sadd.s32 @!p0 $0x88, s6;
	s7 =	simm.s32 @p2 $0x1082  }
0x22: {  	[simem:s7], [sflag:s8] =	dma.local @!p0 [hbm:s6], $0xF7A  }
0x23: {  	s9 =	sor.u32 $0xD0000000, s2;
	s6 =	simm.s32 $0x108;
	_ =	swait.ge @!p0 [sflag:s8], $0x0  }
0x24: {  	s3 =	sadd.s32 $0x88, s3;
	s6 =	simm.s32 @!p1 $0x1082;
	[sflag:s4] =	ssyncset.s32 $0xFFFFF086  }
0x25: {  	[simem:s6], [sflag:s4] =	dma.local [hbm:s3], $0xF7A  }
0x26: {  	[smem:$0x3F83] =	sst s1;
	(tag) =	ssettag s2;
	_ =	strace s9  }
0x27: {  	s1 =	sld [smem:$0x3F93]  }
0x28: {  	s2 =	sld [smem:$0x3F94]  }
0x29: {  	s4 =	sld [smem:$0x3F96]  }
0x2a: {  	p0 =	seq.s32 s5, $0x0;
	s5 =	sld [smem:$0x3F97]  }
0x2b: {  	s6 =	sld [smem:$0x3F98]  }
0x2c: {  	s7 =	sld [smem:$0x3F99]  }
0x2d: {  	s3 =	simm.s32 $0x108;
	s8 =	sld [smem:$0x3F9A]  }
0x2e: {  	s3 =	simm.s32 @!p0 $0x1082;
	s9 =	sld [smem:$0x3F9B]  }
0x2f: {  	lr =	sadd.s32 s0, s3;
	s0 =	sld [smem:$0x3F92]  }
0x30: {  	s3 =	sld [smem:$0x3F95]  }
0x31: {  	[smem:$0x3F9E] =	sst s10  }
0x32: {  	s10 =	sld [smem:$0x3F9C];
	_ =	sdelay $0x3  }
0x33: {  	p0 =	seq.s32 s10, $0x1;
	s10 =	sld [smem:$0x3F9E];
	_ =	sdelay $0x3  }
0x34: {  	[smem:$0x3F9E] =	sst s10  }
0x35: {  	s10 =	sld [smem:$0x3F9D];
	_ =	sdelay $0x3  }
0x36: {  	p1 =	seq.s32 s10, $0x1;
	s10 =	sld [smem:$0x3F9E];
	_ =	sdelay $0x3  }
0x37: {  	[smem:$0x3F9E] =	sst s10  }
0x38: {  	s10 =	sld [smem:$0x3F9F]  }
0x39: {  	_ = 	snop;
	(pc) =	sbr.ind lr, $3  }
0x3a: {  	_ = 	snop  }
0x3b: {  	_ = 	snop  }
0x3c: {  	p2 =	seq.s32 s10, $0x1;
	s10 =	sld [smem:$0x3F9E]  }
0x3d: {  	_ =	shalt  }
0x3e: {  	_ =	shalt  }
0x3f: {  	_ =	shalt  }
0x40: {  	_ =	shalt  }
0x41: {  	_ =	shalt  }
0x42: {  	_ =	shalt  }
0x43: {  	_ =	shalt  }
0x44: {  	_ =	shalt  }
0x45: {  	_ =	shalt  }
0x46: {  	_ =	shalt  }
0x47: {  	_ =	shalt  }
0x48: {  	_ =	shalt  }
0x49: {  	_ =	shalt  }
0x4a: {  	_ =	shalt  }
0x4b: {  	_ =	shalt  }
0x4c: {  	_ =	shalt  }
0x4d: {  	_ =	shalt  }
0x4e: {  	_ =	shalt  }
0x4f: {  	_ =	shalt  }
0x50: {  	_ =	shalt  }
0x51: {  	_ =	shalt  }
0x52: {  	_ =	shalt  }
0x53: {  	_ =	shalt  }
0x54: {  	_ =	shalt  }
0x55: {  	_ =	shalt  }
0x56: {  	_ =	shalt  }
0x57: {  	_ =	shalt  }
0x58: {  	_ =	shalt  }
0x59: {  	_ =	shalt  }
0x5a: {  	_ =	shalt  }
0x5b: {  	_ =	shalt  }
0x5c: {  	_ =	shalt  }
0x5d: {  	_ =	shalt  }
0x5e: {  	_ =	shalt  }
0x5f: {  	_ =	shalt  }
0x60: {  	_ =	shalt  }
0x61: {  	_ =	shalt  }
0x62: {  	_ =	shalt  }
0x63: {  	_ =	shalt  }
0x64: {  	_ =	shalt  }
0x65: {  	_ =	shalt  }
0x66: {  	_ =	shalt  }
0x67: {  	_ =	shalt  }
0x68: {  	_ =	shalt  }
0x69: {  	_ =	shalt  }
0x6a: {  	_ =	shalt  }
0x6b: {  	_ =	shalt  }
0x6c: {  	_ =	shalt  }
0x6d: {  	_ =	shalt  }
0x6e: {  	_ =	shalt  }
0x6f: {  	_ =	shalt  }
0x70: {  	_ =	shalt  }
0x71: {  	_ =	shalt  }
0x72: {  	_ =	shalt  }
0x73: {  	_ =	shalt  }
0x74: {  	_ =	shalt  }
0x75: {  	_ =	shalt  }
0x76: {  	_ =	shalt  }
0x77: {  	_ =	shalt  }
0x78: {  	_ =	shalt  }
0x79: {  	_ =	shalt  }
0x7a: {  	_ =	shalt  }
0x7b: {  	_ =	shalt  }
0x7c: {  	_ =	shalt  }
0x7d: {  	_ =	shalt  }
0x7e: {  	_ =	shalt  }
0x7f: {  	_ =	shalt  }
0x80: {  	_ =	shalt  }
0x81: {  	_ =	shalt  }
0x82: {  	_ =	shalt  }
0x83: {  	_ =	shalt  }
0x84: {  	_ =	shalt  }
0x85: {  	_ =	shalt  }
0x86: {  	_ =	shalt  }
0x87: {  	_ =	shalt  }
.Lfunc_end0:
.L_simem_size_0:
called_computation.1_lowered:
.L_overlay_start_0:
0x88: {  	s2 =	sld [smem:$0x3FD9]  }
0x89: {  	s3 =	sld [smem:$0x3FFE];
	_ =	sdelay $0x1  }
0x8a: {  	s1 =	srdreg.scid  }
0x8b: {  	s0 =	sand.u32 $0x1, s1  }
0x8c: {  	s16 =	sshll.u32 s0, $0xA;
	s2 =	sadd.s32 s3, s2  }
0x8d: {  	s2 =	sadd.s32 s2, s16  }
0x8e: {  	[smem:$0x3FAA] =	sst s2  }
0x8f: {  	_ = 	snop  }
0x90: {  	(tm) =	ssettm $0x1  }
0x91: {  	s17 =	sld [smem:$0x3FFB];
	_ =	sdelay $0x3  }
0x92: {  	_ =	strace s17  }
0x93: {  	s2 =	sld [smem:$0x3FFC];
	_ =	sdelay $0x3  }
0x94: {  	_ =	strace s2  }
0x95: {  	s2 =	sld [smem:$0x3FFD];
	_ =	sdelay $0x3  }
0x96: {  	_ =	strace s2  }
0x97: {  	_ =	strace $0x8FFFFFFF  }
0x98: {  	s18 =	sld [smem:$0x3FDB];
	_ =	sdelay $0x1  }
0x99: {  	s19 =	simm.s32 $_scs_section_size  }
0x9a: {  	s4 =	simm.s32 $_size__tile_overlayer_lowered;
	s5 =	simm.s32 $_tile_overlayer_lowered  }
0x9b: {  	s22 =	simm.s32 $0x1BFF;
	s21 =	sshll.u32 s5, $0x1;
	s2 =	sadd.s32 s19, s18  }
0x9c: {  	s6 =	simm.s32 $0x0;
	s20 =	sshll.u32 s4, $0x1;
	s4 =	sadd.s32 s21, s2  }
0x9d: {  	[timem:s6], [sflag:s22] =	dma.local [hbm:s4], s20  }
0x9e: {  	_ =	swait.ge [sflag:s22], s20  }
0x9f: {  	s3 =	ssub.s32 $0x0, s20;
	[sflag:s22] =	ssyncset.done $0x0  }
0xa0: {  	[sflag:s22] =	ssyncadd.s32 s3;
	_ =	sdelay $0x1  }
0xa1: {  	s23 =	simm.s32 $0x1B8B  }
0xa2: {  	_ =	swait.ge [sflag:s23], $0x1  }
0xa3: {  	[sflag:s23] =	ssyncset.done $0x0  }
0xa4: {  	s25 =	simm.s32 $0x1B8E;
	s24 =	sld [smem:$0x3FFE];
	[sflag:s23] =	ssyncadd.s32 $0xFFFFFFFF  }
0xa5: {  	s26 =	simm.s32 $execute0_lowered;
	[smem:$0x3FD2] =	sst s25  }
0xa6: {  	s4 =	sshll.u32 s26, $0x1;
	_ =	strace $0x80000049;
	[dreg:$0x1] =	wrdreg $0xFFFFFFFF  }
0xa7: {  	s28 =	simm.s32 $_size_execute0_lowered;
	s2 =	sadd.s32 s2, s4;
	[dreg:$0x0] =	wrdreg $0x0  }
0xa8: {  	s4 =	sshll.u32 s28, $0x1;
	[dreg:$0x2] =	wrdreg s2  }
0xa9: {  	[dreg:$0x3] =	wrdreg s4  }
0xaa: {  	[dreg:$0x4] =	wrdreg $0xC0  }
0xab: {  	_ =	task [dreg:s6], $0x5FFFF  }
0xac: {  	[dreg:$0x1] =	wrdreg $0xFFFFFFFF  }
0xad: {  	[dreg:$0x0] =	wrdreg $0x60  }
0xae: {  	[dreg:$0x2] =	wrdreg s24  }
0xaf: {  	[dreg:$0x3] =	wrdreg $0x9  }
0xb0: {  	_ =	task.clear_ibuf [dreg:s6], $0x4FFFF;
	_ =	strace $0x90000049  }
0xb1: {  	s29 =	simm.s32 $0x9;
	_ =	strace $0x8000004B  }
0xb2: {  	_ =	swait.ge [sflag:s29], $0x1  }
0xb3: {  	[sflag:s29] =	ssyncadd.s32 $0xFFFFFFFF  }
0xb4: {  	_ =	strace $0x9000004B  }
0xb5: {  	_ =	sfence  }
0xb6: {  	s30 =	sld [smem:$0x0];
	_ =	sdelay $0x2  }
0xb7: {  	s31 =	sshll.u32 s1, $0xD;
	s1 =	sshrl.u32 s1, $0x2  }
0xb8: {  	s3 =	sand.u32 $0x4000, s31;
	s1 =	sadd.s32 s1, s30  }
0xb9: {  	s0 =	sor.u32 s3, s0;
	s1 =	sshll.u32 s1, $0x11  }
0xba: {  	s0 =	sor.u32 s1, s0  }
0xbb: {  	s0 =	sadd.s32 $0x8F2B, s0  }
0xbc: {  	[sflag:s0] =	ssyncadd.remote.s32 $0x1  }
0xbd: {  	_ =	sfence.sel $0xFFFF  }
0xbe: {  	[dreg:$0x0] =	wrdreg $0xFFFFFFFF;
	(pc) =	sbr.abs _section_cstart, $3  }
0xbf: {  	[dreg:$0x1] =	wrdreg $0xFFFFFFFF  }
0xc0: {  	_ =	task.clear_ibuf [dreg:s6], $0x2FFFF;
	_ =	strace $0x9FFFFFFF  }
0xc1: {  	(tm) =	ssettm $0x7FFFFFFF  }
tec
execute0_lowered:
.L_overlay_start_1:
0x0: {  	(tag) =	ssettag $0x1  }
0x1: {  	s8 =	rddreg [dreg:$0x0]  }
0x2: {  	s0 =	rddreg [dreg:$0x1];
	_ =	strace $0x8000004A;
	s1 =	stileid.u32  }
0x3: {  	s3 =	srdreg.scid;
	s4 =	simm.s32 $0x1;
	s7 =	simm.s32 $0x1  }
0x4: {  	s9 =	simm.s32 $0x1;
	s10 =	simm.s32 $0x3;
	s13 =	simm.s32 $0x0  }
0x5: {  	s12 =	simm.s32 $0x0;
	s5 =	sand.u32 $0x1, s3;
	s6 =	sshll.u32 s1, $0x1  }
0x6: {  	s2 =	sadd.s32 $0xA600, s8;
	s3 =	sadd.s32 $0x14400, s8;
	s5 =	sor.u32 s6, s5  }
.Ltmp0:
0x7: {  	[sflag:s4] =	ssyncpa.u1 $0x0;
	p0 =	slt.u32 s5, $0x9;
	(pc) =	sbr.rel .LBB2_1-.Ltmp0, $4  }
0x8: {  	s6 =	simm.s32 $0x2;
	s7 =	simm.s32 @!p0 $0x0;
	p0 =	sne.s32 s5, $0x8  }
0x9: {  	[sflag:s6] =	ssyncpa.u1 $0x0;
	s5 =	smul.u32 $0x1F40, s5;
	s9 =	simm.s32 @!p0 $0x0  }
0xa: {  	s8 =	sadd.s32 $0x46800, s8;
	[sflag:s10] =	ssyncpa.u1 $0x0;
	s7 =	sadd.s32 s9, s7  }
0xb: {  	vm0 =	vmmov $0xffff;
	s10 =	simm.s32 $0x0;
	s11 =	smov.u32 s5;
	s9 =	sadd.s32 $0x1, s7  }
.LBB2_4:
0xc: {  	v2 =	vnsel vm1, $0x0, v2  }
0xd: {  	vm1 =	vgt.s32 v0, $0x0;
	v2 =	vmin.u32 v2, $0x4E1FF  }
0xe: {  	v0 =	vnsel vm1, $0x0, v0  }
0xf: {  	v0 =	vmin.u32 v0, $0x4E1FF  }
0x10: {  	[tilespmem:s18], [sflag:$0x1] =	stream.indirect_vreg.gather [hbm4b:s2+s10], $0x1, v1, vm0, $0x4038;
	[tilespmem:$0x7D00] =	vst v63  }
0x11: {  	(ifvalue) =	ssetifvalue $0x7FFFFFFF  }
0x12: {  	[tilespmem:s15], [sflag:$0x1] =	stream.indirect_vreg.gather [hbm4b:s2+s10], $0x1, v2, vm0, $0x4038;
	[tilespmem:$0x7D00] =	vst v63  }
0x13: {  	s29 =	sadd.s32 $0x10, s15;
	(ifvalue) =	ssetifvalue $0x7FFFFFFF  }
0x14: {  	[tilespmem:s29], [sflag:$0x1] =	stream.indirect_vreg.gather [hbm4b:s2+s10], $0x1, v0, vm0, $0x4038;
	[tilespmem:$0x7D00] =	vst v63  }
0x15: {  	_ =	swait.ge [sflag:s4], $0x1F40  }
0x16: {  	s30 =	sshrl.u32 s13, $0x3;
	[sflag:s4] =	ssyncset.done $0x0  }
0x17: {  	s31 =	sand.u32 $0x7, s13;
	s15 =	sadd.s32 s8, s30;
	[sflag:s4] =	ssyncadd.s32 $0xFFFFE0C0  }
0x18: {  	[hbm4b:s15+s31] =	stream.linear.scatter [tilespmem:s14], [sflag:$0x3], $0x1F40, $0x38;
	[tilespmem:$0x7D00] =	vst v63  }
.LBB2_5:
0x19: {  	s15 =	sadd.s32 $0x3E800, s11  }
0x1a: {  	p1 =	sgt.s32 s15, $0x4E1FF  }
0x1b: {  	s15 =	smov.u32 @p1 s5;
	p1 =	sne.s32 s12, s9  }
.Ltmp1:
0x1c: {  	p0 =	slt.u32 s12, $0x2;
	(pc) =	sbr.rel @!p1 .LBB2_6-.Ltmp1, $4  }
0x1d: {  	s14 =	simm.s32 @!p0 $0x3  }
0x1e: {  	_ =	swait.ge @!p0 [sflag:s14], $0x1F40  }
0x1f: {  	s16 =	sadd.s32 $0x1, s12;
	s13 =	smov.u32 s11;
	[sflag:s14] =	ssyncset.done @!p0 $0x0  }
0x20: {  	s12 =	smov.u32 s16;
	s11 =	smov.u32 s15;
	[sflag:s14] =	ssyncadd.s32 @!p0 $0xFFFFE0C0  }
.LBB2_1:
0x21: {  	p0 =	sge.u32 s12, s7  }
0x22: {  	s14 =	sxor.u32 @!p0 $0x1, s12  }
0x23: {  	s14 =	smul.u32 @!p0 $0x7D00, s14  }
0x24: {  	s31 =	sadd.s32 $0xFFFFFFFF, s12;
	s15 =	sshrl.u32 @!p0 s11, $0x3  }
0x25: {  	s16 =	sand.u32 @!p0 $0x7, s11;
	s15 =	sadd.s32 @!p0 s3, s15;
	s14 =	sshra.s32 @!p0 s14, $0x2  }
0x26: {  	[tilespmem:s14], [sflag:$0x2] =	stream.linear.gather @!p0 [hbm4b:s15+s16], $0x1F40, $0x38;
	[tilespmem:$0x7D00] =	vst v63  }
0x27: {  	p0 =	sge.u32 s31, s7  }
.Ltmp2:
0x28: {  	_ = 	snop;
	(pc) =	sbr.rel @p0 .LBB2_5-.Ltmp2, $1  }
0x29: {  	_ =	sdelay $0x3  }
0x2a: {  	s14 =	sand.u32 $0x1, s12  }
0x2b: {  	_ =	swait.ge [sflag:s6], $0x1F40;
	p0 =	seq.s32 s14, $0x1;
	s14 =	simm.s32 $0x1F40  }
0x2c: {  	[sflag:s6] =	ssyncset.done $0x0;
	s14 =	simm.s32 @!p0 $0x0  }
0x2d: {  	[sflag:s6] =	ssyncadd.s32 $0xFFFFE0C0;
	(ifvalue) =	ssetifvalue $0x7FFFFFFF;
	v0 =	vld.msk [tilespmem:s14+$0x0 ss:$0x1], $0xffff;
	_ =	sdelay $0x4  }
0x2e: {  	s15 =	sadd.s32 $0x10, s14;
	vm1 =	vgt.s32 v0, $0x0  }
0x2f: {  	v2 =	vld.msk [tilespmem:s15+$0x0 ss:$0x1], $0xffff;
	v1 =	vnsel vm1, $0x0, v0  }
0x30: {  	v1 =	vmin.u32 v1, $0x4E1FF;
	_ =	sdelay $0x2  }
0x31: {  	s17 =	simm.s32 $0x20;
	s14 =	sadd.s32 $0x3E80, s14;
	s16 =	sadd.s32 $0x10, s15  }
0x32: {  	s15 =	sadd.s32 $0x10, s14;
	s18 =	smov.u32 s14;
	v0 =	vld.msk [tilespmem:s16+$0x0 ss:$0x1], $0xffff;
	vm1 =	vgt.s32 v2, $0x0;
	(ifvalue) =	ssetifvalue $0x7FFFFFFF  }
.LBB2_3:
0x33: {  	[tilespmem:s18], [sflag:$0x1] =	stream.indirect_vreg.gather [hbm4b:s2+s10], $0x1, v1, vm0, $0x4038;
	[tilespmem:$0x7D00] =	vst v63  }
0x34: {  	s17 =	sadd.s32 $0x10, s17  }
0x35: {  	v2 =	vnsel vm1, $0x0, v2;
	p0 =	slt.u32 s17, $0x1F30  }
.Ltmp3:
0x36: {  	s18 =	smov.u32 s15;
	v1 =	vmin.u32 v2, $0x4E1FF;
	(pc) =	sbr.rel @p0 .LBB2_3-.Ltmp3, $3  }
0x37: {  	_ =	sdelay $0x1  }
0x38: {  	s16 =	sadd.s32 $0x10, s16  }
0x39: {  	vm1 =	vgt.s32 v0, $0x0;
	s15 =	sadd.s32 $0x10, s15;
	v2 =	vmov v0;
	(ifvalue) =	ssetifvalue $0x7FFFFFFF;
	v0 =	vld.msk [tilespmem:s16+$0x0 ss:$0x1], $0xffff  }
.Ltmp4:
0x3a: {  	_ = 	snop;
	(pc) =	sbr.rel .LBB2_4-.Ltmp4, $1  }
0x3b: {  	_ =	sdelay $0x3  }
.LBB2_6:
0x3c: {  	_ =	sfence.sel $0x180000  }
0x3d: {  	s2 =	simm.s32 $0x2;
	[bflag:$0x0] =	sbarrier.arrive $0xFFFF  }
0x3e: {  	s30 =	simm.s32 $0x3;
	[sflag:s2] =	ssyncpa.u1 $0x1  }
0x3f: {  	s31 =	simm.s32 $0x1;
	[sflag:s30] =	ssyncpa.u1 $0x1  }
0x40: {  	[sflag:s31] =	ssyncpa.u1 $0x1  }
0x41: {  	p0 =	sne.s32 s1, $0x0;
	_ =	strace $0x9000004A  }
0x42: {  	s0 =	sadd.s32 @!p0 $0x100000, s0;
	[bflag:$0x2] =	sbarrier.arrive $0xFFFF  }
0x43: {  	[sflag:s0] =	ssyncadd.tile.s32 @!p0 $0x1;
	_ =	shalt  }
.Lfunc_end2:
_tile_overlayer_lowered:
.L_overlay_start_2:
0x44: {  	(tag) =	ssettag $0x2  }
0x45: {  	s0 =	rddreg [dreg:$0x0];
	s2 =	stileid.u32  }
0x46: {  	s1 =	rddreg [dreg:$0x1];
	p0 =	sne.s32 s2, $0x0  }
0x47: {  	s3 =	rddreg [dreg:$0x2];
	[bflag:$0x3] =	sbarrier.arrive $0xFFFF;
	s2 =	simm.s32 @!p0 $0x1C01  }
0x48: {  	[timem:s3], [sflag:s2] =	dma.local @!p0 [hbm:s0], s1  }
0x49: {  	s0 =	simm.s32 @!p0 $0x1  }
0x4a: {  	_ =	swait.ge @!p0 [sflag:s0], s1  }
0x4b: {  	s1 =	ssub.s32 @!p0 $0x0, s1;
	[sflag:s0] =	ssyncset.done @!p0 $0x0  }
0x4c: {  	[sflag:s0] =	ssyncadd.s32 @!p0 s1  }
0x4d: {  	[bflag:$0x3] =	sbarrier.arrive $0xFFFF  }
0x4e: {  	_ =	shalt  }

// kernel: kernel.7.cloned.1.call-start
scs
__scs_entry_jumppad:
0x0: {  	(pc) =	sbr.rel $0x88, $3  }
0x1: {  	(tag) =	ssettag $0x0;
	lr =	simm.s32 $0x1  }
0x2: {  	[smem:$0x3F83] =	sst lr;
	_ =	strace $0xD0000000  }
0x3: {  	_ = 	snop  }
0x4: {  	_ = 	snop  }
0x5: {  	_ = 	snop  }
0x6: {  	_ = 	snop  }
0x7: {  	_ = 	snop  }
__scs_overlays_trampoline_lowered:
0x8: {  	[smem:$0x3F92] =	sst s0  }
0x9: {  	[smem:$0x3F93] =	sst s1  }
0xa: {  	[smem:$0x3F94] =	sst s2  }
0xb: {  	[smem:$0x3F95] =	sst s3  }
0xc: {  	[smem:$0x3F96] =	sst s4  }
0xd: {  	[smem:$0x3F97] =	sst s5  }
0xe: {  	[smem:$0x3F98] =	sst s6  }
0xf: {  	[smem:$0x3F99] =	sst s7  }
0x10: {  	[smem:$0x3F9A] =	sst s8  }
0x11: {  	[smem:$0x3F9B] =	sst s9;
	s0 =	simm.s32 @!p0 $0x0  }
0x12: {  	s1 =	sld [smem:$0x3F81];
	s0 =	simm.s32 @p0 $0x1  }
0x13: {  	[smem:$0x3F9C] =	sst s0;
	s0 =	simm.s32 @!p1 $0x0  }
0x14: {  	s2 =	sld [smem:$0x3F80];
	s0 =	simm.s32 @p1 $0x1  }
0x15: {  	[smem:$0x3F9D] =	sst s0;
	s0 =	simm.s32 @!p2 $0x0  }
0x16: {  	s3 =	sld [smem:$0x3FDB];
	s0 =	simm.s32 @p2 $0x1  }
0x17: {  	s4 =	simm.s32 $0x1BF5;
	[smem:$0x3F9F] =	sst s0  }
0x18: {  	s0 =	sld [smem:$0x3F82];
	_ =	swait.ge [sflag:s4], $0x0  }
0x19: {  	s7 =	sld [smem:$0x3F83]  }
0x1a: {  	s8 =	sadd.s32 $0xFFFFE003, lr  }
0x1b: {  	s9 =	sadd.s32 $0xFFFFFEF7, lr;
	s5 =	simm.s32 $0xFFFFFFFF;
	p2 =	slt.u32 s8, $0xFFFFF086  }
0x1c: {  	p1 =	slt.u32 s9, $0xF7A;
	s5 =	simm.s32 @!p2 $0x0  }
0x1d: {  	s5 =	simm.s32 @p1 $0x1;
	p0 =	seq.s32 s7, s2  }
0x1e: {  	s7 =	smul.u32 @!p0 $0xF7A, s2;
	p2 =	seq.s32 @!p0 s5, $0x0  }
0x1f: {  	s9 =	smul.u32 $0xF7A, s1;
	s8 =	simm.s32 @!p0 $0x1BF5;
	p2 =	por !p2, p0  }
0x20: {  	[sflag:s8] =	ssyncset.s32 @!p0 $0xFFFFF086;
	s6 =	sadd.s32 @!p0 s3, s7;
	s7 =	simm.s32 @!p0 $0x108  }
0x21: {  	s3 =	sadd.s32 s3, s9;
	s6 =	sadd.s32 @!p0 $0x88, s6;
	s7 =	simm.s32 @p2 $0x1082  }
0x22: {  	[simem:s7], [sflag:s8] =	dma.local @!p0 [hbm:s6], $0xF7A  }
0x23: {  	s9 =	sor.u32 $0xD0000000, s2;
	s6 =	simm.s32 $0x108;
	_ =	swait.ge @!p0 [sflag:s8], $0x0  }
0x24: {  	s3 =	sadd.s32 $0x88, s3;
	s6 =	simm.s32 @!p1 $0x1082;
	[sflag:s4] =	ssyncset.s32 $0xFFFFF086  }
0x25: {  	[simem:s6], [sflag:s4] =	dma.local [hbm:s3], $0xF7A  }
0x26: {  	[smem:$0x3F83] =	sst s1;
	(tag) =	ssettag s2;
	_ =	strace s9  }
0x27: {  	s1 =	sld [smem:$0x3F93]  }
0x28: {  	s2 =	sld [smem:$0x3F94]  }
0x29: {  	s4 =	sld [smem:$0x3F96]  }
0x2a: {  	p0 =	seq.s32 s5, $0x0;
	s5 =	sld [smem:$0x3F97]  }
0x2b: {  	s6 =	sld [smem:$0x3F98]  }
0x2c: {  	s7 =	sld [smem:$0x3F99]  }
0x2d: {  	s3 =	simm.s32 $0x108;
	s8 =	sld [smem:$0x3F9A]  }
0x2e: {  	s3 =	simm.s32 @!p0 $0x1082;
	s9 =	sld [smem:$0x3F9B]  }
0x2f: {  	lr =	sadd.s32 s0, s3;
	s0 =	sld [smem:$0x3F92]  }
0x30: {  	s3 =	sld [smem:$0x3F95]  }
0x31: {  	[smem:$0x3F9E] =	sst s10  }
0x32: {  	s10 =	sld [smem:$0x3F9C];
	_ =	sdelay $0x3  }
0x33: {  	p0 =	seq.s32 s10, $0x1;
	s10 =	sld [smem:$0x3F9E];
	_ =	sdelay $0x3  }
0x34: {  	[smem:$0x3F9E] =	sst s10  }
0x35: {  	s10 =	sld [smem:$0x3F9D];
	_ =	sdelay $0x3  }
0x36: {  	p1 =	seq.s32 s10, $0x1;
	s10 =	sld [smem:$0x3F9E];
	_ =	sdelay $0x3  }
0x37: {  	[smem:$0x3F9E] =	sst s10  }
0x38: {  	s10 =	sld [smem:$0x3F9F]  }
0x39: {  	_ = 	snop;
	(pc) =	sbr.ind lr, $3  }
0x3a: {  	_ = 	snop  }
0x3b: {  	_ = 	snop  }
0x3c: {  	p2 =	seq.s32 s10, $0x1;
	s10 =	sld [smem:$0x3F9E]  }
0x3d: {  	_ =	shalt  }
0x3e: {  	_ =	shalt  }
0x3f: {  	_ =	shalt  }
0x40: {  	_ =	shalt  }
0x41: {  	_ =	shalt  }
0x42: {  	_ =	shalt  }
0x43: {  	_ =	shalt  }
0x44: {  	_ =	shalt  }
0x45: {  	_ =	shalt  }
0x46: {  	_ =	shalt  }
0x47: {  	_ =	shalt  }
0x48: {  	_ =	shalt  }
0x49: {  	_ =	shalt  }
0x4a: {  	_ =	shalt  }
0x4b: {  	_ =	shalt  }
0x4c: {  	_ =	shalt  }
0x4d: {  	_ =	shalt  }
0x4e: {  	_ =	shalt  }
0x4f: {  	_ =	shalt  }
0x50: {  	_ =	shalt  }
0x51: {  	_ =	shalt  }
0x52: {  	_ =	shalt  }
0x53: {  	_ =	shalt  }
0x54: {  	_ =	shalt  }
0x55: {  	_ =	shalt  }
0x56: {  	_ =	shalt  }
0x57: {  	_ =	shalt  }
0x58: {  	_ =	shalt  }
0x59: {  	_ =	shalt  }
0x5a: {  	_ =	shalt  }
0x5b: {  	_ =	shalt  }
0x5c: {  	_ =	shalt  }
0x5d: {  	_ =	shalt  }
0x5e: {  	_ =	shalt  }
0x5f: {  	_ =	shalt  }
0x60: {  	_ =	shalt  }
0x61: {  	_ =	shalt  }
0x62: {  	_ =	shalt  }
0x63: {  	_ =	shalt  }
0x64: {  	_ =	shalt  }
0x65: {  	_ =	shalt  }
0x66: {  	_ =	shalt  }
0x67: {  	_ =	shalt  }
0x68: {  	_ =	shalt  }
0x69: {  	_ =	shalt  }
0x6a: {  	_ =	shalt  }
0x6b: {  	_ =	shalt  }
0x6c: {  	_ =	shalt  }
0x6d: {  	_ =	shalt  }
0x6e: {  	_ =	shalt  }
0x6f: {  	_ =	shalt  }
0x70: {  	_ =	shalt  }
0x71: {  	_ =	shalt  }
0x72: {  	_ =	shalt  }
0x73: {  	_ =	shalt  }
0x74: {  	_ =	shalt  }
0x75: {  	_ =	shalt  }
0x76: {  	_ =	shalt  }
0x77: {  	_ =	shalt  }
0x78: {  	_ =	shalt  }
0x79: {  	_ =	shalt  }
0x7a: {  	_ =	shalt  }
0x7b: {  	_ =	shalt  }
0x7c: {  	_ =	shalt  }
0x7d: {  	_ =	shalt  }
0x7e: {  	_ =	shalt  }
0x7f: {  	_ =	shalt  }
0x80: {  	_ =	shalt  }
0x81: {  	_ =	shalt  }
0x82: {  	_ =	shalt  }
0x83: {  	_ =	shalt  }
0x84: {  	_ =	shalt  }
0x85: {  	_ =	shalt  }
0x86: {  	_ =	shalt  }
0x87: {  	_ =	shalt  }
.Lfunc_end0:
.L_simem_size_0:
called_computation.4_lowered:
.L_overlay_start_0:
0x88: {  	s2 =	sld [smem:$0x3FD9]  }
0x89: {  	s3 =	sld [smem:$0x3FFE];
	_ =	sdelay $0x1  }
0x8a: {  	s1 =	srdreg.scid  }
0x8b: {  	s0 =	sand.u32 $0x1, s1  }
0x8c: {  	s16 =	sshll.u32 s0, $0xA;
	s2 =	sadd.s32 s3, s2  }
0x8d: {  	s2 =	sadd.s32 s2, s16  }
0x8e: {  	[smem:$0x3FAA] =	sst s2  }
0x8f: {  	_ = 	snop  }
0x90: {  	(tm) =	ssettm $0x1  }
0x91: {  	s17 =	sld [smem:$0x3FFB];
	_ =	sdelay $0x3  }
0x92: {  	_ =	strace s17  }
0x93: {  	s2 =	sld [smem:$0x3FFC];
	_ =	sdelay $0x3  }
0x94: {  	_ =	strace s2  }
0x95: {  	s2 =	sld [smem:$0x3FFD];
	_ =	sdelay $0x3  }
0x96: {  	_ =	strace s2  }
0x97: {  	_ =	strace $0x8FFFFFFF  }
0x98: {  	s18 =	sld [smem:$0x3FDB];
	_ =	sdelay $0x1  }
0x99: {  	s19 =	simm.s32 $_scs_section_size  }
0x9a: {  	s4 =	simm.s32 $_size__tile_overlayer_lowered;
	s5 =	simm.s32 $_tile_overlayer_lowered  }
0x9b: {  	s22 =	simm.s32 $0x1BFF;
	s21 =	sshll.u32 s5, $0x1;
	s2 =	sadd.s32 s19, s18  }
0x9c: {  	s6 =	simm.s32 $0x0;
	s20 =	sshll.u32 s4, $0x1;
	s4 =	sadd.s32 s21, s2  }
0x9d: {  	[timem:s6], [sflag:s22] =	dma.local [hbm:s4], s20  }
0x9e: {  	_ =	swait.ge [sflag:s22], s20  }
0x9f: {  	s3 =	ssub.s32 $0x0, s20;
	[sflag:s22] =	ssyncset.done $0x0  }
0xa0: {  	[sflag:s22] =	ssyncadd.s32 s3;
	_ =	sdelay $0x1  }
0xa1: {  	s23 =	simm.s32 $0x1B8B  }
0xa2: {  	_ =	swait.ge [sflag:s23], $0x1  }
0xa3: {  	[sflag:s23] =	ssyncset.done $0x0  }
0xa4: {  	s25 =	simm.s32 $0x1B8E;
	s24 =	sld [smem:$0x3FFE];
	[sflag:s23] =	ssyncadd.s32 $0xFFFFFFFF  }
0xa5: {  	s26 =	simm.s32 $execute0_lowered;
	[smem:$0x3FD2] =	sst s25  }
0xa6: {  	s4 =	sshll.u32 s26, $0x1;
	_ =	strace $0x8000004F;
	[dreg:$0x1] =	wrdreg $0xFFFFFFFF  }
0xa7: {  	s28 =	simm.s32 $_size_execute0_lowered;
	s2 =	sadd.s32 s2, s4;
	[dreg:$0x0] =	wrdreg $0x0  }
0xa8: {  	s4 =	sshll.u32 s28, $0x1;
	[dreg:$0x2] =	wrdreg s2  }
0xa9: {  	[dreg:$0x3] =	wrdreg s4  }
0xaa: {  	[dreg:$0x4] =	wrdreg $0xC0  }
0xab: {  	_ =	task [dreg:s6], $0x5FFFF  }
0xac: {  	[dreg:$0x1] =	wrdreg $0xFFFFFFFF  }
0xad: {  	[dreg:$0x0] =	wrdreg $0x60  }
0xae: {  	[dreg:$0x2] =	wrdreg s24  }
0xaf: {  	[dreg:$0x3] =	wrdreg $0x0  }
0xb0: {  	[dreg:$0x4] =	wrdreg $0x9  }
0xb1: {  	_ =	task.clear_ibuf [dreg:s6], $0x5FFFF;
	_ =	strace $0x9000004F  }
0xb2: {  	s29 =	simm.s32 $0x9;
	_ =	strace $0x80000051  }
0xb3: {  	_ =	swait.ge [sflag:s29], $0x1  }
0xb4: {  	[sflag:s29] =	ssyncadd.s32 $0xFFFFFFFF  }
0xb5: {  	_ =	strace $0x90000051  }
0xb6: {  	_ =	sfence  }
0xb7: {  	s30 =	sld [smem:$0x0];
	_ =	sdelay $0x2  }
0xb8: {  	s31 =	sshll.u32 s1, $0xD;
	s1 =	sshrl.u32 s1, $0x2  }
0xb9: {  	s3 =	sand.u32 $0x4000, s31;
	s1 =	sadd.s32 s1, s30  }
0xba: {  	s0 =	sor.u32 s3, s0;
	s1 =	sshll.u32 s1, $0x11  }
0xbb: {  	s0 =	sor.u32 s1, s0  }
0xbc: {  	s0 =	sadd.s32 $0x8F2B, s0  }
0xbd: {  	[sflag:s0] =	ssyncadd.remote.s32 $0x1  }
0xbe: {  	_ =	sfence.sel $0xFFFF  }
0xbf: {  	[dreg:$0x0] =	wrdreg $0xFFFFFFFF;
	(pc) =	sbr.abs _section_cstart, $3  }
0xc0: {  	[dreg:$0x1] =	wrdreg $0xFFFFFFFF  }
0xc1: {  	_ =	task.clear_ibuf [dreg:s6], $0x2FFFF;
	_ =	strace $0x9FFFFFFF  }
0xc2: {  	(tm) =	ssettm $0x7FFFFFFF  }
0xc3: {  	_ =	shalt  }
tec
execute0_lowered:
.L_overlay_start_1:
0x0: {  	(tag) =	ssettag $0x1  }
0x1: {  	s0 =	rddreg [dreg:$0x0]  }
0x2: {  	s1 =	rddreg [dreg:$0x1]  }
0x3: {  	s2 =	simm.s32 $0x0;
	s3 =	srdreg.scid;
	s14 =	stileid.u32  }
0x4: {  	s18 =	simm.s32 $0x13C80;
	s19 =	simm.s32 $0x1;
	s20 =	simm.s32 $0x80  }
0x5: {  	s21 =	simm.s32 $0x13D00;
	s22 =	simm.s32 $0x3;
	s28 =	simm.s32 $0x6  }
0x6: {  	s29 =	simm.s32 $0x0;
	[smem:$0x7FF] =	sst s2;
	s12 =	sand.u32 $0x1, s3  }
0x7: {  	s23 =	sshll.u32 s14, $0x1;
	s24 =	sadd.s32 $0x59000, s0;
	s15 =	smul.u32 $0x62000, s14  }
0x8: {  	s4 =	sadd.s32 $0x80800, s0;
	s6 =	sadd.s32 $0x8D800, s0;
	s16 =	smul.u32 $0x310000, s14  }
0x9: {  	p0 =	sne.s32 s14, $0x0;
	_ =	strace $0x80000050;
	s30 =	smul.u32 $0x31000, s12  }
0xa: {  	s7 =	sor.u32 s12, s23;
	[dreg:$0x3] =	wrdreg s24;
	s17 =	smul.u32 $0x188000, s12  }
0xb: {  	s25 =	ssub.s32 $0x2, s12;
	s23 =	simm.s32 $0x2;
	s5 =	smul.u32 $0x3400, s7  }
0xc: {  	s24 =	simm.s32 $0x17D00;
	s10 =	smul.u32 $0x188000, s7;
	s8 =	sshrl.u32 s25, $0x1  }
0xd: {  	s11 =	smul.u32 $0x31000, s7;
	s15 =	sadd.s32 s15, s6;
	s0 =	ssub.s32 s25, s8  }
0xe: {  	s31 =	sadd.s32 s17, s16;
	s16 =	sshrl.u32 @!p0 s1, $0x3;
	s17 =	simm.s32 $0x13C00  }
0xf: {  	s25 =	simm.s32 $0x4;
	s9 =	sshrl.u32 s5, $0x3;
	s0 =	smax.u32 s0, $0x1  }
.Ltmp0:
0x10: {  	s11 =	sadd.s32 s11, s6;
	s13 =	sshrl.u32 s10, $0x3;
	(pc) =	sbr.rel .LBB2_1-.Ltmp0, $4  }
0x11: {  	s7 =	sadd.s32 s4, s9;
	[dreg:$0x5] =	wrdreg s0;
	s10 =	sadd.s32 $0x800, s11  }
0x12: {  	s11 =	sadd.s32 s6, s13;
	s0 =	sadd.s32 s30, s15;
	s15 =	sadd.s32 $0x8000, s31  }
0x13: {  	s26 =	sadd.s32 $0x10, s7;
	s12 =	sadd.s32 $0x20, s7;
	s13 =	sadd.s32 $0x30, s7  }
0x14: {  	s0 =	sadd.s32 $0x1800, s0;
	[dreg:$0x4] =	wrdreg s26;
	s26 =	simm.s32 $0x5  }
.LBB2_4:
0x15: {  	_ =	swait.ge [sflag:s26], $0x4000  }
0x16: {  	[sflag:s26] =	ssyncset.done $0x0  }
0x17: {  	[sflag:s26] =	ssyncadd.s32 $0xFFFFC000  }
0x18: {  	_ =	swait.ge [sflag:s28], $0x4000  }
0x19: {  	s29 =	sadd.s32 $0x1, s29;
	s3 =	rddreg [dreg:$0x5]  }
0x1a: {  	p1 =	sne.s32 s29, s3  }
.Ltmp1:
0x1b: {  	_ = 	snop;
	(pc) =	sbr.rel @!p1 .LBB2_5-.Ltmp1, $3  }
0x1c: {  	_ =	sdelay $0x1  }
0x1d: {  	[sflag:s28] =	ssyncset.done $0x0  }
0x1e: {  	[sflag:s28] =	ssyncadd.s32 $0xFFFFC000  }
.LBB2_1:
0x1f: {  	s14 =	simm.s32 @!p0 $0x1C07;
	s3 =	rddreg [dreg:$0x3]  }
0x20: {  	[spmem:s16], [sflag:s14] =	dma.local @!p0 [hbm:s3], $0x27800  }
0x21: {  	s14 =	simm.s32 @!p0 $0x7  }
0x22: {  	_ =	swait.ge @!p0 [sflag:s14], $0x27800  }
0x23: {  	[sflag:s14] =	ssyncset.done @!p0 $0x0  }
0x24: {  	[sflag:s14] =	ssyncadd.s32 @!p0 $0xFFFD8800  }
0x25: {  	[bflag:$0x0] =	sbarrier.arrive $0xFFFF  }
0x26: {  	[tilespmem:s17], [sflag:$0x1] =	stream.linear.gather [hbm4b:s7+s2], $0x80, $0x38;
	[tilespmem:$0x1BD00] =	vst v63  }
0x27: {  	s14 =	rddreg [dreg:$0x4]  }
0x28: {  	[tilespmem:s18], [sflag:$0x2] =	stream.linear.gather [hbm4b:s14+s2], $0x80, $0x38;
	[tilespmem:$0x1BD00] =	vst v63  }
0x29: {  	_ =	swait.ge [sflag:s19], $0x80  }
0x2a: {  	[sflag:s19] =	ssyncset.done $0x0  }
0x2b: {  	[sflag:s19] =	ssyncadd.s32 $0xFFFFFF80  }
0x2c: {  	[tilespmem:s21], [sflag:$0x3] =	stream.indirect.gather [spmem:s1], $0x80, s17, s20, $0xb8;
	[tilespmem:$0x1BD00] =	vst v63  }
0x2d: {  	_ =	swait.ge [sflag:s22], $0x4000  }
0x2e: {  	[sflag:s22] =	ssyncset.done $0x0  }
0x2f: {  	[sflag:s22] =	ssyncadd.s32 $0xFFFFC000  }
0x30: {  	[hbm4b:s11+s2] =	stream.linear.scatter [tilespmem:s21], [sflag:$0x5], $0x4000, $0x38;
	[tilespmem:$0x1BD00] =	vst v63  }
0x31: {  	_ = 	snop  }
0x32: {  	[tilespmem:s17], [sflag:$0x1] =	stream.linear.gather [hbm4b:s12+s2], $0x80, $0x38;
	[tilespmem:$0x1BD00] =	vst v63  }
0x33: {  	_ =	swait.ge [sflag:s23], $0x80  }
0x34: {  	[sflag:s23] =	ssyncset.done $0x0  }
0x35: {  	[sflag:s23] =	ssyncadd.s32 $0xFFFFFF80  }
0x36: {  	[tilespmem:s24], [sflag:$0x4] =	stream.indirect.gather [spmem:s1], $0x80, s18, s20, $0xb8;
	[tilespmem:$0x1BD00] =	vst v63  }
0x37: {  	_ =	swait.ge [sflag:s25], $0x4000  }
0x38: {  	[sflag:s25] =	ssyncset.done $0x0  }
0x39: {  	[sflag:s25] =	ssyncadd.s32 $0xFFFFC000  }
0x3a: {  	[hbm4b:s10+s2] =	stream.linear.scatter [tilespmem:s24], [sflag:$0x6], $0x4000, $0x38;
	[tilespmem:$0x1BD00] =	vst v63  }
0x3b: {  	s30 =	simm.s32 $0x280;
	s31 =	smov.u32 s15;
	s14 =	smov.u32 s0  }
0x3c: {  	[tilespmem:s18], [sflag:$0x2] =	stream.linear.gather [hbm4b:s13+s2], $0x80, $0x38;
	[tilespmem:$0x1BD00] =	vst v63  }
.LBB2_2:
0x3d: {  	_ =	swait.ge [sflag:s19], $0x80  }
0x3e: {  	[sflag:s19] =	ssyncset.done $0x0  }
0x3f: {  	[sflag:s19] =	ssyncadd.s32 $0xFFFFFF80  }
0x40: {  	_ =	swait.ge [sflag:s26], $0x4000  }
0x41: {  	[sflag:s26] =	ssyncset.done $0x0  }
0x42: {  	[sflag:s26] =	ssyncadd.s32 $0xFFFFC000  }
0x43: {  	[tilespmem:s21], [sflag:$0x3] =	stream.indirect.gather [spmem:s1], $0x80, s17, s20, $0xb8;
	[tilespmem:$0x1BD00] =	vst v63  }
0x44: {  	_ =	swait.ge [sflag:s22], $0x4000  }
0x45: {  	s3 =	sshrl.u32 s31, $0x3;
	[sflag:s22] =	ssyncset.done $0x0  }
0x46: {  	p1 =	sne.s32 s30, $0x3180;
	s3 =	sadd.s32 s6, s3;
	[sflag:s22] =	ssyncadd.s32 $0xFFFFC000  }
0x47: {  	[hbm4b:s3+s2] =	stream.linear.scatter [tilespmem:s21], [sflag:$0x5], $0x4000, $0x38;
	[tilespmem:$0x1BD00] =	vst v63  }
0x48: {  	s3 =	sadd.s32 @p1 $0xFFFFFF80, s30  }
0x49: {  	s8 =	sand.u32 @p1 $0x7C00, s3  }
0x4a: {  	s3 =	sand.u32 @p1 $0x300, s3;
	s8 =	sadd.s32 @p1 s5, s8  }
0x4b: {  	s3 =	sor.u32 @p1 s3, s8  }
0x4c: {  	s3 =	sshrl.u32 @p1 s3, $0x3  }
0x4d: {  	s9 =	simm.s32 @p1 $0x13C00;
	s8 =	simm.s32 @p1 $0x0;
	s3 =	sadd.s32 @p1 s4, s3  }
0x4e: {  	[tilespmem:s9], [sflag:$0x1] =	stream.linear.gather @p1 [hbm4b:s3+s8], $0x80, $0x38;
	[tilespmem:$0x1BD00] =	vst v63  }
0x4f: {  	s3 =	simm.s32 @p1 $0x2  }
0x50: {  	_ =	swait.ge @p1 [sflag:s3], $0x80  }
0x51: {  	[sflag:s3] =	ssyncset.done @p1 $0x0  }
0x52: {  	[sflag:s3] =	ssyncadd.s32 @p1 $0xFFFFFF80;
	s3 =	simm.s32 @!p1 $0x2  }
0x53: {  	_ =	swait.ge @!p1 [sflag:s3], $0x80  }
0x54: {  	[sflag:s3] =	ssyncset.done @!p1 $0x0  }
0x55: {  	[sflag:s3] =	ssyncadd.s32 @!p1 $0xFFFFFF80  }
0x56: {  	_ =	swait.ge [sflag:s28], $0x4000  }
0x57: {  	[sflag:s28] =	ssyncset.done $0x0  }
0x58: {  	p1 =	seq.s32 s30, $0x3180;
	[sflag:s28] =	ssyncadd.s32 $0xFFFFC000  }
0x59: {  	[tilespmem:s24], [sflag:$0x4] =	stream.indirect.gather [spmem:s1], $0x80, s18, s20, $0xb8;
	[tilespmem:$0x1BD00] =	vst v63  }
.Ltmp2:
0x5a: {  	_ = 	snop;
	(pc) =	sbr.rel @p1 .LBB2_4-.Ltmp2, $4  }
0x5b: {  	_ =	swait.ge [sflag:s25], $0x4000  }
0x5c: {  	[sflag:s25] =	ssyncset.done $0x0  }
0x5d: {  	[sflag:s25] =	ssyncadd.s32 $0xFFFFC000  }
0x5e: {  	[hbm4b:s14+s2] =	stream.linear.scatter [tilespmem:s24], [sflag:$0x6], $0x4000, $0x38;
	[tilespmem:$0x1BD00] =	vst v63  }
0x5f: {  	s3 =	sand.u32 $0x7C00, s30  }
.Ltmp3:
0x60: {  	s8 =	sand.u32 $0x380, s30;
	s3 =	sadd.s32 s5, s3;
	(pc) =	sbr.rel .LBB2_2-.Ltmp3, $4  }
0x61: {  	s3 =	sor.u32 s8, s3  }
0x62: {  	s14 =	sadd.s32 $0x1000, s14;
	s3 =	sshrl.u32 s3, $0x3  }
0x63: {  	s31 =	sadd.s32 $0x8000, s31;
	s30 =	sadd.s32 $0x100, s30;
	s3 =	sadd.s32 s4, s3  }
0x64: {  	[tilespmem:s18], [sflag:$0x2] =	stream.linear.gather [hbm4b:s3+s2], $0x80, $0x38;
	[tilespmem:$0x1BD00] =	vst v63  }
.LBB2_5:
0x65: {  	_ =	sfence.sel $0x180000  }
0x66: {  	[bflag:$0x0] =	sbarrier.arrive $0xFFFF  }
0x67: {  	_ =	strace $0x90000050  }
0x68: {  	[bflag:$0x2] =	sbarrier.arrive $0xFFFF  }
0x69: {  	s0 =	rddreg [dreg:$0x2]  }
0x6a: {  	s0 =	sadd.s32 @!p0 $0x100000, s0  }
0x6b: {  	[sflag:s0] =	ssyncadd.tile.s32 @!p0 $0x1;
	_ =	shalt  }
.Lfunc_end2:
_tile_overlayer_lowered:
.L_overlay_start_2:
0x6c: {  	(tag) =	ssettag $0x2  }
0x6d: {  	s0 =	rddreg [dreg:$0x0];
	s2 =	stileid.u32  }
0x6e: {  	s1 =	rddreg [dreg:$0x1];
	p0 =	sne.s32 s2, $0x0  }
0x6f: {  	s3 =	rddreg [dreg:$0x2];
	[bflag:$0x3] =	sbarrier.arrive $0xFFFF;
	s2 =	simm.s32 @!p0 $0x1C07  }
0x70: {  	[timem:s3], [sflag:s2] =	dma.local @!p0 [hbm:s0], s1  }
0x71: {  	s0 =	simm.s32 @!p0 $0x7  }
0x72: {  	_ =	swait.ge @!p0 [sflag:s0], s1  }
0x73: {  	s1 =	ssub.s32 @!p0 $0x0, s1;
	[sflag:s0] =	ssyncset.done @!p0 $0x0  }
0x74: {  	[sflag:s0] =	ssyncadd.s32 @!p0 s1  }
0x75: {  	[bflag:$0x3] =	sbarrier.arrive $0xFFFF  }
0x76: {  	_ =	shalt  }

// kernel: scatter_offload_async_start
scs
__scs_entry_jumppad:
0x0: {  	(pc) =	sbr.rel $0x88, $3  }
0x1: {  	(tag) =	ssettag $0x0;
	lr =	simm.s32 $0x1  }
0x2: {  	[smem:$0x3F83] =	sst lr;
	_ =	strace $0xD0000000  }
0x3: {  	_ = 	snop  }
0x4: {  	_ = 	snop  }
0x5: {  	_ = 	snop  }
0x6: {  	_ = 	snop  }
0x7: {  	_ = 	snop  }
__scs_overlays_trampoline_lowered:
0x8: {  	[smem:$0x3F92] =	sst s0  }
0x9: {  	[smem:$0x3F93] =	sst s1  }
0xa: {  	[smem:$0x3F94] =	sst s2  }
0xb: {  	[smem:$0x3F95] =	sst s3  }
0xc: {  	[smem:$0x3F96] =	sst s4  }
0xd: {  	[smem:$0x3F97] =	sst s5  }
0xe: {  	[smem:$0x3F98] =	sst s6  }
0xf: {  	[smem:$0x3F99] =	sst s7  }
0x10: {  	[smem:$0x3F9A] =	sst s8  }
0x11: {  	[smem:$0x3F9B] =	sst s9;
	s0 =	simm.s32 @!p0 $0x0  }
0x12: {  	s1 =	sld [smem:$0x3F81];
	s0 =	simm.s32 @p0 $0x1  }
0x13: {  	[smem:$0x3F9C] =	sst s0;
	s0 =	simm.s32 @!p1 $0x0  }
0x14: {  	s2 =	sld [smem:$0x3F80];
	s0 =	simm.s32 @p1 $0x1  }
0x15: {  	[smem:$0x3F9D] =	sst s0;
	s0 =	simm.s32 @!p2 $0x0  }
0x16: {  	s3 =	sld [smem:$0x3FDB];
	s0 =	simm.s32 @p2 $0x1  }
0x17: {  	s4 =	simm.s32 $0x1BF5;
	[smem:$0x3F9F] =	sst s0  }
0x18: {  	s0 =	sld [smem:$0x3F82];
	_ =	swait.ge [sflag:s4], $0x0  }
0x19: {  	s7 =	sld [smem:$0x3F83]  }
0x1a: {  	s8 =	sadd.s32 $0xFFFFE003, lr  }
0x1b: {  	s9 =	sadd.s32 $0xFFFFFEF7, lr;
	s5 =	simm.s32 $0xFFFFFFFF;
	p2 =	slt.u32 s8, $0xFFFFF086  }
0x1c: {  	p1 =	slt.u32 s9, $0xF7A;
	s5 =	simm.s32 @!p2 $0x0  }
0x1d: {  	s5 =	simm.s32 @p1 $0x1;
	p0 =	seq.s32 s7, s2  }
0x1e: {  	s7 =	smul.u32 @!p0 $0xF7A, s2;
	p2 =	seq.s32 @!p0 s5, $0x0  }
0x1f: {  	s9 =	smul.u32 $0xF7A, s1;
	s8 =	simm.s32 @!p0 $0x1BF5;
	p2 =	por !p2, p0  }
0x20: {  	[sflag:s8] =	ssyncset.s32 @!p0 $0xFFFFF086;
	s6 =	sadd.s32 @!p0 s3, s7;
	s7 =	simm.s32 @!p0 $0x108  }
0x21: {  	s3 =	sadd.s32 s3, s9;
	s6 =	sadd.s32 @!p0 $0x88, s6;
	s7 =	simm.s32 @p2 $0x1082  }
0x22: {  	[simem:s7], [sflag:s8] =	dma.local @!p0 [hbm:s6], $0xF7A  }
0x23: {  	s9 =	sor.u32 $0xD0000000, s2;
	s6 =	simm.s32 $0x108;
	_ =	swait.ge @!p0 [sflag:s8], $0x0  }
0x24: {  	s3 =	sadd.s32 $0x88, s3;
	s6 =	simm.s32 @!p1 $0x1082;
	[sflag:s4] =	ssyncset.s32 $0xFFFFF086  }
0x25: {  	[simem:s6], [sflag:s4] =	dma.local [hbm:s3], $0xF7A  }
0x26: {  	[smem:$0x3F83] =	sst s1;
	(tag) =	ssettag s2;
	_ =	strace s9  }
0x27: {  	s1 =	sld [smem:$0x3F93]  }
0x28: {  	s2 =	sld [smem:$0x3F94]  }
0x29: {  	s4 =	sld [smem:$0x3F96]  }
0x2a: {  	p0 =	seq.s32 s5, $0x0;
	s5 =	sld [smem:$0x3F97]  }
0x2b: {  	s6 =	sld [smem:$0x3F98]  }
0x2c: {  	s7 =	sld [smem:$0x3F99]  }
0x2d: {  	s3 =	simm.s32 $0x108;
	s8 =	sld [smem:$0x3F9A]  }
0x2e: {  	s3 =	simm.s32 @!p0 $0x1082;
	s9 =	sld [smem:$0x3F9B]  }
0x2f: {  	lr =	sadd.s32 s0, s3;
	s0 =	sld [smem:$0x3F92]  }
0x30: {  	s3 =	sld [smem:$0x3F95]  }
0x31: {  	[smem:$0x3F9E] =	sst s10  }
0x32: {  	s10 =	sld [smem:$0x3F9C];
	_ =	sdelay $0x3  }
0x33: {  	p0 =	seq.s32 s10, $0x1;
	s10 =	sld [smem:$0x3F9E];
	_ =	sdelay $0x3  }
0x34: {  	[smem:$0x3F9E] =	sst s10  }
0x35: {  	s10 =	sld [smem:$0x3F9D];
	_ =	sdelay $0x3  }
0x36: {  	p1 =	seq.s32 s10, $0x1;
	s10 =	sld [smem:$0x3F9E];
	_ =	sdelay $0x3  }
0x37: {  	[smem:$0x3F9E] =	sst s10  }
0x38: {  	s10 =	sld [smem:$0x3F9F]  }
0x39: {  	_ = 	snop;
	(pc) =	sbr.ind lr, $3  }
0x3a: {  	_ = 	snop  }
0x3b: {  	_ = 	snop  }
0x3c: {  	p2 =	seq.s32 s10, $0x1;
	s10 =	sld [smem:$0x3F9E]  }
0x3d: {  	_ =	shalt  }
0x3e: {  	_ =	shalt  }
0x3f: {  	_ =	shalt  }
0x40: {  	_ =	shalt  }
0x41: {  	_ =	shalt  }
0x42: {  	_ =	shalt  }
0x43: {  	_ =	shalt  }
0x44: {  	_ =	shalt  }
0x45: {  	_ =	shalt  }
0x46: {  	_ =	shalt  }
0x47: {  	_ =	shalt  }
0x48: {  	_ =	shalt  }
0x49: {  	_ =	shalt  }
0x4a: {  	_ =	shalt  }
0x4b: {  	_ =	shalt  }
0x4c: {  	_ =	shalt  }
0x4d: {  	_ =	shalt  }
0x4e: {  	_ =	shalt  }
0x4f: {  	_ =	shalt  }
0x50: {  	_ =	shalt  }
0x51: {  	_ =	shalt  }
0x52: {  	_ =	shalt  }
0x53: {  	_ =	shalt  }
0x54: {  	_ =	shalt  }
0x55: {  	_ =	shalt  }
0x56: {  	_ =	shalt  }
0x57: {  	_ =	shalt  }
0x58: {  	_ =	shalt  }
0x59: {  	_ =	shalt  }
0x5a: {  	_ =	shalt  }
0x5b: {  	_ =	shalt  }
0x5c: {  	_ =	shalt  }
0x5d: {  	_ =	shalt  }
0x5e: {  	_ =	shalt  }
0x5f: {  	_ =	shalt  }
0x60: {  	_ =	shalt  }
0x61: {  	_ =	shalt  }
0x62: {  	_ =	shalt  }
0x63: {  	_ =	shalt  }
0x64: {  	_ =	shalt  }
0x65: {  	_ =	shalt  }
0x66: {  	_ =	shalt  }
0x67: {  	_ =	shalt  }
0x68: {  	_ =	shalt  }
0x69: {  	_ =	shalt  }
0x6a: {  	_ =	shalt  }
0x6b: {  	_ =	shalt  }
0x6c: {  	_ =	shalt  }
0x6d: {  	_ =	shalt  }
0x6e: {  	_ =	shalt  }
0x6f: {  	_ =	shalt  }
0x70: {  	_ =	shalt  }
0x71: {  	_ =	shalt  }
0x72: {  	_ =	shalt  }
0x73: {  	_ =	shalt  }
0x74: {  	_ =	shalt  }
0x75: {  	_ =	shalt  }
0x76: {  	_ =	shalt  }
0x77: {  	_ =	shalt  }
0x78: {  	_ =	shalt  }
0x79: {  	_ =	shalt  }
0x7a: {  	_ =	shalt  }
0x7b: {  	_ =	shalt  }
0x7c: {  	_ =	shalt  }
0x7d: {  	_ =	shalt  }
0x7e: {  	_ =	shalt  }
0x7f: {  	_ =	shalt  }
0x80: {  	_ =	shalt  }
0x81: {  	_ =	shalt  }
0x82: {  	_ =	shalt  }
0x83: {  	_ =	shalt  }
0x84: {  	_ =	shalt  }
0x85: {  	_ =	shalt  }
0x86: {  	_ =	shalt  }
0x87: {  	_ =	shalt  }
.Lfunc_end0:
.L_simem_size_0:
called_computation_lowered:
.L_overlay_start_0:
0x88: {  	s0 =	sld [smem:$0x3FD9]  }
0x89: {  	s1 =	sld [smem:$0x3FFE];
	_ =	sdelay $0x3  }
0x8a: {  	s0 =	sadd.s32 s1, s0  }
0x8b: {  	[smem:$0x3FAA] =	sst s0  }
0x8c: {  	_ = 	snop  }
0x8d: {  	s0 =	sld [smem:$0x3FD0];
	(tm) =	ssettm $0x1  }
0x8e: {  	s16 =	sld [smem:$0x3FFB];
	_ =	sdelay $0x3  }
0x8f: {  	_ =	strace s16  }
0x90: {  	s1 =	sld [smem:$0x3FFC];
	_ =	sdelay $0x3  }
0x91: {  	_ =	strace s1  }
0x92: {  	s1 =	sld [smem:$0x3FFD];
	_ =	sdelay $0x3  }
0x93: {  	_ =	strace s1  }
0x94: {  	_ =	strace $0x8FFFFFFF  }
0x95: {  	s17 =	sld [smem:$0x3FDB];
	_ =	sdelay $0x1  }
0x96: {  	s2 =	simm.s32 $_scs_section_size  }
0x97: {  	s3 =	simm.s32 $_size__tile_overlayer_lowered;
	s4 =	simm.s32 $_tile_overlayer_lowered  }
0x98: {  	s20 =	simm.s32 $0x1BFF;
	s19 =	sshll.u32 s4, $0x1;
	s1 =	sadd.s32 s2, s17  }
0x99: {  	s5 =	simm.s32 $0x0;
	s18 =	sshll.u32 s3, $0x1;
	s3 =	sadd.s32 s19, s1  }
0x9a: {  	[timem:s5], [sflag:s20] =	dma.local [hbm:s3], s18  }
0x9b: {  	_ =	swait.ge [sflag:s20], s18  }
0x9c: {  	s2 =	ssub.s32 $0x0, s18;
	[sflag:s20] =	ssyncset.done $0x0  }
0x9d: {  	[sflag:s20] =	ssyncadd.s32 s2;
	_ =	sdelay $0x1  }
0x9e: {  	s21 =	simm.s32 $0x1B8B  }
0x9f: {  	_ =	swait.ge [sflag:s21], $0x1  }
0xa0: {  	[sflag:s21] =	ssyncset.done $0x0  }
0xa1: {  	s23 =	simm.s32 $0x1B8E;
	s22 =	sld [smem:$0x3FFE];
	[sflag:s21] =	ssyncadd.s32 $0xFFFFFFFF  }
0xa2: {  	s24 =	simm.s32 $execute0_lowered;
	[smem:$0x3FD2] =	sst s23  }
0xa3: {  	s3 =	sshll.u32 s24, $0x1;
	_ =	strace $0x80000046;
	[dreg:$0x1] =	wrdreg $0xFFFFFFFF  }
0xa4: {  	s25 =	simm.s32 $_size_execute0_lowered;
	s1 =	sadd.s32 s1, s3;
	[dreg:$0x0] =	wrdreg $0x0  }
0xa5: {  	s3 =	sshll.u32 s25, $0x1;
	[dreg:$0x2] =	wrdreg s1  }
0xa6: {  	[dreg:$0x3] =	wrdreg s3  }
0xa7: {  	[dreg:$0x4] =	wrdreg $0xC0  }
0xa8: {  	_ =	task [dreg:s5], $0x5FFFF  }
0xa9: {  	[dreg:$0x1] =	wrdreg $0xFFFFFFFF  }
0xaa: {  	[dreg:$0x0] =	wrdreg $0x60  }
0xab: {  	[dreg:$0x2] =	wrdreg s0  }
0xac: {  	[dreg:$0x3] =	wrdreg s22  }
0xad: {  	[dreg:$0x4] =	wrdreg $0x9  }
0xae: {  	_ =	task.clear_ibuf [dreg:s5], $0x5FFFF;
	_ =	strace $0x90000046  }
0xaf: {  	s26 =	simm.s32 $0x9;
	_ =	strace $0x80000048  }
0xb0: {  	_ =	swait.ge [sflag:s26], $0x1  }
0xb1: {  	[sflag:s26] =	ssyncadd.s32 $0xFFFFFFFF  }
0xb2: {  	_ =	strace $0x90000048  }
0xb3: {  	_ =	sfence  }
0xb4: {  	s28 =	sld [smem:$0x0];
	_ =	sdelay $0x1  }
0xb5: {  	s29 =	srdreg.scid  }
0xb6: {  	s30 =	sshll.u32 s29, $0xD;
	s31 =	sshrl.u32 s29, $0x2  }
0xb7: {  	s2 =	sand.u32 $0x4000, s30;
	s1 =	sand.u32 $0x1, s29;
	s0 =	sadd.s32 s31, s28  }
0xb8: {  	s1 =	sor.u32 s2, s1;
	s0 =	sshll.u32 s0, $0x11  }
0xb9: {  	s0 =	sor.u32 s0, s1  }
0xba: {  	s0 =	sadd.s32 $0x8F2B, s0  }
0xbb: {  	[sflag:s0] =	ssyncadd.remote.s32 $0x1  }
0xbc: {  	_ =	sfence.sel $0xFFFF  }
0xbd: {  	[dreg:$0x0] =	wrdreg $0xFFFFFFFF;
	(pc) =	sbr.abs _section_cstart, $3  }
0xbe: {  	[dreg:$0x1] =	wrdreg $0xFFFFFFFF  }
0xbf: {  	_ =	task.clear_ibuf [dreg:s5], $0x2FFFF;
	_ =	strace $0x9FFFFFFF  }
0xc0: {  	(tm) =	ssettm $0x7FFFFFFF  }
0xc1: {  	_ =	shalt  }
tec
execute0_lowered:
.L_overlay_start_1:
0x0: {  	(tag) =	ssettag $0x1  }
0x1: {  	s1 =	rddreg [dreg:$0x0]  }
0x2: {  	s7 =	rddreg [dreg:$0x1]  }
0x3: {  	s0 =	rddreg [dreg:$0x2]  }
0x4: {  	s3 =	stileid.u32;
	_ =	strace $0x80000047;
	s4 =	simm.s32 $0x3E  }
0x5: {  	p0 =	sne.s32 s3, $0x0;
	[sflag:s4] =	ssyncpa.u1 $0x0;
	s29 =	smin.u32 s3, $0x8  }
0x6: {  	s30 =	sshll.u32 s3, $0x1;
	s2 =	simm.s32 @!p0 $0x1C3E;
	s5 =	simm.s32 @!p0 $0x0  }
0x7: {  	[spmem:s5], [sflag:s2] =	dma.local @!p0 [hbm:s1], $0x500  }
0x8: {  	s2 =	sadd.s32 s29, s30  }
0x9: {  	p1 =	slt.u32 s3, $0x8;
	s3 =	simm.s32 $0x5DC0;
	s2 =	smul.u32 $0x1F40, s2  }
0xa: {  	s3 =	simm.s32 @!p1 $0x3E80  }
0xb: {  	s3 =	sadd.s32 s3, s2  }
0xc: {  	s3 =	smin.u32 s3, $0x4E200  }
0xd: {  	s8 =	ssub.s32 s3, s2  }
0xe: {  	p1 =	sgt.s32 s8, $0x0  }
0xf: {  	s8 =	simm.s32 @!p1 $0x0  }
0x10: {  	s5 =	simm.s32 @!p0 $0x3E;
	s31 =	smulhi.u32 $0x10624DD3, s8  }
0x11: {  	_ =	swait.ge @!p0 [sflag:s5], $0x500  }
0x12: {  	s6 =	simm.s32 $0x2;
	[sflag:s5] =	ssyncset.done @!p0 $0x0;
	s9 =	sshrl.u32 s31, $0x9  }
0x13: {  	s11 =	simm.s32 $0x0;
	[sflag:s5] =	ssyncadd.s32 @!p0 $0xFFFFFB00;
	s10 =	smul.u32 $0x1F40, s9  }
.Ltmp0:
0x14: {  	s5 =	sadd.s32 $0x45400, s7;
	[bflag:$0x0] =	sbarrier.arrive $0xFFFF;
	(pc) =	sbr.rel .LBB2_1-.Ltmp0, $4  }
0x15: {  	s7 =	sadd.s32 $0x4F200, s7;
	[sflag:s4] =	ssyncpa.u1 $0x1;
	s4 =	simm.s32 $0x1  }
0x16: {  	[sflag:s4] =	ssyncpa.u1 $0x0;
	p1 =	sne.s32 s8, s10;
	s8 =	simm.s32 $0x1  }
0x17: {  	(ifvalue) =	ssetifvalue $0x2800;
	[sflag:s6] =	ssyncpa.u1 $0x0;
	s8 =	simm.s32 @!p1 $0x0  }
0x18: {  	vm0 =	vmmov $0xffff;
	s10 =	smov.u32 s2;
	s8 =	sadd.s32 s8, s9;
	s9 =	simm.s32 $0x0  }
.LBB2_5:
0x19: {  	p2 =	sne.s32 s11, s8  }
.Ltmp1:
0x1a: {  	_ = 	snop;
	(pc) =	sbr.rel @!p2 .LBB2_6-.Ltmp1, $4  }
0x1b: {  	_ = 	snop  }
0x1c: {  	s12 =	sadd.s32 $0x1F40, s10  }
0x1d: {  	s10 =	smov.u32 s2;
	s13 =	sadd.s32 $0x1, s11;
	p1 =	slt.s32 s12, s3  }
0x1e: {  	s11 =	smov.u32 s13;
	s10 =	smov.u32 @p1 s12  }
.LBB2_1:
0x1f: {  	p1 =	sge.u32 s11, s8  }
0x20: {  	s12 =	sxor.u32 @!p1 $0xFFFFFFFF, s11  }
0x21: {  	s12 =	sand.u32 @!p1 $0x1, s12  }
0x22: {  	s12 =	smul.u32 @!p1 $0x1F40, s12  }
0x23: {  	s13 =	sshrl.u32 @!p1 s10, $0x3  }
0x24: {  	s16 =	sand.u32 @!p1 $0x7, s10;
	s14 =	sadd.s32 @!p1 s5, s13;
	s15 =	sadd.s32 @!p1 $0x280, s12  }
0x25: {  	[tilespmem:s15], [sflag:$0x2] =	stream.linear.gather @!p1 [hbm4b:s14+s16], $0x1F40, $0x38;
	[tilespmem:$0x7F80] =	vst v63  }
0x26: {  	s13 =	sadd.s32 @!p1 s7, s13;
	s12 =	sadd.s32 @!p1 $0x4100, s12  }
0x27: {  	[tilespmem:s12], [sflag:$0x2] =	stream.linear.gather @!p1 [hbm4b:s13+s16], $0x1F40, $0x38;
	[tilespmem:$0x7F80] =	vst v63  }
0x28: {  	p1 =	seq.s32 s11, $0x0  }
.Ltmp2:
0x29: {  	_ = 	snop;
	(pc) =	sbr.rel @p1 .LBB2_5-.Ltmp2, $1  }
0x2a: {  	_ =	sdelay $0x3  }
0x2b: {  	s12 =	sand.u32 $0x1, s11  }
0x2c: {  	_ =	swait.ge [sflag:s6], $0x3E80;
	p1 =	seq.s32 s12, $0x1;
	s12 =	simm.s32 $0x1F40  }
0x2d: {  	[sflag:s6] =	ssyncset.done $0x0;
	s12 =	simm.s32 @!p1 $0x0  }
0x2e: {  	[sflag:s6] =	ssyncadd.s32 $0xFFFFC180;
	s14 =	sadd.s32 $0x280, s12  }
0x2f: {  	v0 =	vld.msk [tilespmem:s14+$0x0 ss:$0x1], $0xffff;
	_ =	sdelay $0x4  }
0x30: {  	v0 =	vmin.u32 v0, $0x2800;
	_ =	sdelay $0x3  }
0x31: {  	s13 =	simm.s32 $0x0;
	s12 =	sadd.s32 $0x4100, s12;
	s14 =	sadd.s32 $0x10, s14  }
0x32: {  	[spmem:s9] =	stream.indirect_vreg.scatter.add.s32 [tilespmem:s12], [sflag:$0x1], $0x1, v0, vm0, $0x4038;
	[tilespmem:$0x7F80] =	vst v63  }
.LBB2_3:
0x33: {  	v0 =	vld.msk [tilespmem:s14+$0x0 ss:$0x1], $0xffff;
	s13 =	sadd.s32 $0x10, s13  }
0x34: {  	p1 =	slt.u32 s13, $0x1F30;
	_ =	sdelay $0x4  }
0x35: {  	v0 =	vmin.u32 v0, $0x2800  }
.Ltmp3:
0x36: {  	(pc) =	sbr.rel @p1 .LBB2_3-.Ltmp3, $3  }
0x37: {  	_ =	sdelay $0x1  }
0x38: {  	s14 =	sadd.s32 $0x10, s14;
	s12 =	sadd.s32 $0x10, s12  }
0x39: {  	[spmem:s9] =	stream.indirect_vreg.scatter.add.s32 [tilespmem:s12], [sflag:$0x1], $0x1, v0, vm0, $0x4038;
	[tilespmem:$0x7F80] =	vst v63  }
.Ltmp4:
0x3a: {  	(pc) =	sbr.rel .LBB2_5-.Ltmp4, $4  }
0x3b: {  	_ = 	snop  }
0x3c: {  	_ =	swait.ge [sflag:s4], $0x1F40  }
0x3d: {  	[sflag:s4] =	ssyncset.done $0x0  }
0x3e: {  	[sflag:s4] =	ssyncadd.s32 $0xFFFFE0C0  }
.LBB2_6:
0x3f: {  	_ =	sfence.sel $0x180000  }
0x40: {  	s2 =	simm.s32 $0x2;
	[bflag:$0x0] =	sbarrier.arrive $0xFFFF  }
0x41: {  	s30 =	simm.s32 $0x1;
	[sflag:s2] =	ssyncpa.u1 $0x1  }
0x42: {  	[sflag:s30] =	ssyncpa.u1 $0x1  }
0x43: {  	_ =	sfence.stream.spmem  }
0x44: {  	s31 =	simm.s32 $0x3D;
	[bflag:$0x0] =	sbarrier.arrive $0xFFFF  }
0x45: {  	s2 =	simm.s32 @p0 $0x3D;
	[sflag:s31] =	ssyncpa.u1 $0x0  }
0x46: {  	[sflag:s2] =	ssyncpa.u1 @p0 $0x1  }
0x47: {  	[bflag:$0x0] =	sbarrier.arrive @p0 $0xFFFF  }
0x48: {  	_ =	strace @p0 $0x90000047  }
0x49: {  	s3 =	simm.s32 @!p0 $0x1C3D;
	s2 =	simm.s32 @!p0 $0x0;
	[bflag:$0x2] =	sbarrier.arrive @p0 $0xFFFF  }
0x4a: {  	[hbm:s1], [sflag:s3] =	dma.local @!p0 [spmem:s2], $0x500  }
0x4b: {  	s1 =	simm.s32 @!p0 $0x3D  }
0x4c: {  	_ =	swait.ge @!p0 [sflag:s1], $0x500  }
0x4d: {  	[sflag:s1] =	ssyncset.done @!p0 $0x0  }
0x4e: {  	[sflag:s1] =	ssyncadd.s32 @!p0 $0xFFFFFB00  }
0x4f: {  	[sflag:s1] =	ssyncpa.u1 @!p0 $0x1  }
0x50: {  	[bflag:$0x0] =	sbarrier.arrive @!p0 $0xFFFF  }
0x51: {  	_ =	strace @!p0 $0x90000047  }
0x52: {  	s0 =	sadd.s32 @!p0 $0x100000, s0;
	[bflag:$0x2] =	sbarrier.arrive @!p0 $0xFFFF  }
0x53: {  	[sflag:s0] =	ssyncadd.tile.s32 @!p0 $0x1;
	_ =	shalt  }
.Lfunc_end2:
_tile_overlayer_lowered:
.L_overlay_start_2:
0x54: {  	(tag) =	ssettag $0x2  }
0x55: {  	s0 =	rddreg [dreg:$0x0];
	s2 =	stileid.u32  }
0x56: {  	s1 =	rddreg [dreg:$0x1];
	p0 =	sne.s32 s2, $0x0  }
0x57: {  	s3 =	rddreg [dreg:$0x2];
	[bflag:$0x3] =	sbarrier.arrive $0xFFFF;
	s2 =	simm.s32 @!p0 $0x1C01  }
0x58: {  	[timem:s3], [sflag:s2] =	dma.local @!p0 [hbm:s0], s1  }
0x59: {  	s0 =	simm.s32 @!p0 $0x1  }
0x5a: {  	_ =	swait.ge @!p0 [sflag:s0], s1  }
0x5b: {  	s1 =	ssub.s32 @!p0 $0x0, s1;
	[sflag:s0] =	ssyncset.done @!p0 $0x0  }
0x5c: {  	[sflag:s0] =	ssyncadd.s32 @!p0 s1  }
0x5d: {  	[bflag:$0x3] =	sbarrier.arrive $0xFFFF  }
0x5e: {  	_ =	shalt  }

</sc_bundles>
